<compile_context>
chip_gen: v7x
topology: tpu7x:2x2x1
jax: 0.10.2.dev20260603
libtpu: 0.0.44.dev20260713+nightly
codegen_flags: <defaults>
</compile_context>

<pallas_src>
import functools

import jax
import jax.numpy as jnp
from jax import lax
from jax.experimental import pallas as pl
from jax.experimental.pallas import tpu as pltpu
from jax.experimental.pallas import tpu_sc as plsc

_NUM_CLASSES = 1000
_DIM = 999
_DIM_PAD = 1024
_BATCH = 16384

_NC = 2
_NS = 16
_NW = _NC * _NS
_B_PER_W = _BATCH // _NW
_CHUNK = 16
_NCHUNK = _B_PER_W // _CHUNK
_NVEC = 62
_TAIL = _DIM - 16


def _gather_body(y_hbm, cb_hbm, out_hbm, idx_v, bufp, bufd, gsem, wsem):
    wid = lax.axis_index("s") * _NC + lax.axis_index("c")
    base = wid * _B_PER_W
    pltpu.sync_copy(y_hbm.at[pl.ds(wid * _NCHUNK, _NCHUNK)], idx_v)

    def start_gather(c, s):
        pltpu.async_copy(cb_hbm.at[idx_v.at[c]], bufp.at[s], gsem.at[s])

    def compact(s):
        @plsc.parallel_loop(0, _CHUNK, unroll=1)
        def compact_row(r):
            for k in range(_NVEC):
                bufd[s, r, pl.ds(16 * k, 16)] = bufp[s, r, pl.ds(16 * k, 16)]
            bufd[s, r, pl.ds(_TAIL, 16)] = bufp[s, r, pl.ds(_TAIL, 16)]

    start_gather(0, 0)
    start_gather(1, 1)

    def chunk_pair(i, carry):
        for b in range(2):
            c = 2 * i + b
            pltpu.make_async_copy(
                cb_hbm.at[idx_v.at[c]], bufp.at[b], gsem.at[b]
            ).wait()

            @pl.when(i > 0)
            def _wait_prev_writeback():
                pltpu.make_async_copy(
                    bufd.at[b], out_hbm.at[pl.ds(base, _CHUNK)], wsem.at[b]
                ).wait()

            compact(b)
            pltpu.async_copy(
                bufd.at[b],
                out_hbm.at[pl.ds(base + c * _CHUNK, _CHUNK)],
                wsem.at[b],
            )

            @pl.when(i < _NCHUNK // 2 - 1)
            def _start_next_gather():
                start_gather(c + 2, b)

        return carry

    lax.fori_loop(0, _NCHUNK // 2, chunk_pair, 0)
    for b in range(2):
        pltpu.make_async_copy(
            bufd.at[b], out_hbm.at[pl.ds(base, _CHUNK)], wsem.at[b]
        ).wait()


@jax.jit
def _lookup(y, codebook):
    mesh = plsc.VectorSubcoreMesh(core_axis_name="c", subcore_axis_name="s")
    return pl.kernel(
        _gather_body,
        out_type=jax.ShapeDtypeStruct((_BATCH, _DIM), jnp.float32),
        mesh=mesh,
        scratch_types=[
            pltpu.VMEM((_NCHUNK, _CHUNK), jnp.int32),
            pltpu.VMEM((2, _CHUNK, _DIM_PAD), jnp.float32),
            pltpu.VMEM((2, _CHUNK, _DIM), jnp.float32),
            pltpu.SemaphoreType.DMA((2,)),
            pltpu.SemaphoreType.DMA((2,)),
        ],
        compiler_params=pltpu.CompilerParams(use_tc_tiling_on_sc=True),
    )(y, codebook)


def kernel(y, codebook):
    y2 = y.astype(jnp.int32).reshape(_NW * _NCHUNK, _CHUNK)
    cb = jnp.pad(codebook, ((0, 0), (0, _DIM_PAD - _DIM)))
    return _lookup(y2, cb)

# --- scband reference (transcript-rebuilt; emitter-appended) ---
"""Pipeline reference for scband-kasarla-code-45938970198480 (READ-ONLY COPY).

The authoritative reference and input builder live on the scoring server;
editing this copy changes nothing except your own understanding.
"""

import jax, jax.numpy as jnp
import numpy as np


def make_kasarla_codebook(num_classes):
    # Iterative (non-recursive) construction of Kasarla et al.'s V matrix.
    # V(1) = [[1, -1]]; V(k) = [[e1 | [ -1/k * ones ; sqrt(1-1/k^2) * V(k-1) ]]]
    V = np.array([[1.0, -1.0]])
    for order in range(2, num_classes):
        col1 = np.zeros((order, 1))
        col1[0] = 1.0
        row1 = -1.0 / order * np.ones((1, order))
        V = np.concatenate((col1, np.concatenate((row1, np.sqrt(1.0 - 1.0 / order ** 2) * V), axis=0)), axis=1)
    # V has shape (num_classes-1, num_classes); prototypes are its transpose
    return V.T.astype(np.float32)


def setup_inputs(seed: int = 0) -> dict:
    key = jax.random.key(seed)
    num_classes = 1000
    batch = 16384
    y = jax.random.randint(jax.random.fold_in(key, 0), (batch,), 0, num_classes, dtype=jnp.int64 if jax.config.jax_enable_x64 else jnp.int32)
    codebook = jnp.asarray(make_kasarla_codebook(num_classes))  # [1000, 999]
    return {"y": y, "codebook": codebook}


def reference(y, codebook):
    # forward: return self.codebook[y]
    return jnp.take(codebook, y, axis=0)

if __name__ == "__main__":
    import jax
    _d = setup_inputs()
    print(jax.jit(kernel)(*tuple(_d.values())))

</pallas_src>

<mosaic_0001>
#map = affine_map<(d0, d1) -> (0, 0)>
module attributes {stable_mosaic.version = 14 : i64} {
  func.func @_gather_body(%arg0: i32, %arg1: i32, %arg2: memref<1024x16xi32, #tpu.memory_space<hbm>>, %arg3: memref<1000x1024xf32, #tpu.memory_space<hbm>>, %arg4: memref<16384x999xf32, #tpu.memory_space<hbm>>, %arg5: memref<32x16xi32, #tpu.memory_space<vmem>>, %arg6: memref<2x16x1024xf32, #tpu.memory_space<vmem>>, %arg7: memref<2x16x999xf32, #tpu.memory_space<vmem>>, %arg8: memref<2x!tpu.dma_semaphore, #tpu.memory_space<semaphore_mem>>, %arg9: memref<2x!tpu.dma_semaphore, #tpu.memory_space<semaphore_mem>>) attributes {dimension_semantics = [#tpu.dimension_semantics<core_parallel>, #tpu.dimension_semantics<subcore_parallel>], iteration_bounds = array<i64: 2, 16>, scalar_prefetch = 0 : i64, scratch_operands = 5 : i64, tpu.core_type = #tpu.core_type<sc_vector_subcore>, window_params = [{transform_indices = #map}, {transform_indices = #map}, {transform_indices = #map}]} {
    %mul3A = arith.constant 2 : i32
    %mul3A_0 = arith.muli %arg1, %mul3A : i32
    %add3A = arith.addi %mul3A_0, %arg0 : i32
    %mul3A_1 = arith.constant 512 : i32
    %mul3A_2 = arith.muli %add3A, %mul3A_1 : i32
    %mul3A_3 = arith.constant 32 : i32
    %mul3A_4 = arith.muli %add3A, %mul3A_3 : i32
    "tpu.region"() ({
      %run_scoped3A = tpu.sem_alloc : memref<!tpu.dma_semaphore, #tpu.memory_space<semaphore_mem>>
      %dma_start3A_70 = arith.constant 0 : i32
      %dma_start3A_71 = tpu.memref_slice %arg2[%mul3A_4, %dma_start3A_70] : memref<1024x16xi32, #tpu.memory_space<hbm>> -> memref<32x16xi32, #tpu.memory_space<hbm>>
      %dma_start3A_72 = arith.constant 0 : i32
      %dma_start3A_73 = tpu.memref_slice %arg2[%mul3A_4, %dma_start3A_72] : memref<1024x16xi32, #tpu.memory_space<hbm>> -> memref<32x16xi32, #tpu.memory_space<hbm>>
      tpu.enqueue_dma source(%dma_start3A_73 : memref<32x16xi32, #tpu.memory_space<hbm>>) target(%arg5 : memref<32x16xi32, #tpu.memory_space<vmem>>) target_semaphore(%run_scoped3A : memref<!tpu.dma_semaphore, #tpu.memory_space<semaphore_mem>>)
      %dma_wait3A_74 = arith.constant 0 : i32
      %dma_wait3A_75 = tpu.memref_slice %arg2[%mul3A_4, %dma_wait3A_74] : memref<1024x16xi32, #tpu.memory_space<hbm>> -> memref<32x16xi32, #tpu.memory_space<hbm>>
      %dma_wait3A_76 = arith.constant 0 : i32
      %dma_wait3A_77 = tpu.memref_slice %arg2[%mul3A_4, %dma_wait3A_76] : memref<1024x16xi32, #tpu.memory_space<hbm>> -> memref<32x16xi32, #tpu.memory_space<hbm>>
      tpu.wait_dma2 semaphore(%run_scoped3A : memref<!tpu.dma_semaphore, #tpu.memory_space<semaphore_mem>>) src(%dma_wait3A_77 : memref<32x16xi32, #tpu.memory_space<hbm>>) dst(%arg5 : memref<32x16xi32, #tpu.memory_space<vmem>>)
      tpu.yield
    }) : () -> ()
    %dma_start3A = arith.constant 0 : i32
    %dma_start3A_5 = arith.constant 0 : i32
    %dma_start3A_6 = arith.constant 0 : i32
    %dma_start3A_7 = arith.constant 0 : i32
    %dma_start3A_8 = arith.constant 0 : i32
    %dma_start3A_9 = tpu.memref_slice %arg6[%dma_start3A_5, %dma_start3A_7, %dma_start3A_8] : memref<2x16x1024xf32, #tpu.memory_space<vmem>> -> memref<1x16x1024xf32, #tpu.memory_space<vmem>>
    %dma_start3A_10 = tpu.memref_squeeze %dma_start3A_9 : memref<1x16x1024xf32, #tpu.memory_space<vmem>> -> memref<16x1024xf32, #tpu.memory_space<vmem>>
    %dma_start3A_11 = arith.constant 0 : i32
    %dma_start3A_12 = tpu.memref_slice %arg5[%dma_start3A, %dma_start3A_11] : memref<32x16xi32, #tpu.memory_space<vmem>> -> memref<1x16xi32, #tpu.memory_space<vmem>>
    %dma_start3A_13 = tpu.memref_squeeze %dma_start3A_12 : memref<1x16xi32, #tpu.memory_space<vmem>> -> memref<16xi32, #tpu.memory_space<vmem>>
    %dma_start3A_14 = arith.constant 0 : i32
    %dma_start3A_15 = arith.constant 0 : i32
    %dma_start3A_16 = tpu.memref_slice %arg3[%dma_start3A_14, %dma_start3A_15] : memref<1000x1024xf32, #tpu.memory_space<hbm>> -> memref<1000x1024xf32, #tpu.memory_space<hbm>>
    %dma_start3A_17 = tpu.memref_slice %arg8[%dma_start3A_6] : memref<2x!tpu.dma_semaphore, #tpu.memory_space<semaphore_mem>> -> memref<1x!tpu.dma_semaphore, #tpu.memory_space<semaphore_mem>>
    %dma_start3A_18 = tpu.memref_squeeze %dma_start3A_17 : memref<1x!tpu.dma_semaphore, #tpu.memory_space<semaphore_mem>> -> memref<!tpu.dma_semaphore, #tpu.memory_space<semaphore_mem>>
    tpu.enqueue_indirect_dma source(%dma_start3A_16 : memref<1000x1024xf32, #tpu.memory_space<hbm>>) target(%dma_start3A_10 : memref<16x1024xf32, #tpu.memory_space<vmem>>) offsets(%dma_start3A_13 : memref<16xi32, #tpu.memory_space<vmem>>) semaphore(%dma_start3A_18 : memref<!tpu.dma_semaphore, #tpu.memory_space<semaphore_mem>>)
    %dma_start3A_19 = arith.constant 1 : i32
    %dma_start3A_20 = arith.constant 1 : i32
    %dma_start3A_21 = arith.constant 1 : i32
    %dma_start3A_22 = arith.constant 0 : i32
    %dma_start3A_23 = arith.constant 0 : i32
    %dma_start3A_24 = tpu.memref_slice %arg6[%dma_start3A_20, %dma_start3A_22, %dma_start3A_23] : memref<2x16x1024xf32, #tpu.memory_space<vmem>> -> memref<1x16x1024xf32, #tpu.memory_space<vmem>>
    %dma_start3A_25 = tpu.memref_squeeze %dma_start3A_24 : memref<1x16x1024xf32, #tpu.memory_space<vmem>> -> memref<16x1024xf32, #tpu.memory_space<vmem>>
    %dma_start3A_26 = arith.constant 0 : i32
    %dma_start3A_27 = tpu.memref_slice %arg5[%dma_start3A_19, %dma_start3A_26] : memref<32x16xi32, #tpu.memory_space<vmem>> -> memref<1x16xi32, #tpu.memory_space<vmem>>
    %dma_start3A_28 = tpu.memref_squeeze %dma_start3A_27 : memref<1x16xi32, #tpu.memory_space<vmem>> -> memref<16xi32, #tpu.memory_space<vmem>>
    %dma_start3A_29 = arith.constant 0 : i32
    %dma_start3A_30 = arith.constant 0 : i32
    %dma_start3A_31 = tpu.memref_slice %arg3[%dma_start3A_29, %dma_start3A_30] : memref<1000x1024xf32, #tpu.memory_space<hbm>> -> memref<1000x1024xf32, #tpu.memory_space<hbm>>
    %dma_start3A_32 = tpu.memref_slice %arg8[%dma_start3A_21] : memref<2x!tpu.dma_semaphore, #tpu.memory_space<semaphore_mem>> -> memref<1x!tpu.dma_semaphore, #tpu.memory_space<semaphore_mem>>
    %dma_start3A_33 = tpu.memref_squeeze %dma_start3A_32 : memref<1x!tpu.dma_semaphore, #tpu.memory_space<semaphore_mem>> -> memref<!tpu.dma_semaphore, #tpu.memory_space<semaphore_mem>>
    tpu.enqueue_indirect_dma source(%dma_start3A_31 : memref<1000x1024xf32, #tpu.memory_space<hbm>>) target(%dma_start3A_25 : memref<16x1024xf32, #tpu.memory_space<vmem>>) offsets(%dma_start3A_28 : memref<16xi32, #tpu.memory_space<vmem>>) semaphore(%dma_start3A_33 : memref<!tpu.dma_semaphore, #tpu.memory_space<semaphore_mem>>)
    %scan3A = arith.constant 0 : i32
    %scan3A_34 = arith.constant 0 : i32
    %scan3A_35 = arith.constant 16 : i32
    %scan3A_36 = arith.addi %scan3A_34, %scan3A_35 : i32
    %scan3A_37 = arith.constant 1 : i32
    scf.for %scan3A_70 = %scan3A_34 to %scan3A_36 step %scan3A_37  : i32 {
      %mul3A_71 = arith.constant 2 : i32
      %mul3A_72 = arith.muli %mul3A_71, %scan3A_70 : i32
      %add3A_73 = arith.constant 0 : i32
      %add3A_74 = arith.addi %mul3A_72, %add3A_73 : i32
      %dma_wait3A_75 = arith.constant 0 : i32
      %dma_wait3A_76 = arith.constant 0 : i32
      %dma_wait3A_77 = arith.constant 0 : i32
      %dma_wait3A_78 = arith.constant 0 : i32
      %dma_wait3A_79 = tpu.memref_slice %arg6[%dma_wait3A_75, %dma_wait3A_77, %dma_wait3A_78] : memref<2x16x1024xf32, #tpu.memory_space<vmem>> -> memref<1x16x1024xf32, #tpu.memory_space<vmem>>
      %dma_wait3A_80 = tpu.memref_squeeze %dma_wait3A_79 : memref<1x16x1024xf32, #tpu.memory_space<vmem>> -> memref<16x1024xf32, #tpu.memory_space<vmem>>
      %dma_wait3A_81 = arith.constant 0 : i32
      %dma_wait3A_82 = tpu.memref_slice %arg5[%add3A_74, %dma_wait3A_81] : memref<32x16xi32, #tpu.memory_space<vmem>> -> memref<1x16xi32, #tpu.memory_space<vmem>>
      %dma_wait3A_83 = tpu.memref_squeeze %dma_wait3A_82 : memref<1x16xi32, #tpu.memory_space<vmem>> -> memref<16xi32, #tpu.memory_space<vmem>>
      %dma_wait3A_84 = arith.constant 0 : i32
      %dma_wait3A_85 = arith.constant 0 : i32
      %dma_wait3A_86 = tpu.memref_slice %arg3[%dma_wait3A_84, %dma_wait3A_85] : memref<1000x1024xf32, #tpu.memory_space<hbm>> -> memref<1000x1024xf32, #tpu.memory_space<hbm>>
      %dma_wait3A_87 = tpu.memref_slice %arg8[%dma_wait3A_76] : memref<2x!tpu.dma_semaphore, #tpu.memory_space<semaphore_mem>> -> memref<1x!tpu.dma_semaphore, #tpu.memory_space<semaphore_mem>>
      %dma_wait3A_88 = tpu.memref_squeeze %dma_wait3A_87 : memref<1x!tpu.dma_semaphore, #tpu.memory_space<semaphore_mem>> -> memref<!tpu.dma_semaphore, #tpu.memory_space<semaphore_mem>>
      tpu.wait_indirect_dma semaphore(%dma_wait3A_88 : memref<!tpu.dma_semaphore, #tpu.memory_space<semaphore_mem>>) src(%dma_wait3A_86 : memref<1000x1024xf32, #tpu.memory_space<hbm>>) dst(%dma_wait3A_80 : memref<16x1024xf32, #tpu.memory_space<vmem>>)
      %gt3A = arith.constant 0 : i32
      %gt3A_89 = arith.cmpi sgt, %scan3A_70, %gt3A : i32
      %convert_element_type3A = arith.extui %gt3A_89 : i1 to i32
      %cond3A = arith.constant 0 : i32
      %cond3A_90 = arith.cmpi ne, %convert_element_type3A, %cond3A : i32
      scf.if %cond3A_90 {
        %dma_wait3A_166 = arith.constant 0 : i32
        %dma_wait3A_167 = arith.constant 0 : i32
        %dma_wait3A_168 = arith.constant 0 : i32
        %dma_wait3A_169 = arith.constant 0 : i32
        %dma_wait3A_170 = tpu.memref_slice %arg7[%dma_wait3A_166, %dma_wait3A_168, %dma_wait3A_169] : memref<2x16x999xf32, #tpu.memory_space<vmem>> -> memref<1x16x999xf32, #tpu.memory_space<vmem>>
        %dma_wait3A_171 = tpu.memref_squeeze %dma_wait3A_170 : memref<1x16x999xf32, #tpu.memory_space<vmem>> -> memref<16x999xf32, #tpu.memory_space<vmem>>
        %dma_wait3A_172 = arith.constant 0 : i32
        %dma_wait3A_173 = tpu.memref_slice %arg4[%mul3A_2, %dma_wait3A_172] : memref<16384x999xf32, #tpu.memory_space<hbm>> -> memref<16x999xf32, #tpu.memory_space<hbm>>
        %dma_wait3A_174 = tpu.memref_slice %arg9[%dma_wait3A_167] : memref<2x!tpu.dma_semaphore, #tpu.memory_space<semaphore_mem>> -> memref<1x!tpu.dma_semaphore, #tpu.memory_space<semaphore_mem>>
        %dma_wait3A_175 = tpu.memref_squeeze %dma_wait3A_174 : memref<1x!tpu.dma_semaphore, #tpu.memory_space<semaphore_mem>> -> memref<!tpu.dma_semaphore, #tpu.memory_space<semaphore_mem>>
        %dma_wait3A_176 = arith.constant 0 : i32
        %dma_wait3A_177 = tpu.memref_slice %arg4[%mul3A_2, %dma_wait3A_176] : memref<16384x999xf32, #tpu.memory_space<hbm>> -> memref<16x999xf32, #tpu.memory_space<hbm>>
        %dma_wait3A_178 = arith.constant 0 : i32
        %dma_wait3A_179 = arith.constant 0 : i32
        %dma_wait3A_180 = tpu.memref_slice %arg7[%dma_wait3A_166, %dma_wait3A_178, %dma_wait3A_179] : memref<2x16x999xf32, #tpu.memory_space<vmem>> -> memref<1x16x999xf32, #tpu.memory_space<vmem>>
        %dma_wait3A_181 = tpu.memref_squeeze %dma_wait3A_180 : memref<1x16x999xf32, #tpu.memory_space<vmem>> -> memref<16x999xf32, #tpu.memory_space<vmem>>
        tpu.wait_dma2 semaphore(%dma_wait3A_175 : memref<!tpu.dma_semaphore, #tpu.memory_space<semaphore_mem>>) src(%dma_wait3A_181 : memref<16x999xf32, #tpu.memory_space<vmem>>) dst(%dma_wait3A_177 : memref<16x999xf32, #tpu.memory_space<hbm>>)
      } else {
      }
      %parallel_loop3A = arith.constant 0 : i32
      %parallel_loop3A_91 = arith.constant 16 : i32
      %parallel_loop3A_92 = arith.constant 1 : i32
      scf.for %parallel_loop3A_166 = %parallel_loop3A to %parallel_loop3A_91 step %parallel_loop3A_92  : i32 {
        %parallel_loop3A_167 = arith.constant 0 : i32
        %parallel_loop3A_168 = arith.index_cast %parallel_loop3A_167 : i32 to index
        %parallel_loop3A_169 = arith.index_cast %parallel_loop3A_166 : i32 to index
        %parallel_loop3A_170 = arith.constant 0 : index
        %parallel_loop3A_171 = tpu.vector_load %arg6[%parallel_loop3A_168, %parallel_loop3A_169, %parallel_loop3A_170] {strides = array<i32>} : memref<2x16x1024xf32, #tpu.memory_space<vmem>>, vector<1x1x16xf32>,
        %parallel_loop3A_172 = vector.shape_cast %parallel_loop3A_171 : vector<1x1x16xf32> to vector<16xf32>
        %parallel_loop3A_173 = arith.constant 0 : i32
        %parallel_loop3A_174 = arith.index_cast %parallel_loop3A_173 : i32 to index
        %parallel_loop3A_175 = arith.index_cast %parallel_loop3A_166 : i32 to index
        %parallel_loop3A_176 = arith.constant 0 : index
        %parallel_loop3A_177 = tpu.vector_load %arg7[%parallel_loop3A_174, %parallel_loop3A_175, %parallel_loop3A_176] {strides = array<i32>} : memref<2x16x999xf32, #tpu.memory_space<vmem>>, vector<1x1x16xf32>,
        %parallel_loop3A_178 = vector.shape_cast %parallel_loop3A_177 : vector<1x1x16xf32> to vector<16xf32>
        %parallel_loop3A_179 = vector.shape_cast %parallel_loop3A_172 : vector<16xf32> to vector<1x1x16xf32>
        tpu.vector_store %arg7[%parallel_loop3A_174, %parallel_loop3A_175, %parallel_loop3A_176], %parallel_loop3A_179 {strides = array<i32>} : memref<2x16x999xf32, #tpu.memory_space<vmem>>, vector<1x1x16xf32>,
        %parallel_loop3A_180 = arith.constant 0 : i32
        %parallel_loop3A_181 = arith.index_cast %parallel_loop3A_180 : i32 to index
        %parallel_loop3A_182 = arith.index_cast %parallel_loop3A_166 : i32 to index
        %parallel_loop3A_183 = arith.constant 16 : index
        %parallel_loop3A_184 = tpu.vector_load %arg6[%parallel_loop3A_181, %parallel_loop3A_182, %parallel_loop3A_183] {strides = array<i32>} : memref<2x16x1024xf32, #tpu.memory_space<vmem>>, vector<1x1x16xf32>,
        %parallel_loop3A_185 = vector.shape_cast %parallel_loop3A_184 : vector<1x1x16xf32> to vector<16xf32>
        %parallel_loop3A_186 = arith.constant 0 : i32
        %parallel_loop3A_187 = arith.index_cast %parallel_loop3A_186 : i32 to index
        %parallel_loop3A_188 = arith.index_cast %parallel_loop3A_166 : i32 to index
        %parallel_loop3A_189 = arith.constant 16 : index
        %parallel_loop3A_190 = tpu.vector_load %arg7[%parallel_loop3A_187, %parallel_loop3A_188, %parallel_loop3A_189] {strides = array<i32>} : memref<2x16x999xf32, #tpu.memory_space<vmem>>, vector<1x1x16xf32>,
        %parallel_loop3A_191 = vector.shape_cast %parallel_loop3A_190 : vector<1x1x16xf32> to vector<16xf32>
        %parallel_loop3A_192 = vector.shape_cast %parallel_loop3A_185 : vector<16xf32> to vector<1x1x16xf32>
        tpu.vector_store %arg7[%parallel_loop3A_187, %parallel_loop3A_188, %parallel_loop3A_189], %parallel_loop3A_192 {strides = array<i32>} : memref<2x16x999xf32, #tpu.memory_space<vmem>>, vector<1x1x16xf32>,
        %parallel_loop3A_193 = arith.constant 0 : i32
        %parallel_loop3A_194 = arith.index_cast %parallel_loop3A_193 : i32 to index
        %parallel_loop3A_195 = arith.index_cast %parallel_loop3A_166 : i32 to index
        %parallel_loop3A_196 = arith.constant 32 : index
        %parallel_loop3A_197 = tpu.vector_load %arg6[%parallel_loop3A_194, %parallel_loop3A_195, %parallel_loop3A_196] {strides = array<i32>} : memref<2x16x1024xf32, #tpu.memory_space<vmem>>, vector<1x1x16xf32>,
        %parallel_loop3A_198 = vector.shape_cast %parallel_loop3A_197 : vector<1x1x16xf32> to vector<16xf32>
        %parallel_loop3A_199 = arith.constant 0 : i32
        %parallel_loop3A_200 = arith.index_cast %parallel_loop3A_199 : i32 to index
        %parallel_loop3A_201 = arith.index_cast %parallel_loop3A_166 : i32 to index
        %parallel_loop3A_202 = arith.constant 32 : index
        %parallel_loop3A_203 = tpu.vector_load %arg7[%parallel_loop3A_200, %parallel_loop3A_201, %parallel_loop3A_202] {strides = array<i32>} : memref<2x16x999xf32, #tpu.memory_space<vmem>>, vector<1x1x16xf32>,
        %parallel_loop3A_204 = vector.shape_cast %parallel_loop3A_203 : vector<1x1x16xf32> to vector<16xf32>
        %parallel_loop3A_205 = vector.shape_cast %parallel_loop3A_198 : vector<16xf32> to vector<1x1x16xf32>
        tpu.vector_store %arg7[%parallel_loop3A_200, %parallel_loop3A_201, %parallel_loop3A_202], %parallel_loop3A_205 {strides = array<i32>} : memref<2x16x999xf32, #tpu.memory_space<vmem>>, vector<1x1x16xf32>,
        %parallel_loop3A_206 = arith.constant 0 : i32
        %parallel_loop3A_207 = arith.index_cast %parallel_loop3A_206 : i32 to index
        %parallel_loop3A_208 = arith.index_cast %parallel_loop3A_166 : i32 to index
        %parallel_loop3A_209 = arith.constant 48 : index
        %parallel_loop3A_210 = tpu.vector_load %arg6[%parallel_loop3A_207, %parallel_loop3A_208, %parallel_loop3A_209] {strides = array<i32>} : memref<2x16x1024xf32, #tpu.memory_space<vmem>>, vector<1x1x16xf32>,
        %parallel_loop3A_211 = vector.shape_cast %parallel_loop3A_210 : vector<1x1x16xf32> to vector<16xf32>
        %parallel_loop3A_212 = arith.constant 0 : i32
        %parallel_loop3A_213 = arith.index_cast %parallel_loop3A_212 : i32 to index
        %parallel_loop3A_214 = arith.index_cast %parallel_loop3A_166 : i32 to index
        %parallel_loop3A_215 = arith.constant 48 : index
        %parallel_loop3A_216 = tpu.vector_load %arg7[%parallel_loop3A_213, %parallel_loop3A_214, %parallel_loop3A_215] {strides = array<i32>} : memref<2x16x999xf32, #tpu.memory_space<vmem>>, vector<1x1x16xf32>,
        %parallel_loop3A_217 = vector.shape_cast %parallel_loop3A_216 : vector<1x1x16xf32> to vector<16xf32>
        %parallel_loop3A_218 = vector.shape_cast %parallel_loop3A_211 : vector<16xf32> to vector<1x1x16xf32>
        tpu.vector_store %arg7[%parallel_loop3A_213, %parallel_loop3A_214, %parallel_loop3A_215], %parallel_loop3A_218 {strides = array<i32>} : memref<2x16x999xf32, #tpu.memory_space<vmem>>, vector<1x1x16xf32>,
        %parallel_loop3A_219 = arith.constant 0 : i32
        %parallel_loop3A_220 = arith.index_cast %parallel_loop3A_219 : i32 to index
        %parallel_loop3A_221 = arith.index_cast %parallel_loop3A_166 : i32 to index
        %parallel_loop3A_222 = arith.constant 64 : index
        %parallel_loop3A_223 = tpu.vector_load %arg6[%parallel_loop3A_220, %parallel_loop3A_221, %parallel_loop3A_222] {strides = array<i32>} : memref<2x16x1024xf32, #tpu.memory_space<vmem>>, vector<1x1x16xf32>,
        %parallel_loop3A_224 = vector.shape_cast %parallel_loop3A_223 : vector<1x1x16xf32> to vector<16xf32>
        %parallel_loop3A_225 = arith.constant 0 : i32
        %parallel_loop3A_226 = arith.index_cast %parallel_loop3A_225 : i32 to index
        %parallel_loop3A_227 = arith.index_cast %parallel_loop3A_166 : i32 to index
        %parallel_loop3A_228 = arith.constant 64 : index
        %parallel_loop3A_229 = tpu.vector_load %arg7[%parallel_loop3A_226, %parallel_loop3A_227, %parallel_loop3A_228] {strides = array<i32>} : memref<2x16x999xf32, #tpu.memory_space<vmem>>, vector<1x1x16xf32>,
        %parallel_loop3A_230 = vector.shape_cast %parallel_loop3A_229 : vector<1x1x16xf32> to vector<16xf32>
        %parallel_loop3A_231 = vector.shape_cast %parallel_loop3A_224 : vector<16xf32> to vector<1x1x16xf32>
        tpu.vector_store %arg7[%parallel_loop3A_226, %parallel_loop3A_227, %parallel_loop3A_228], %parallel_loop3A_231 {strides = array<i32>} : memref<2x16x999xf32, #tpu.memory_space<vmem>>, vector<1x1x16xf32>,
        %parallel_loop3A_232 = arith.constant 0 : i32
        %parallel_loop3A_233 = arith.index_cast %parallel_loop3A_232 : i32 to index
        %parallel_loop3A_234 = arith.index_cast %parallel_loop3A_166 : i32 to index
        %parallel_loop3A_235 = arith.constant 80 : index
        %parallel_loop3A_236 = tpu.vector_load %arg6[%parallel_loop3A_233, %parallel_loop3A_234, %parallel_loop3A_235] {strides = array<i32>} : memref<2x16x1024xf32, #tpu.memory_space<vmem>>, vector<1x1x16xf32>,
        %parallel_loop3A_237 = vector.shape_cast %parallel_loop3A_236 : vector<1x1x16xf32> to vector<16xf32>
        %parallel_loop3A_238 = arith.constant 0 : i32
        %parallel_loop3A_239 = arith.index_cast %parallel_loop3A_238 : i32 to index
        %parallel_loop3A_240 = arith.index_cast %parallel_loop3A_166 : i32 to index
        %parallel_loop3A_241 = arith.constant 80 : index
        %parallel_loop3A_242 = tpu.vector_load %arg7[%parallel_loop3A_239, %parallel_loop3A_240, %parallel_loop3A_241] {strides = array<i32>} : memref<2x16x999xf32, #tpu.memory_space<vmem>>, vector<1x1x16xf32>,
        %parallel_loop3A_243 = vector.shape_cast %parallel_loop3A_242 : vector<1x1x16xf32> to vector<16xf32>
        %parallel_loop3A_244 = vector.shape_cast %parallel_loop3A_237 : vector<16xf32> to vector<1x1x16xf32>
        tpu.vector_store %arg7[%parallel_loop3A_239, %parallel_loop3A_240, %parallel_loop3A_241], %parallel_loop3A_244 {strides = array<i32>} : memref<2x16x999xf32, #tpu.memory_space<vmem>>, vector<1x1x16xf32>,
        %parallel_loop3A_245 = arith.constant 0 : i32
        %parallel_loop3A_246 = arith.index_cast %parallel_loop3A_245 : i32 to index
        %parallel_loop3A_247 = arith.index_cast %parallel_loop3A_166 : i32 to index
        %parallel_loop3A_248 = arith.constant 96 : index
        %parallel_loop3A_249 = tpu.vector_load %arg6[%parallel_loop3A_246, %parallel_loop3A_247, %parallel_loop3A_248] {strides = array<i32>} : memref<2x16x1024xf32, #tpu.memory_space<vmem>>, vector<1x1x16xf32>,
        %parallel_loop3A_250 = vector.shape_cast %parallel_loop3A_249 : vector<1x1x16xf32> to vector<16xf32>
        %parallel_loop3A_251 = arith.constant 0 : i32
        %parallel_loop3A_252 = arith.index_cast %parallel_loop3A_251 : i32 to index
        %parallel_loop3A_253 = arith.index_cast %parallel_loop3A_166 : i32 to index
        %parallel_loop3A_254 = arith.constant 96 : index
        %parallel_loop3A_255 = tpu.vector_load %arg7[%parallel_loop3A_252, %parallel_loop3A_253, %parallel_loop3A_254] {strides = array<i32>} : memref<2x16x999xf32, #tpu.memory_space<vmem>>, vector<1x1x16xf32>,
        %parallel_loop3A_256 = vector.shape_cast %parallel_loop3A_255 : vector<1x1x16xf32> to vector<16xf32>
        %parallel_loop3A_257 = vector.shape_cast %parallel_loop3A_250 : vector<16xf32> to vector<1x1x16xf32>
        tpu.vector_store %arg7[%parallel_loop3A_252, %parallel_loop3A_253, %parallel_loop3A_254], %parallel_loop3A_257 {strides = array<i32>} : memref<2x16x999xf32, #tpu.memory_space<vmem>>, vector<1x1x16xf32>,
        %parallel_loop3A_258 = arith.constant 0 : i32
        %parallel_loop3A_259 = arith.index_cast %parallel_loop3A_258 : i32 to index
        %parallel_loop3A_260 = arith.index_cast %parallel_loop3A_166 : i32 to index
        %parallel_loop3A_261 = arith.constant 112 : index
        %parallel_loop3A_262 = tpu.vector_load %arg6[%parallel_loop3A_259, %parallel_loop3A_260, %parallel_loop3A_261] {strides = array<i32>} : memref<2x16x1024xf32, #tpu.memory_space<vmem>>, vector<1x1x16xf32>,
        %parallel_loop3A_263 = vector.shape_cast %parallel_loop3A_262 : vector<1x1x16xf32> to vector<16xf32>
        %parallel_loop3A_264 = arith.constant 0 : i32
        %parallel_loop3A_265 = arith.index_cast %parallel_loop3A_264 : i32 to index
        %parallel_loop3A_266 = arith.index_cast %parallel_loop3A_166 : i32 to index
        %parallel_loop3A_267 = arith.constant 112 : index
        %parallel_loop3A_268 = tpu.vector_load %arg7[%parallel_loop3A_265, %parallel_loop3A_266, %parallel_loop3A_267] {strides = array<i32>} : memref<2x16x999xf32, #tpu.memory_space<vmem>>, vector<1x1x16xf32>,
        %parallel_loop3A_269 = vector.shape_cast %parallel_loop3A_268 : vector<1x1x16xf32> to vector<16xf32>
        %parallel_loop3A_270 = vector.shape_cast %parallel_loop3A_263 : vector<16xf32> to vector<1x1x16xf32>
        tpu.vector_store %arg7[%parallel_loop3A_265, %parallel_loop3A_266, %parallel_loop3A_267], %parallel_loop3A_270 {strides = array<i32>} : memref<2x16x999xf32, #tpu.memory_space<vmem>>, vector<1x1x16xf32>,
        %parallel_loop3A_271 = arith.constant 0 : i32
        %parallel_loop3A_272 = arith.index_cast %parallel_loop3A_271 : i32 to index
        %parallel_loop3A_273 = arith.index_cast %parallel_loop3A_166 : i32 to index
        %parallel_loop3A_274 = arith.constant 128 : index
        %parallel_loop3A_275 = tpu.vector_load %arg6[%parallel_loop3A_272, %parallel_loop3A_273, %parallel_loop3A_274] {strides = array<i32>} : memref<2x16x1024xf32, #tpu.memory_space<vmem>>, vector<1x1x16xf32>,
        %parallel_loop3A_276 = vector.shape_cast %parallel_loop3A_275 : vector<1x1x16xf32> to vector<16xf32>
        %parallel_loop3A_277 = arith.constant 0 : i32
        %parallel_loop3A_278 = arith.index_cast %parallel_loop3A_277 : i32 to index
        %parallel_loop3A_279 = arith.index_cast %parallel_loop3A_166 : i32 to index
        %parallel_loop3A_280 = arith.constant 128 : index
        %parallel_loop3A_281 = tpu.vector_load %arg7[%parallel_loop3A_278, %parallel_loop3A_279, %parallel_loop3A_280] {strides = array<i32>} : memref<2x16x999xf32, #tpu.memory_space<vmem>>, vector<1x1x16xf32>,
        %parallel_loop3A_282 = vector.shape_cast %parallel_loop3A_281 : vector<1x1x16xf32> to vector<16xf32>
        %parallel_loop3A_283 = vector.shape_cast %parallel_loop3A_276 : vector<16xf32> to vector<1x1x16xf32>
        tpu.vector_store %arg7[%parallel_loop3A_278, %parallel_loop3A_279, %parallel_loop3A_280], %parallel_loop3A_283 {strides = array<i32>} : memref<2x16x999xf32, #tpu.memory_space<vmem>>, vector<1x1x16xf32>,
        %parallel_loop3A_284 = arith.constant 0 : i32
        %parallel_loop3A_285 = arith.index_cast %parallel_loop3A_284 : i32 to index
        %parallel_loop3A_286 = arith.index_cast %parallel_loop3A_166 : i32 to index
        %parallel_loop3A_287 = arith.constant 144 : index
        %parallel_loop3A_288 = tpu.vector_load %arg6[%parallel_loop3A_285, %parallel_loop3A_286, %parallel_loop3A_287] {strides = array<i32>} : memref<2x16x1024xf32, #tpu.memory_space<vmem>>, vector<1x1x16xf32>,
        %parallel_loop3A_289 = vector.shape_cast %parallel_loop3A_288 : vector<1x1x16xf32> to vector<16xf32>
        %parallel_loop3A_290 = arith.constant 0 : i32
        %parallel_loop3A_291 = arith.index_cast %parallel_loop3A_290 : i32 to index
        %parallel_loop3A_292 = arith.index_cast %parallel_loop3A_166 : i32 to index
        %parallel_loop3A_293 = arith.constant 144 : index
        %parallel_loop3A_294 = tpu.vector_load %arg7[%parallel_loop3A_291, %parallel_loop3A_292, %parallel_loop3A_293] {strides = array<i32>} : memref<2x16x999xf32, #tpu.memory_space<vmem>>, vector<1x1x16xf32>,
        %parallel_loop3A_295 = vector.shape_cast %parallel_loop3A_294 : vector<1x1x16xf32> to vector<16xf32>
        %parallel_loop3A_296 = vector.shape_cast %parallel_loop3A_289 : vector<16xf32> to vector<1x1x16xf32>
        tpu.vector_store %arg7[%parallel_loop3A_291, %parallel_loop3A_292, %parallel_loop3A_293], %parallel_loop3A_296 {strides = array<i32>} : memref<2x16x999xf32, #tpu.memory_space<vmem>>, vector<1x1x16xf32>,
        %parallel_loop3A_297 = arith.constant 0 : i32
        %parallel_loop3A_298 = arith.index_cast %parallel_loop3A_297 : i32 to index
        %parallel_loop3A_299 = arith.index_cast %parallel_loop3A_166 : i32 to index
        %parallel_loop3A_300 = arith.constant 160 : index
        %parallel_loop3A_301 = tpu.vector_load %arg6[%parallel_loop3A_298, %parallel_loop3A_299, %parallel_loop3A_300] {strides = array<i32>} : memref<2x16x1024xf32, #tpu.memory_space<vmem>>, vector<1x1x16xf32>,
        %parallel_loop3A_302 = vector.shape_cast %parallel_loop3A_301 : vector<1x1x16xf32> to vector<16xf32>
        %parallel_loop3A_303 = arith.constant 0 : i32
        %parallel_loop3A_304 = arith.index_cast %parallel_loop3A_303 : i32 to index
        %parallel_loop3A_305 = arith.index_cast %parallel_loop3A_166 : i32 to index
        %parallel_loop3A_306 = arith.constant 160 : index
        %parallel_loop3A_307 = tpu.vector_load %arg7[%parallel_loop3A_304, %parallel_loop3A_305, %parallel_loop3A_306] {strides = array<i32>} : memref<2x16x999xf32, #tpu.memory_space<vmem>>, vector<1x1x16xf32>,
        %parallel_loop3A_308 = vector.shape_cast %parallel_loop3A_307 : vector<1x1x16xf32> to vector<16xf32>
        %parallel_loop3A_309 = vector.shape_cast %parallel_loop3A_302 : vector<16xf32> to vector<1x1x16xf32>
        tpu.vector_store %arg7[%parallel_loop3A_304, %parallel_loop3A_305, %parallel_loop3A_306], %parallel_loop3A_309 {strides = array<i32>} : memref<2x16x999xf32, #tpu.memory_space<vmem>>, vector<1x1x16xf32>,
        %parallel_loop3A_310 = arith.constant 0 : i32
        %parallel_loop3A_311 = arith.index_cast %parallel_loop3A_310 : i32 to index
        %parallel_loop3A_312 = arith.index_cast %parallel_loop3A_166 : i32 to index
        %parallel_loop3A_313 = arith.constant 176 : index
        %parallel_loop3A_314 = tpu.vector_load %arg6[%parallel_loop3A_311, %parallel_loop3A_312, %parallel_loop3A_313] {strides = array<i32>} : memref<2x16x1024xf32, #tpu.memory_space<vmem>>, vector<1x1x16xf32>,
        %parallel_loop3A_315 = vector.shape_cast %parallel_loop3A_314 : vector<1x1x16xf32> to vector<16xf32>
        %parallel_loop3A_316 = arith.constant 0 : i32
        %parallel_loop3A_317 = arith.index_cast %parallel_loop3A_316 : i32 to index
        %parallel_loop3A_318 = arith.index_cast %parallel_loop3A_166 : i32 to index
        %parallel_loop3A_319 = arith.constant 176 : index
        %parallel_loop3A_320 = tpu.vector_load %arg7[%parallel_loop3A_317, %parallel_loop3A_318, %parallel_loop3A_319] {strides = array<i32>} : memref<2x16x999xf32, #tpu.memory_space<vmem>>, vector<1x1x16xf32>,
        %parallel_loop3A_321 = vector.shape_cast %parallel_loop3A_320 : vector<1x1x16xf32> to vector<16xf32>
        %parallel_loop3A_322 = vector.shape_cast %parallel_loop3A_315 : vector<16xf32> to vector<1x1x16xf32>
        tpu.vector_store %arg7[%parallel_loop3A_317, %parallel_loop3A_318, %parallel_loop3A_319], %parallel_loop3A_322 {strides = array<i32>} : memref<2x16x999xf32, #tpu.memory_space<vmem>>, vector<1x1x16xf32>,
        %parallel_loop3A_323 = arith.constant 0 : i32
        %parallel_loop3A_324 = arith.index_cast %parallel_loop3A_323 : i32 to index
        %parallel_loop3A_325 = arith.index_cast %parallel_loop3A_166 : i32 to index
        %parallel_loop3A_326 = arith.constant 192 : index
        %parallel_loop3A_327 = tpu.vector_load %arg6[%parallel_loop3A_324, %parallel_loop3A_325, %parallel_loop3A_326] {strides = array<i32>} : memref<2x16x1024xf32, #tpu.memory_space<vmem>>, vector<1x1x16xf32>,
        %parallel_loop3A_328 = vector.shape_cast %parallel_loop3A_327 : vector<1x1x16xf32> to vector<16xf32>
        %parallel_loop3A_329 = arith.constant 0 : i32
        %parallel_loop3A_330 = arith.index_cast %parallel_loop3A_329 : i32 to index
        %parallel_loop3A_331 = arith.index_cast %parallel_loop3A_166 : i32 to index
        %parallel_loop3A_332 = arith.constant 192 : index
        %parallel_loop3A_333 = tpu.vector_load %arg7[%parallel_loop3A_330, %parallel_loop3A_331, %parallel_loop3A_332] {strides = array<i32>} : memref<2x16x999xf32, #tpu.memory_space<vmem>>, vector<1x1x16xf32>,
        %parallel_loop3A_334 = vector.shape_cast %parallel_loop3A_333 : vector<1x1x16xf32> to vector<16xf32>
        %parallel_loop3A_335 = vector.shape_cast %parallel_loop3A_328 : vector<16xf32> to vector<1x1x16xf32>
        tpu.vector_store %arg7[%parallel_loop3A_330, %parallel_loop3A_331, %parallel_loop3A_332], %parallel_loop3A_335 {strides = array<i32>} : memref<2x16x999xf32, #tpu.memory_space<vmem>>, vector<1x1x16xf32>,
        %parallel_loop3A_336 = arith.constant 0 : i32
        %parallel_loop3A_337 = arith.index_cast %parallel_loop3A_336 : i32 to index
        %parallel_loop3A_338 = arith.index_cast %parallel_loop3A_166 : i32 to index
        %parallel_loop3A_339 = arith.constant 208 : index
        %parallel_loop3A_340 = tpu.vector_load %arg6[%parallel_loop3A_337, %parallel_loop3A_338, %parallel_loop3A_339] {strides = array<i32>} : memref<2x16x1024xf32, #tpu.memory_space<vmem>>, vector<1x1x16xf32>,
        %parallel_loop3A_341 = vector.shape_cast %parallel_loop3A_340 : vector<1x1x16xf32> to vector<16xf32>
        %parallel_loop3A_342 = arith.constant 0 : i32
        %parallel_loop3A_343 = arith.index_cast %parallel_loop3A_342 : i32 to index
        %parallel_loop3A_344 = arith.index_cast %parallel_loop3A_166 : i32 to index
        %parallel_loop3A_345 = arith.constant 208 : index
        %parallel_loop3A_346 = tpu.vector_load %arg7[%parallel_loop3A_343, %parallel_loop3A_344, %parallel_loop3A_345] {strides = array<i32>} : memref<2x16x999xf32, #tpu.memory_space<vmem>>, vector<1x1x16xf32>,
        %parallel_loop3A_347 = vector.shape_cast %parallel_loop3A_346 : vector<1x1x16xf32> to vector<16xf32>
        %parallel_loop3A_348 = vector.shape_cast %parallel_loop3A_341 : vector<16xf32> to vector<1x1x16xf32>
        tpu.vector_store %arg7[%parallel_loop3A_343, %parallel_loop3A_344, %parallel_loop3A_345], %parallel_loop3A_348 {strides = array<i32>} : memref<2x16x999xf32, #tpu.memory_space<vmem>>, vector<1x1x16xf32>,
        %parallel_loop3A_349 = arith.constant 0 : i32
        %parallel_loop3A_350 = arith.index_cast %parallel_loop3A_349 : i32 to index
        %parallel_loop3A_351 = arith.index_cast %parallel_loop3A_166 : i32 to index
        %parallel_loop3A_352 = arith.constant 224 : index
        %parallel_loop3A_353 = tpu.vector_load %arg6[%parallel_loop3A_350, %parallel_loop3A_351, %parallel_loop3A_352] {strides = array<i32>} : memref<2x16x1024xf32, #tpu.memory_space<vmem>>, vector<1x1x16xf32>,
        %parallel_loop3A_354 = vector.shape_cast %parallel_loop3A_353 : vector<1x1x16xf32> to vector<16xf32>
        %parallel_loop3A_355 = arith.constant 0 : i32
        %parallel_loop3A_356 = arith.index_cast %parallel_loop3A_355 : i32 to index
        %parallel_loop3A_357 = arith.index_cast %parallel_loop3A_166 : i32 to index
        %parallel_loop3A_358 = arith.constant 224 : index
        %parallel_loop3A_359 = tpu.vector_load %arg7[%parallel_loop3A_356, %parallel_loop3A_357, %parallel_loop3A_358] {strides = array<i32>} : memref<2x16x999xf32, #tpu.memory_space<vmem>>, vector<1x1x16xf32>,
        %parallel_loop3A_360 = vector.shape_cast %parallel_loop3A_359 : vector<1x1x16xf32> to vector<16xf32>
        %parallel_loop3A_361 = vector.shape_cast %parallel_loop3A_354 : vector<16xf32> to vector<1x1x16xf32>
        tpu.vector_store %arg7[%parallel_loop3A_356, %parallel_loop3A_357, %parallel_loop3A_358], %parallel_loop3A_361 {strides = array<i32>} : memref<2x16x999xf32, #tpu.memory_space<vmem>>, vector<1x1x16xf32>,
        %parallel_loop3A_362 = arith.constant 0 : i32
        %parallel_loop3A_363 = arith.index_cast %parallel_loop3A_362 : i32 to index
        %parallel_loop3A_364 = arith.index_cast %parallel_loop3A_166 : i32 to index
        %parallel_loop3A_365 = arith.constant 240 : index
        %parallel_loop3A_366 = tpu.vector_load %arg6[%parallel_loop3A_363, %parallel_loop3A_364, %parallel_loop3A_365] {strides = array<i32>} : memref<2x16x1024xf32, #tpu.memory_space<vmem>>, vector<1x1x16xf32>,
        %parallel_loop3A_367 = vector.shape_cast %parallel_loop3A_366 : vector<1x1x16xf32> to vector<16xf32>
        %parallel_loop3A_368 = arith.constant 0 : i32
        %parallel_loop3A_369 = arith.index_cast %parallel_loop3A_368 : i32 to index
        %parallel_loop3A_370 = arith.index_cast %parallel_loop3A_166 : i32 to index
        %parallel_loop3A_371 = arith.constant 240 : index
        %parallel_loop3A_372 = tpu.vector_load %arg7[%parallel_loop3A_369, %parallel_loop3A_370, %parallel_loop3A_371] {strides = array<i32>} : memref<2x16x999xf32, #tpu.memory_space<vmem>>, vector<1x1x16xf32>,
        %parallel_loop3A_373 = vector.shape_cast %parallel_loop3A_372 : vector<1x1x16xf32> to vector<16xf32>
        %parallel_loop3A_374 = vector.shape_cast %parallel_loop3A_367 : vector<16xf32> to vector<1x1x16xf32>
        tpu.vector_store %arg7[%parallel_loop3A_369, %parallel_loop3A_370, %parallel_loop3A_371], %parallel_loop3A_374 {strides = array<i32>} : memref<2x16x999xf32, #tpu.memory_space<vmem>>, vector<1x1x16xf32>,
        %parallel_loop3A_375 = arith.constant 0 : i32
        %parallel_loop3A_376 = arith.index_cast %parallel_loop3A_375 : i32 to index
        %parallel_loop3A_377 = arith.index_cast %parallel_loop3A_166 : i32 to index
        %parallel_loop3A_378 = arith.constant 256 : index
        %parallel_loop3A_379 = tpu.vector_load %arg6[%parallel_loop3A_376, %parallel_loop3A_377, %parallel_loop3A_378] {strides = array<i32>} : memref<2x16x1024xf32, #tpu.memory_space<vmem>>, vector<1x1x16xf32>,
        %parallel_loop3A_380 = vector.shape_cast %parallel_loop3A_379 : vector<1x1x16xf32> to vector<16xf32>
        %parallel_loop3A_381 = arith.constant 0 : i32
        %parallel_loop3A_382 = arith.index_cast %parallel_loop3A_381 : i32 to index
        %parallel_loop3A_383 = arith.index_cast %parallel_loop3A_166 : i32 to index
        %parallel_loop3A_384 = arith.constant 256 : index
        %parallel_loop3A_385 = tpu.vector_load %arg7[%parallel_loop3A_382, %parallel_loop3A_383, %parallel_loop3A_384] {strides = array<i32>} : memref<2x16x999xf32, #tpu.memory_space<vmem>>, vector<1x1x16xf32>,
        %parallel_loop3A_386 = vector.shape_cast %parallel_loop3A_385 : vector<1x1x16xf32> to vector<16xf32>
        %parallel_loop3A_387 = vector.shape_cast %parallel_loop3A_380 : vector<16xf32> to vector<1x1x16xf32>
        tpu.vector_store %arg7[%parallel_loop3A_382, %parallel_loop3A_383, %parallel_loop3A_384], %parallel_loop3A_387 {strides = array<i32>} : memref<2x16x999xf32, #tpu.memory_space<vmem>>, vector<1x1x16xf32>,
        %parallel_loop3A_388 = arith.constant 0 : i32
        %parallel_loop3A_389 = arith.index_cast %parallel_loop3A_388 : i32 to index
        %parallel_loop3A_390 = arith.index_cast %parallel_loop3A_166 : i32 to index
        %parallel_loop3A_391 = arith.constant 272 : index
        %parallel_loop3A_392 = tpu.vector_load %arg6[%parallel_loop3A_389, %parallel_loop3A_390, %parallel_loop3A_391] {strides = array<i32>} : memref<2x16x1024xf32, #tpu.memory_space<vmem>>, vector<1x1x16xf32>,
        %parallel_loop3A_393 = vector.shape_cast %parallel_loop3A_392 : vector<1x1x16xf32> to vector<16xf32>
        %parallel_loop3A_394 = arith.constant 0 : i32
        %parallel_loop3A_395 = arith.index_cast %parallel_loop3A_394 : i32 to index
        %parallel_loop3A_396 = arith.index_cast %parallel_loop3A_166 : i32 to index
        %parallel_loop3A_397 = arith.constant 272 : index
        %parallel_loop3A_398 = tpu.vector_load %arg7[%parallel_loop3A_395, %parallel_loop3A_396, %parallel_loop3A_397] {strides = array<i32>} : memref<2x16x999xf32, #tpu.memory_space<vmem>>, vector<1x1x16xf32>,
        %parallel_loop3A_399 = vector.shape_cast %parallel_loop3A_398 : vector<1x1x16xf32> to vector<16xf32>
        %parallel_loop3A_400 = vector.shape_cast %parallel_loop3A_393 : vector<16xf32> to vector<1x1x16xf32>
        tpu.vector_store %arg7[%parallel_loop3A_395, %parallel_loop3A_396, %parallel_loop3A_397], %parallel_loop3A_400 {strides = array<i32>} : memref<2x16x999xf32, #tpu.memory_space<vmem>>, vector<1x1x16xf32>,
        %parallel_loop3A_401 = arith.constant 0 : i32
        %parallel_loop3A_402 = arith.index_cast %parallel_loop3A_401 : i32 to index
        %parallel_loop3A_403 = arith.index_cast %parallel_loop3A_166 : i32 to index
        %parallel_loop3A_404 = arith.constant 288 : index
        %parallel_loop3A_405 = tpu.vector_load %arg6[%parallel_loop3A_402, %parallel_loop3A_403, %parallel_loop3A_404] {strides = array<i32>} : memref<2x16x1024xf32, #tpu.memory_space<vmem>>, vector<1x1x16xf32>,
        %parallel_loop3A_406 = vector.shape_cast %parallel_loop3A_405 : vector<1x1x16xf32> to vector<16xf32>
        %parallel_loop3A_407 = arith.constant 0 : i32
        %parallel_loop3A_408 = arith.index_cast %parallel_loop3A_407 : i32 to index
        %parallel_loop3A_409 = arith.index_cast %parallel_loop3A_166 : i32 to index
        %parallel_loop3A_410 = arith.constant 288 : index
        %parallel_loop3A_411 = tpu.vector_load %arg7[%parallel_loop3A_408, %parallel_loop3A_409, %parallel_loop3A_410] {strides = array<i32>} : memref<2x16x999xf32, #tpu.memory_space<vmem>>, vector<1x1x16xf32>,
        %parallel_loop3A_412 = vector.shape_cast %parallel_loop3A_411 : vector<1x1x16xf32> to vector<16xf32>
        %parallel_loop3A_413 = vector.shape_cast %parallel_loop3A_406 : vector<16xf32> to vector<1x1x16xf32>
        tpu.vector_store %arg7[%parallel_loop3A_408, %parallel_loop3A_409, %parallel_loop3A_410], %parallel_loop3A_413 {strides = array<i32>} : memref<2x16x999xf32, #tpu.memory_space<vmem>>, vector<1x1x16xf32>,
        %parallel_loop3A_414 = arith.constant 0 : i32
        %parallel_loop3A_415 = arith.index_cast %parallel_loop3A_414 : i32 to index
        %parallel_loop3A_416 = arith.index_cast %parallel_loop3A_166 : i32 to index
        %parallel_loop3A_417 = arith.constant 304 : index
        %parallel_loop3A_418 = tpu.vector_load %arg6[%parallel_loop3A_415, %parallel_loop3A_416, %parallel_loop3A_417] {strides = array<i32>} : memref<2x16x1024xf32, #tpu.memory_space<vmem>>, vector<1x1x16xf32>,
        %parallel_loop3A_419 = vector.shape_cast %parallel_loop3A_418 : vector<1x1x16xf32> to vector<16xf32>
        %parallel_loop3A_420 = arith.constant 0 : i32
        %parallel_loop3A_421 = arith.index_cast %parallel_loop3A_420 : i32 to index
        %parallel_loop3A_422 = arith.index_cast %parallel_loop3A_166 : i32 to index
        %parallel_loop3A_423 = arith.constant 304 : index
        %parallel_loop3A_424 = tpu.vector_load %arg7[%parallel_loop3A_421, %parallel_loop3A_422, %parallel_loop3A_423] {strides = array<i32>} : memref<2x16x999xf32, #tpu.memory_space<vmem>>, vector<1x1x16xf32>,
        %parallel_loop3A_425 = vector.shape_cast %parallel_loop3A_424 : vector<1x1x16xf32> to vector<16xf32>
        %parallel_loop3A_426 = vector.shape_cast %parallel_loop3A_419 : vector<16xf32> to vector<1x1x16xf32>
        tpu.vector_store %arg7[%parallel_loop3A_421, %parallel_loop3A_422, %parallel_loop3A_423], %parallel_loop3A_426 {strides = array<i32>} : memref<2x16x999xf32, #tpu.memory_space<vmem>>, vector<1x1x16xf32>,
        %parallel_loop3A_427 = arith.constant 0 : i32
        %parallel_loop3A_428 = arith.index_cast %parallel_loop3A_427 : i32 to index
        %parallel_loop3A_429 = arith.index_cast %parallel_loop3A_166 : i32 to index
        %parallel_loop3A_430 = arith.constant 320 : index
        %parallel_loop3A_431 = tpu.vector_load %arg6[%parallel_loop3A_428, %parallel_loop3A_429, %parallel_loop3A_430] {strides = array<i32>} : memref<2x16x1024xf32, #tpu.memory_space<vmem>>, vector<1x1x16xf32>,
        %parallel_loop3A_432 = vector.shape_cast %parallel_loop3A_431 : vector<1x1x16xf32> to vector<16xf32>
        %parallel_loop3A_433 = arith.constant 0 : i32
        %parallel_loop3A_434 = arith.index_cast %parallel_loop3A_433 : i32 to index
        %parallel_loop3A_435 = arith.index_cast %parallel_loop3A_166 : i32 to index
        %parallel_loop3A_436 = arith.constant 320 : index
        %parallel_loop3A_437 = tpu.vector_load %arg7[%parallel_loop3A_434, %parallel_loop3A_435, %parallel_loop3A_436] {strides = array<i32>} : memref<2x16x999xf32, #tpu.memory_space<vmem>>, vector<1x1x16xf32>,
        %parallel_loop3A_438 = vector.shape_cast %parallel_loop3A_437 : vector<1x1x16xf32> to vector<16xf32>
        %parallel_loop3A_439 = vector.shape_cast %parallel_loop3A_432 : vector<16xf32> to vector<1x1x16xf32>
        tpu.vector_store %arg7[%parallel_loop3A_434, %parallel_loop3A_435, %parallel_loop3A_436], %parallel_loop3A_439 {strides = array<i32>} : memref<2x16x999xf32, #tpu.memory_space<vmem>>, vector<1x1x16xf32>,
        %parallel_loop3A_440 = arith.constant 0 : i32
        %parallel_loop3A_441 = arith.index_cast %parallel_loop3A_440 : i32 to index
        %parallel_loop3A_442 = arith.index_cast %parallel_loop3A_166 : i32 to index
        %parallel_loop3A_443 = arith.constant 336 : index
        %parallel_loop3A_444 = tpu.vector_load %arg6[%parallel_loop3A_441, %parallel_loop3A_442, %parallel_loop3A_443] {strides = array<i32>} : memref<2x16x1024xf32, #tpu.memory_space<vmem>>, vector<1x1x16xf32>,
        %parallel_loop3A_445 = vector.shape_cast %parallel_loop3A_444 : vector<1x1x16xf32> to vector<16xf32>
        %parallel_loop3A_446 = arith.constant 0 : i32
        %parallel_loop3A_447 = arith.index_cast %parallel_loop3A_446 : i32 to index
        %parallel_loop3A_448 = arith.index_cast %parallel_loop3A_166 : i32 to index
        %parallel_loop3A_449 = arith.constant 336 : index
        %parallel_loop3A_450 = tpu.vector_load %arg7[%parallel_loop3A_447, %parallel_loop3A_448, %parallel_loop3A_449] {strides = array<i32>} : memref<2x16x999xf32, #tpu.memory_space<vmem>>, vector<1x1x16xf32>,
        %parallel_loop3A_451 = vector.shape_cast %parallel_loop3A_450 : vector<1x1x16xf32> to vector<16xf32>
        %parallel_loop3A_452 = vector.shape_cast %parallel_loop3A_445 : vector<16xf32> to vector<1x1x16xf32>
        tpu.vector_store %arg7[%parallel_loop3A_447, %parallel_loop3A_448, %parallel_loop3A_449], %parallel_loop3A_452 {strides = array<i32>} : memref<2x16x999xf32, #tpu.memory_space<vmem>>, vector<1x1x16xf32>,
        %parallel_loop3A_453 = arith.constant 0 : i32
        %parallel_loop3A_454 = arith.index_cast %parallel_loop3A_453 : i32 to index
        %parallel_loop3A_455 = arith.index_cast %parallel_loop3A_166 : i32 to index
        %parallel_loop3A_456 = arith.constant 352 : index
        %parallel_loop3A_457 = tpu.vector_load %arg6[%parallel_loop3A_454, %parallel_loop3A_455, %parallel_loop3A_456] {strides = array<i32>} : memref<2x16x1024xf32, #tpu.memory_space<vmem>>, vector<1x1x16xf32>,
        %parallel_loop3A_458 = vector.shape_cast %parallel_loop3A_457 : vector<1x1x16xf32> to vector<16xf32>
        %parallel_loop3A_459 = arith.constant 0 : i32
        %parallel_loop3A_460 = arith.index_cast %parallel_loop3A_459 : i32 to index
        %parallel_loop3A_461 = arith.index_cast %parallel_loop3A_166 : i32 to index
        %parallel_loop3A_462 = arith.constant 352 : index
        %parallel_loop3A_463 = tpu.vector_load %arg7[%parallel_loop3A_460, %parallel_loop3A_461, %parallel_loop3A_462] {strides = array<i32>} : memref<2x16x999xf32, #tpu.memory_space<vmem>>, vector<1x1x16xf32>,
        %parallel_loop3A_464 = vector.shape_cast %parallel_loop3A_463 : vector<1x1x16xf32> to vector<16xf32>
        %parallel_loop3A_465 = vector.shape_cast %parallel_loop3A_458 : vector<16xf32> to vector<1x1x16xf32>
        tpu.vector_store %arg7[%parallel_loop3A_460, %parallel_loop3A_461, %parallel_loop3A_462], %parallel_loop3A_465 {strides = array<i32>} : memref<2x16x999xf32, #tpu.memory_space<vmem>>, vector<1x1x16xf32>,
        %parallel_loop3A_466 = arith.constant 0 : i32
        %parallel_loop3A_467 = arith.index_cast %parallel_loop3A_466 : i32 to index
        %parallel_loop3A_468 = arith.index_cast %parallel_loop3A_166 : i32 to index
        %parallel_loop3A_469 = arith.constant 368 : index
        %parallel_loop3A_470 = tpu.vector_load %arg6[%parallel_loop3A_467, %parallel_loop3A_468, %parallel_loop3A_469] {strides = array<i32>} : memref<2x16x1024xf32, #tpu.memory_space<vmem>>, vector<1x1x16xf32>,
        %parallel_loop3A_471 = vector.shape_cast %parallel_loop3A_470 : vector<1x1x16xf32> to vector<16xf32>
        %parallel_loop3A_472 = arith.constant 0 : i32
        %parallel_loop3A_473 = arith.index_cast %parallel_loop3A_472 : i32 to index
        %parallel_loop3A_474 = arith.index_cast %parallel_loop3A_166 : i32 to index
        %parallel_loop3A_475 = arith.constant 368 : index
        %parallel_loop3A_476 = tpu.vector_load %arg7[%parallel_loop3A_473, %parallel_loop3A_474, %parallel_loop3A_475] {strides = array<i32>} : memref<2x16x999xf32, #tpu.memory_space<vmem>>, vector<1x1x16xf32>,
        %parallel_loop3A_477 = vector.shape_cast %parallel_loop3A_476 : vector<1x1x16xf32> to vector<16xf32>
        %parallel_loop3A_478 = vector.shape_cast %parallel_loop3A_471 : vector<16xf32> to vector<1x1x16xf32>
        tpu.vector_store %arg7[%parallel_loop3A_473, %parallel_loop3A_474, %parallel_loop3A_475], %parallel_loop3A_478 {strides = array<i32>} : memref<2x16x999xf32, #tpu.memory_space<vmem>>, vector<1x1x16xf32>,
        %parallel_loop3A_479 = arith.constant 0 : i32
        %parallel_loop3A_480 = arith.index_cast %parallel_loop3A_479 : i32 to index
        %parallel_loop3A_481 = arith.index_cast %parallel_loop3A_166 : i32 to index
        %parallel_loop3A_482 = arith.constant 384 : index
        %parallel_loop3A_483 = tpu.vector_load %arg6[%parallel_loop3A_480, %parallel_loop3A_481, %parallel_loop3A_482] {strides = array<i32>} : memref<2x16x1024xf32, #tpu.memory_space<vmem>>, vector<1x1x16xf32>,
        %parallel_loop3A_484 = vector.shape_cast %parallel_loop3A_483 : vector<1x1x16xf32> to vector<16xf32>
        %parallel_loop3A_485 = arith.constant 0 : i32
        %parallel_loop3A_486 = arith.index_cast %parallel_loop3A_485 : i32 to index
        %parallel_loop3A_487 = arith.index_cast %parallel_loop3A_166 : i32 to index
        %parallel_loop3A_488 = arith.constant 384 : index
        %parallel_loop3A_489 = tpu.vector_load %arg7[%parallel_loop3A_486, %parallel_loop3A_487, %parallel_loop3A_488] {strides = array<i32>} : memref<2x16x999xf32, #tpu.memory_space<vmem>>, vector<1x1x16xf32>,
        %parallel_loop3A_490 = vector.shape_cast %parallel_loop3A_489 : vector<1x1x16xf32> to vector<16xf32>
        %parallel_loop3A_491 = vector.shape_cast %parallel_loop3A_484 : vector<16xf32> to vector<1x1x16xf32>
        tpu.vector_store %arg7[%parallel_loop3A_486, %parallel_loop3A_487, %parallel_loop3A_488], %parallel_loop3A_491 {strides = array<i32>} : memref<2x16x999xf32, #tpu.memory_space<vmem>>, vector<1x1x16xf32>,
        %parallel_loop3A_492 = arith.constant 0 : i32
        %parallel_loop3A_493 = arith.index_cast %parallel_loop3A_492 : i32 to index
        %parallel_loop3A_494 = arith.index_cast %parallel_loop3A_166 : i32 to index
        %parallel_loop3A_495 = arith.constant 400 : index
        %parallel_loop3A_496 = tpu.vector_load %arg6[%parallel_loop3A_493, %parallel_loop3A_494, %parallel_loop3A_495] {strides = array<i32>} : memref<2x16x1024xf32, #tpu.memory_space<vmem>>, vector<1x1x16xf32>,
        %parallel_loop3A_497 = vector.shape_cast %parallel_loop3A_496 : vector<1x1x16xf32> to vector<16xf32>
        %parallel_loop3A_498 = arith.constant 0 : i32
        %parallel_loop3A_499 = arith.index_cast %parallel_loop3A_498 : i32 to index
        %parallel_loop3A_500 = arith.index_cast %parallel_loop3A_166 : i32 to index
        %parallel_loop3A_501 = arith.constant 400 : index
        %parallel_loop3A_502 = tpu.vector_load %arg7[%parallel_loop3A_499, %parallel_loop3A_500, %parallel_loop3A_501] {strides = array<i32>} : memref<2x16x999xf32, #tpu.memory_space<vmem>>, vector<1x1x16xf32>,
        %parallel_loop3A_503 = vector.shape_cast %parallel_loop3A_502 : vector<1x1x16xf32> to vector<16xf32>
        %parallel_loop3A_504 = vector.shape_cast %parallel_loop3A_497 : vector<16xf32> to vector<1x1x16xf32>
        tpu.vector_store %arg7[%parallel_loop3A_499, %parallel_loop3A_500, %parallel_loop3A_501], %parallel_loop3A_504 {strides = array<i32>} : memref<2x16x999xf32, #tpu.memory_space<vmem>>, vector<1x1x16xf32>,
        %parallel_loop3A_505 = arith.constant 0 : i32
        %parallel_loop3A_506 = arith.index_cast %parallel_loop3A_505 : i32 to index
        %parallel_loop3A_507 = arith.index_cast %parallel_loop3A_166 : i32 to index
        %parallel_loop3A_508 = arith.constant 416 : index
        %parallel_loop3A_509 = tpu.vector_load %arg6[%parallel_loop3A_506, %parallel_loop3A_507, %parallel_loop3A_508] {strides = array<i32>} : memref<2x16x1024xf32, #tpu.memory_space<vmem>>, vector<1x1x16xf32>,
        %parallel_loop3A_510 = vector.shape_cast %parallel_loop3A_509 : vector<1x1x16xf32> to vector<16xf32>
        %parallel_loop3A_511 = arith.constant 0 : i32
        %parallel_loop3A_512 = arith.index_cast %parallel_loop3A_511 : i32 to index
        %parallel_loop3A_513 = arith.index_cast %parallel_loop3A_166 : i32 to index
        %parallel_loop3A_514 = arith.constant 416 : index
        %parallel_loop3A_515 = tpu.vector_load %arg7[%parallel_loop3A_512, %parallel_loop3A_513, %parallel_loop3A_514] {strides = array<i32>} : memref<2x16x999xf32, #tpu.memory_space<vmem>>, vector<1x1x16xf32>,
        %parallel_loop3A_516 = vector.shape_cast %parallel_loop3A_515 : vector<1x1x16xf32> to vector<16xf32>
        %parallel_loop3A_517 = vector.shape_cast %parallel_loop3A_510 : vector<16xf32> to vector<1x1x16xf32>
        tpu.vector_store %arg7[%parallel_loop3A_512, %parallel_loop3A_513, %parallel_loop3A_514], %parallel_loop3A_517 {strides = array<i32>} : memref<2x16x999xf32, #tpu.memory_space<vmem>>, vector<1x1x16xf32>,
        %parallel_loop3A_518 = arith.constant 0 : i32
        %parallel_loop3A_519 = arith.index_cast %parallel_loop3A_518 : i32 to index
        %parallel_loop3A_520 = arith.index_cast %parallel_loop3A_166 : i32 to index
        %parallel_loop3A_521 = arith.constant 432 : index
        %parallel_loop3A_522 = tpu.vector_load %arg6[%parallel_loop3A_519, %parallel_loop3A_520, %parallel_loop3A_521] {strides = array<i32>} : memref<2x16x1024xf32, #tpu.memory_space<vmem>>, vector<1x1x16xf32>,
        %parallel_loop3A_523 = vector.shape_cast %parallel_loop3A_522 : vector<1x1x16xf32> to vector<16xf32>
        %parallel_loop3A_524 = arith.constant 0 : i32
        %parallel_loop3A_525 = arith.index_cast %parallel_loop3A_524 : i32 to index
        %parallel_loop3A_526 = arith.index_cast %parallel_loop3A_166 : i32 to index
        %parallel_loop3A_527 = arith.constant 432 : index
        %parallel_loop3A_528 = tpu.vector_load %arg7[%parallel_loop3A_525, %parallel_loop3A_526, %parallel_loop3A_527] {strides = array<i32>} : memref<2x16x999xf32, #tpu.memory_space<vmem>>, vector<1x1x16xf32>,
        %parallel_loop3A_529 = vector.shape_cast %parallel_loop3A_528 : vector<1x1x16xf32> to vector<16xf32>
        %parallel_loop3A_530 = vector.shape_cast %parallel_loop3A_523 : vector<16xf32> to vector<1x1x16xf32>
        tpu.vector_store %arg7[%parallel_loop3A_525, %parallel_loop3A_526, %parallel_loop3A_527], %parallel_loop3A_530 {strides = array<i32>} : memref<2x16x999xf32, #tpu.memory_space<vmem>>, vector<1x1x16xf32>,
        %parallel_loop3A_531 = arith.constant 0 : i32
        %parallel_loop3A_532 = arith.index_cast %parallel_loop3A_531 : i32 to index
        %parallel_loop3A_533 = arith.index_cast %parallel_loop3A_166 : i32 to index
        %parallel_loop3A_534 = arith.constant 448 : index
        %parallel_loop3A_535 = tpu.vector_load %arg6[%parallel_loop3A_532, %parallel_loop3A_533, %parallel_loop3A_534] {strides = array<i32>} : memref<2x16x1024xf32, #tpu.memory_space<vmem>>, vector<1x1x16xf32>,
        %parallel_loop3A_536 = vector.shape_cast %parallel_loop3A_535 : vector<1x1x16xf32> to vector<16xf32>
        %parallel_loop3A_537 = arith.constant 0 : i32
        %parallel_loop3A_538 = arith.index_cast %parallel_loop3A_537 : i32 to index
        %parallel_loop3A_539 = arith.index_cast %parallel_loop3A_166 : i32 to index
        %parallel_loop3A_540 = arith.constant 448 : index
        %parallel_loop3A_541 = tpu.vector_load %arg7[%parallel_loop3A_538, %parallel_loop3A_539, %parallel_loop3A_540] {strides = array<i32>} : memref<2x16x999xf32, #tpu.memory_space<vmem>>, vector<1x1x16xf32>,
        %parallel_loop3A_542 = vector.shape_cast %parallel_loop3A_541 : vector<1x1x16xf32> to vector<16xf32>
        %parallel_loop3A_543 = vector.shape_cast %parallel_loop3A_536 : vector<16xf32> to vector<1x1x16xf32>
        tpu.vector_store %arg7[%parallel_loop3A_538, %parallel_loop3A_539, %parallel_loop3A_540], %parallel_loop3A_543 {strides = array<i32>} : memref<2x16x999xf32, #tpu.memory_space<vmem>>, vector<1x1x16xf32>,
        %parallel_loop3A_544 = arith.constant 0 : i32
        %parallel_loop3A_545 = arith.index_cast %parallel_loop3A_544 : i32 to index
        %parallel_loop3A_546 = arith.index_cast %parallel_loop3A_166 : i32 to index
        %parallel_loop3A_547 = arith.constant 464 : index
        %parallel_loop3A_548 = tpu.vector_load %arg6[%parallel_loop3A_545, %parallel_loop3A_546, %parallel_loop3A_547] {strides = array<i32>} : memref<2x16x1024xf32, #tpu.memory_space<vmem>>, vector<1x1x16xf32>,
        %parallel_loop3A_549 = vector.shape_cast %parallel_loop3A_548 : vector<1x1x16xf32> to vector<16xf32>
        %parallel_loop3A_550 = arith.constant 0 : i32
        %parallel_loop3A_551 = arith.index_cast %parallel_loop3A_550 : i32 to index
        %parallel_loop3A_552 = arith.index_cast %parallel_loop3A_166 : i32 to index
        %parallel_loop3A_553 = arith.constant 464 : index
        %parallel_loop3A_554 = tpu.vector_load %arg7[%parallel_loop3A_551, %parallel_loop3A_552, %parallel_loop3A_553] {strides = array<i32>} : memref<2x16x999xf32, #tpu.memory_space<vmem>>, vector<1x1x16xf32>,
        %parallel_loop3A_555 = vector.shape_cast %parallel_loop3A_554 : vector<1x1x16xf32> to vector<16xf32>
        %parallel_loop3A_556 = vector.shape_cast %parallel_loop3A_549 : vector<16xf32> to vector<1x1x16xf32>
        tpu.vector_store %arg7[%parallel_loop3A_551, %parallel_loop3A_552, %parallel_loop3A_553], %parallel_loop3A_556 {strides = array<i32>} : memref<2x16x999xf32, #tpu.memory_space<vmem>>, vector<1x1x16xf32>,
        %parallel_loop3A_557 = arith.constant 0 : i32
        %parallel_loop3A_558 = arith.index_cast %parallel_loop3A_557 : i32 to index
        %parallel_loop3A_559 = arith.index_cast %parallel_loop3A_166 : i32 to index
        %parallel_loop3A_560 = arith.constant 480 : index
        %parallel_loop3A_561 = tpu.vector_load %arg6[%parallel_loop3A_558, %parallel_loop3A_559, %parallel_loop3A_560] {strides = array<i32>} : memref<2x16x1024xf32, #tpu.memory_space<vmem>>, vector<1x1x16xf32>,
        %parallel_loop3A_562 = vector.shape_cast %parallel_loop3A_561 : vector<1x1x16xf32> to vector<16xf32>
        %parallel_loop3A_563 = arith.constant 0 : i32
        %parallel_loop3A_564 = arith.index_cast %parallel_loop3A_563 : i32 to index
        %parallel_loop3A_565 = arith.index_cast %parallel_loop3A_166 : i32 to index
        %parallel_loop3A_566 = arith.constant 480 : index
        %parallel_loop3A_567 = tpu.vector_load %arg7[%parallel_loop3A_564, %parallel_loop3A_565, %parallel_loop3A_566] {strides = array<i32>} : memref<2x16x999xf32, #tpu.memory_space<vmem>>, vector<1x1x16xf32>,
        %parallel_loop3A_568 = vector.shape_cast %parallel_loop3A_567 : vector<1x1x16xf32> to vector<16xf32>
        %parallel_loop3A_569 = vector.shape_cast %parallel_loop3A_562 : vector<16xf32> to vector<1x1x16xf32>
        tpu.vector_store %arg7[%parallel_loop3A_564, %parallel_loop3A_565, %parallel_loop3A_566], %parallel_loop3A_569 {strides = array<i32>} : memref<2x16x999xf32, #tpu.memory_space<vmem>>, vector<1x1x16xf32>,
        %parallel_loop3A_570 = arith.constant 0 : i32
        %parallel_loop3A_571 = arith.index_cast %parallel_loop3A_570 : i32 to index
        %parallel_loop3A_572 = arith.index_cast %parallel_loop3A_166 : i32 to index
        %parallel_loop3A_573 = arith.constant 496 : index
        %parallel_loop3A_574 = tpu.vector_load %arg6[%parallel_loop3A_571, %parallel_loop3A_572, %parallel_loop3A_573] {strides = array<i32>} : memref<2x16x1024xf32, #tpu.memory_space<vmem>>, vector<1x1x16xf32>,
        %parallel_loop3A_575 = vector.shape_cast %parallel_loop3A_574 : vector<1x1x16xf32> to vector<16xf32>
        %parallel_loop3A_576 = arith.constant 0 : i32
        %parallel_loop3A_577 = arith.index_cast %parallel_loop3A_576 : i32 to index
        %parallel_loop3A_578 = arith.index_cast %parallel_loop3A_166 : i32 to index
        %parallel_loop3A_579 = arith.constant 496 : index
        %parallel_loop3A_580 = tpu.vector_load %arg7[%parallel_loop3A_577, %parallel_loop3A_578, %parallel_loop3A_579] {strides = array<i32>} : memref<2x16x999xf32, #tpu.memory_space<vmem>>, vector<1x1x16xf32>,
        %parallel_loop3A_581 = vector.shape_cast %parallel_loop3A_580 : vector<1x1x16xf32> to vector<16xf32>
        %parallel_loop3A_582 = vector.shape_cast %parallel_loop3A_575 : vector<16xf32> to vector<1x1x16xf32>
        tpu.vector_store %arg7[%parallel_loop3A_577, %parallel_loop3A_578, %parallel_loop3A_579], %parallel_loop3A_582 {strides = array<i32>} : memref<2x16x999xf32, #tpu.memory_space<vmem>>, vector<1x1x16xf32>,
        %parallel_loop3A_583 = arith.constant 0 : i32
        %parallel_loop3A_584 = arith.index_cast %parallel_loop3A_583 : i32 to index
        %parallel_loop3A_585 = arith.index_cast %parallel_loop3A_166 : i32 to index
        %parallel_loop3A_586 = arith.constant 512 : index
        %parallel_loop3A_587 = tpu.vector_load %arg6[%parallel_loop3A_584, %parallel_loop3A_585, %parallel_loop3A_586] {strides = array<i32>} : memref<2x16x1024xf32, #tpu.memory_space<vmem>>, vector<1x1x16xf32>,
        %parallel_loop3A_588 = vector.shape_cast %parallel_loop3A_587 : vector<1x1x16xf32> to vector<16xf32>
        %parallel_loop3A_589 = arith.constant 0 : i32
        %parallel_loop3A_590 = arith.index_cast %parallel_loop3A_589 : i32 to index
        %parallel_loop3A_591 = arith.index_cast %parallel_loop3A_166 : i32 to index
        %parallel_loop3A_592 = arith.constant 512 : index
        %parallel_loop3A_593 = tpu.vector_load %arg7[%parallel_loop3A_590, %parallel_loop3A_591, %parallel_loop3A_592] {strides = array<i32>} : memref<2x16x999xf32, #tpu.memory_space<vmem>>, vector<1x1x16xf32>,
        %parallel_loop3A_594 = vector.shape_cast %parallel_loop3A_593 : vector<1x1x16xf32> to vector<16xf32>
        %parallel_loop3A_595 = vector.shape_cast %parallel_loop3A_588 : vector<16xf32> to vector<1x1x16xf32>
        tpu.vector_store %arg7[%parallel_loop3A_590, %parallel_loop3A_591, %parallel_loop3A_592], %parallel_loop3A_595 {strides = array<i32>} : memref<2x16x999xf32, #tpu.memory_space<vmem>>, vector<1x1x16xf32>,
        %parallel_loop3A_596 = arith.constant 0 : i32
        %parallel_loop3A_597 = arith.index_cast %parallel_loop3A_596 : i32 to index
        %parallel_loop3A_598 = arith.index_cast %parallel_loop3A_166 : i32 to index
        %parallel_loop3A_599 = arith.constant 528 : index
        %parallel_loop3A_600 = tpu.vector_load %arg6[%parallel_loop3A_597, %parallel_loop3A_598, %parallel_loop3A_599] {strides = array<i32>} : memref<2x16x1024xf32, #tpu.memory_space<vmem>>, vector<1x1x16xf32>,
        %parallel_loop3A_601 = vector.shape_cast %parallel_loop3A_600 : vector<1x1x16xf32> to vector<16xf32>
        %parallel_loop3A_602 = arith.constant 0 : i32
        %parallel_loop3A_603 = arith.index_cast %parallel_loop3A_602 : i32 to index
        %parallel_loop3A_604 = arith.index_cast %parallel_loop3A_166 : i32 to index
        %parallel_loop3A_605 = arith.constant 528 : index
        %parallel_loop3A_606 = tpu.vector_load %arg7[%parallel_loop3A_603, %parallel_loop3A_604, %parallel_loop3A_605] {strides = array<i32>} : memref<2x16x999xf32, #tpu.memory_space<vmem>>, vector<1x1x16xf32>,
        %parallel_loop3A_607 = vector.shape_cast %parallel_loop3A_606 : vector<1x1x16xf32> to vector<16xf32>
        %parallel_loop3A_608 = vector.shape_cast %parallel_loop3A_601 : vector<16xf32> to vector<1x1x16xf32>
        tpu.vector_store %arg7[%parallel_loop3A_603, %parallel_loop3A_604, %parallel_loop3A_605], %parallel_loop3A_608 {strides = array<i32>} : memref<2x16x999xf32, #tpu.memory_space<vmem>>, vector<1x1x16xf32>,
        %parallel_loop3A_609 = arith.constant 0 : i32
        %parallel_loop3A_610 = arith.index_cast %parallel_loop3A_609 : i32 to index
        %parallel_loop3A_611 = arith.index_cast %parallel_loop3A_166 : i32 to index
        %parallel_loop3A_612 = arith.constant 544 : index
        %parallel_loop3A_613 = tpu.vector_load %arg6[%parallel_loop3A_610, %parallel_loop3A_611, %parallel_loop3A_612] {strides = array<i32>} : memref<2x16x1024xf32, #tpu.memory_space<vmem>>, vector<1x1x16xf32>,
        %parallel_loop3A_614 = vector.shape_cast %parallel_loop3A_613 : vector<1x1x16xf32> to vector<16xf32>
        %parallel_loop3A_615 = arith.constant 0 : i32
        %parallel_loop3A_616 = arith.index_cast %parallel_loop3A_615 : i32 to index
        %parallel_loop3A_617 = arith.index_cast %parallel_loop3A_166 : i32 to index
        %parallel_loop3A_618 = arith.constant 544 : index
        %parallel_loop3A_619 = tpu.vector_load %arg7[%parallel_loop3A_616, %parallel_loop3A_617, %parallel_loop3A_618] {strides = array<i32>} : memref<2x16x999xf32, #tpu.memory_space<vmem>>, vector<1x1x16xf32>,
        %parallel_loop3A_620 = vector.shape_cast %parallel_loop3A_619 : vector<1x1x16xf32> to vector<16xf32>
        %parallel_loop3A_621 = vector.shape_cast %parallel_loop3A_614 : vector<16xf32> to vector<1x1x16xf32>
        tpu.vector_store %arg7[%parallel_loop3A_616, %parallel_loop3A_617, %parallel_loop3A_618], %parallel_loop3A_621 {strides = array<i32>} : memref<2x16x999xf32, #tpu.memory_space<vmem>>, vector<1x1x16xf32>,
        %parallel_loop3A_622 = arith.constant 0 : i32
        %parallel_loop3A_623 = arith.index_cast %parallel_loop3A_622 : i32 to index
        %parallel_loop3A_624 = arith.index_cast %parallel_loop3A_166 : i32 to index
        %parallel_loop3A_625 = arith.constant 560 : index
        %parallel_loop3A_626 = tpu.vector_load %arg6[%parallel_loop3A_623, %parallel_loop3A_624, %parallel_loop3A_625] {strides = array<i32>} : memref<2x16x1024xf32, #tpu.memory_space<vmem>>, vector<1x1x16xf32>,
        %parallel_loop3A_627 = vector.shape_cast %parallel_loop3A_626 : vector<1x1x16xf32> to vector<16xf32>
        %parallel_loop3A_628 = arith.constant 0 : i32
        %parallel_loop3A_629 = arith.index_cast %parallel_loop3A_628 : i32 to index
        %parallel_loop3A_630 = arith.index_cast %parallel_loop3A_166 : i32 to index
        %parallel_loop3A_631 = arith.constant 560 : index
        %parallel_loop3A_632 = tpu.vector_load %arg7[%parallel_loop3A_629, %parallel_loop3A_630, %parallel_loop3A_631] {strides = array<i32>} : memref<2x16x999xf32, #tpu.memory_space<vmem>>, vector<1x1x16xf32>,
        %parallel_loop3A_633 = vector.shape_cast %parallel_loop3A_632 : vector<1x1x16xf32> to vector<16xf32>
        %parallel_loop3A_634 = vector.shape_cast %parallel_loop3A_627 : vector<16xf32> to vector<1x1x16xf32>
        tpu.vector_store %arg7[%parallel_loop3A_629, %parallel_loop3A_630, %parallel_loop3A_631], %parallel_loop3A_634 {strides = array<i32>} : memref<2x16x999xf32, #tpu.memory_space<vmem>>, vector<1x1x16xf32>,
        %parallel_loop3A_635 = arith.constant 0 : i32
        %parallel_loop3A_636 = arith.index_cast %parallel_loop3A_635 : i32 to index
        %parallel_loop3A_637 = arith.index_cast %parallel_loop3A_166 : i32 to index
        %parallel_loop3A_638 = arith.constant 576 : index
        %parallel_loop3A_639 = tpu.vector_load %arg6[%parallel_loop3A_636, %parallel_loop3A_637, %parallel_loop3A_638] {strides = array<i32>} : memref<2x16x1024xf32, #tpu.memory_space<vmem>>, vector<1x1x16xf32>,
        %parallel_loop3A_640 = vector.shape_cast %parallel_loop3A_639 : vector<1x1x16xf32> to vector<16xf32>
        %parallel_loop3A_641 = arith.constant 0 : i32
        %parallel_loop3A_642 = arith.index_cast %parallel_loop3A_641 : i32 to index
        %parallel_loop3A_643 = arith.index_cast %parallel_loop3A_166 : i32 to index
        %parallel_loop3A_644 = arith.constant 576 : index
        %parallel_loop3A_645 = tpu.vector_load %arg7[%parallel_loop3A_642, %parallel_loop3A_643, %parallel_loop3A_644] {strides = array<i32>} : memref<2x16x999xf32, #tpu.memory_space<vmem>>, vector<1x1x16xf32>,
        %parallel_loop3A_646 = vector.shape_cast %parallel_loop3A_645 : vector<1x1x16xf32> to vector<16xf32>
        %parallel_loop3A_647 = vector.shape_cast %parallel_loop3A_640 : vector<16xf32> to vector<1x1x16xf32>
        tpu.vector_store %arg7[%parallel_loop3A_642, %parallel_loop3A_643, %parallel_loop3A_644], %parallel_loop3A_647 {strides = array<i32>} : memref<2x16x999xf32, #tpu.memory_space<vmem>>, vector<1x1x16xf32>,
        %parallel_loop3A_648 = arith.constant 0 : i32
        %parallel_loop3A_649 = arith.index_cast %parallel_loop3A_648 : i32 to index
        %parallel_loop3A_650 = arith.index_cast %parallel_loop3A_166 : i32 to index
        %parallel_loop3A_651 = arith.constant 592 : index
        %parallel_loop3A_652 = tpu.vector_load %arg6[%parallel_loop3A_649, %parallel_loop3A_650, %parallel_loop3A_651] {strides = array<i32>} : memref<2x16x1024xf32, #tpu.memory_space<vmem>>, vector<1x1x16xf32>,
        %parallel_loop3A_653 = vector.shape_cast %parallel_loop3A_652 : vector<1x1x16xf32> to vector<16xf32>
        %parallel_loop3A_654 = arith.constant 0 : i32
        %parallel_loop3A_655 = arith.index_cast %parallel_loop3A_654 : i32 to index
        %parallel_loop3A_656 = arith.index_cast %parallel_loop3A_166 : i32 to index
        %parallel_loop3A_657 = arith.constant 592 : index
        %parallel_loop3A_658 = tpu.vector_load %arg7[%parallel_loop3A_655, %parallel_loop3A_656, %parallel_loop3A_657] {strides = array<i32>} : memref<2x16x999xf32, #tpu.memory_space<vmem>>, vector<1x1x16xf32>,
        %parallel_loop3A_659 = vector.shape_cast %parallel_loop3A_658 : vector<1x1x16xf32> to vector<16xf32>
        %parallel_loop3A_660 = vector.shape_cast %parallel_loop3A_653 : vector<16xf32> to vector<1x1x16xf32>
        tpu.vector_store %arg7[%parallel_loop3A_655, %parallel_loop3A_656, %parallel_loop3A_657], %parallel_loop3A_660 {strides = array<i32>} : memref<2x16x999xf32, #tpu.memory_space<vmem>>, vector<1x1x16xf32>,
        %parallel_loop3A_661 = arith.constant 0 : i32
        %parallel_loop3A_662 = arith.index_cast %parallel_loop3A_661 : i32 to index
        %parallel_loop3A_663 = arith.index_cast %parallel_loop3A_166 : i32 to index
        %parallel_loop3A_664 = arith.constant 608 : index
        %parallel_loop3A_665 = tpu.vector_load %arg6[%parallel_loop3A_662, %parallel_loop3A_663, %parallel_loop3A_664] {strides = array<i32>} : memref<2x16x1024xf32, #tpu.memory_space<vmem>>, vector<1x1x16xf32>,
        %parallel_loop3A_666 = vector.shape_cast %parallel_loop3A_665 : vector<1x1x16xf32> to vector<16xf32>
        %parallel_loop3A_667 = arith.constant 0 : i32
        %parallel_loop3A_668 = arith.index_cast %parallel_loop3A_667 : i32 to index
        %parallel_loop3A_669 = arith.index_cast %parallel_loop3A_166 : i32 to index
        %parallel_loop3A_670 = arith.constant 608 : index
        %parallel_loop3A_671 = tpu.vector_load %arg7[%parallel_loop3A_668, %parallel_loop3A_669, %parallel_loop3A_670] {strides = array<i32>} : memref<2x16x999xf32, #tpu.memory_space<vmem>>, vector<1x1x16xf32>,
        %parallel_loop3A_672 = vector.shape_cast %parallel_loop3A_671 : vector<1x1x16xf32> to vector<16xf32>
        %parallel_loop3A_673 = vector.shape_cast %parallel_loop3A_666 : vector<16xf32> to vector<1x1x16xf32>
        tpu.vector_store %arg7[%parallel_loop3A_668, %parallel_loop3A_669, %parallel_loop3A_670], %parallel_loop3A_673 {strides = array<i32>} : memref<2x16x999xf32, #tpu.memory_space<vmem>>, vector<1x1x16xf32>,
        %parallel_loop3A_674 = arith.constant 0 : i32
        %parallel_loop3A_675 = arith.index_cast %parallel_loop3A_674 : i32 to index
        %parallel_loop3A_676 = arith.index_cast %parallel_loop3A_166 : i32 to index
        %parallel_loop3A_677 = arith.constant 624 : index
        %parallel_loop3A_678 = tpu.vector_load %arg6[%parallel_loop3A_675, %parallel_loop3A_676, %parallel_loop3A_677] {strides = array<i32>} : memref<2x16x1024xf32, #tpu.memory_space<vmem>>, vector<1x1x16xf32>,
        %parallel_loop3A_679 = vector.shape_cast %parallel_loop3A_678 : vector<1x1x16xf32> to vector<16xf32>
        %parallel_loop3A_680 = arith.constant 0 : i32
        %parallel_loop3A_681 = arith.index_cast %parallel_loop3A_680 : i32 to index
        %parallel_loop3A_682 = arith.index_cast %parallel_loop3A_166 : i32 to index
        %parallel_loop3A_683 = arith.constant 624 : index
        %parallel_loop3A_684 = tpu.vector_load %arg7[%parallel_loop3A_681, %parallel_loop3A_682, %parallel_loop3A_683] {strides = array<i32>} : memref<2x16x999xf32, #tpu.memory_space<vmem>>, vector<1x1x16xf32>,
        %parallel_loop3A_685 = vector.shape_cast %parallel_loop3A_684 : vector<1x1x16xf32> to vector<16xf32>
        %parallel_loop3A_686 = vector.shape_cast %parallel_loop3A_679 : vector<16xf32> to vector<1x1x16xf32>
        tpu.vector_store %arg7[%parallel_loop3A_681, %parallel_loop3A_682, %parallel_loop3A_683], %parallel_loop3A_686 {strides = array<i32>} : memref<2x16x999xf32, #tpu.memory_space<vmem>>, vector<1x1x16xf32>,
        %parallel_loop3A_687 = arith.constant 0 : i32
        %parallel_loop3A_688 = arith.index_cast %parallel_loop3A_687 : i32 to index
        %parallel_loop3A_689 = arith.index_cast %parallel_loop3A_166 : i32 to index
        %parallel_loop3A_690 = arith.constant 640 : index
        %parallel_loop3A_691 = tpu.vector_load %arg6[%parallel_loop3A_688, %parallel_loop3A_689, %parallel_loop3A_690] {strides = array<i32>} : memref<2x16x1024xf32, #tpu.memory_space<vmem>>, vector<1x1x16xf32>,
        %parallel_loop3A_692 = vector.shape_cast %parallel_loop3A_691 : vector<1x1x16xf32> to vector<16xf32>
        %parallel_loop3A_693 = arith.constant 0 : i32
        %parallel_loop3A_694 = arith.index_cast %parallel_loop3A_693 : i32 to index
        %parallel_loop3A_695 = arith.index_cast %parallel_loop3A_166 : i32 to index
        %parallel_loop3A_696 = arith.constant 640 : index
        %parallel_loop3A_697 = tpu.vector_load %arg7[%parallel_loop3A_694, %parallel_loop3A_695, %parallel_loop3A_696] {strides = array<i32>} : memref<2x16x999xf32, #tpu.memory_space<vmem>>, vector<1x1x16xf32>,
        %parallel_loop3A_698 = vector.shape_cast %parallel_loop3A_697 : vector<1x1x16xf32> to vector<16xf32>
        %parallel_loop3A_699 = vector.shape_cast %parallel_loop3A_692 : vector<16xf32> to vector<1x1x16xf32>
        tpu.vector_store %arg7[%parallel_loop3A_694, %parallel_loop3A_695, %parallel_loop3A_696], %parallel_loop3A_699 {strides = array<i32>} : memref<2x16x999xf32, #tpu.memory_space<vmem>>, vector<1x1x16xf32>,
        %parallel_loop3A_700 = arith.constant 0 : i32
        %parallel_loop3A_701 = arith.index_cast %parallel_loop3A_700 : i32 to index
        %parallel_loop3A_702 = arith.index_cast %parallel_loop3A_166 : i32 to index
        %parallel_loop3A_703 = arith.constant 656 : index
        %parallel_loop3A_704 = tpu.vector_load %arg6[%parallel_loop3A_701, %parallel_loop3A_702, %parallel_loop3A_703] {strides = array<i32>} : memref<2x16x1024xf32, #tpu.memory_space<vmem>>, vector<1x1x16xf32>,
        %parallel_loop3A_705 = vector.shape_cast %parallel_loop3A_704 : vector<1x1x16xf32> to vector<16xf32>
        %parallel_loop3A_706 = arith.constant 0 : i32
        %parallel_loop3A_707 = arith.index_cast %parallel_loop3A_706 : i32 to index
        %parallel_loop3A_708 = arith.index_cast %parallel_loop3A_166 : i32 to index
        %parallel_loop3A_709 = arith.constant 656 : index
        %parallel_loop3A_710 = tpu.vector_load %arg7[%parallel_loop3A_707, %parallel_loop3A_708, %parallel_loop3A_709] {strides = array<i32>} : memref<2x16x999xf32, #tpu.memory_space<vmem>>, vector<1x1x16xf32>,
        %parallel_loop3A_711 = vector.shape_cast %parallel_loop3A_710 : vector<1x1x16xf32> to vector<16xf32>
        %parallel_loop3A_712 = vector.shape_cast %parallel_loop3A_705 : vector<16xf32> to vector<1x1x16xf32>
        tpu.vector_store %arg7[%parallel_loop3A_707, %parallel_loop3A_708, %parallel_loop3A_709], %parallel_loop3A_712 {strides = array<i32>} : memref<2x16x999xf32, #tpu.memory_space<vmem>>, vector<1x1x16xf32>,
        %parallel_loop3A_713 = arith.constant 0 : i32
        %parallel_loop3A_714 = arith.index_cast %parallel_loop3A_713 : i32 to index
        %parallel_loop3A_715 = arith.index_cast %parallel_loop3A_166 : i32 to index
        %parallel_loop3A_716 = arith.constant 672 : index
        %parallel_loop3A_717 = tpu.vector_load %arg6[%parallel_loop3A_714, %parallel_loop3A_715, %parallel_loop3A_716] {strides = array<i32>} : memref<2x16x1024xf32, #tpu.memory_space<vmem>>, vector<1x1x16xf32>,
        %parallel_loop3A_718 = vector.shape_cast %parallel_loop3A_717 : vector<1x1x16xf32> to vector<16xf32>
        %parallel_loop3A_719 = arith.constant 0 : i32
        %parallel_loop3A_720 = arith.index_cast %parallel_loop3A_719 : i32 to index
        %parallel_loop3A_721 = arith.index_cast %parallel_loop3A_166 : i32 to index
        %parallel_loop3A_722 = arith.constant 672 : index
        %parallel_loop3A_723 = tpu.vector_load %arg7[%parallel_loop3A_720, %parallel_loop3A_721, %parallel_loop3A_722] {strides = array<i32>} : memref<2x16x999xf32, #tpu.memory_space<vmem>>, vector<1x1x16xf32>,
        %parallel_loop3A_724 = vector.shape_cast %parallel_loop3A_723 : vector<1x1x16xf32> to vector<16xf32>
        %parallel_loop3A_725 = vector.shape_cast %parallel_loop3A_718 : vector<16xf32> to vector<1x1x16xf32>
        tpu.vector_store %arg7[%parallel_loop3A_720, %parallel_loop3A_721, %parallel_loop3A_722], %parallel_loop3A_725 {strides = array<i32>} : memref<2x16x999xf32, #tpu.memory_space<vmem>>, vector<1x1x16xf32>,
        %parallel_loop3A_726 = arith.constant 0 : i32
        %parallel_loop3A_727 = arith.index_cast %parallel_loop3A_726 : i32 to index
        %parallel_loop3A_728 = arith.index_cast %parallel_loop3A_166 : i32 to index
        %parallel_loop3A_729 = arith.constant 688 : index
        %parallel_loop3A_730 = tpu.vector_load %arg6[%parallel_loop3A_727, %parallel_loop3A_728, %parallel_loop3A_729] {strides = array<i32>} : memref<2x16x1024xf32, #tpu.memory_space<vmem>>, vector<1x1x16xf32>,
        %parallel_loop3A_731 = vector.shape_cast %parallel_loop3A_730 : vector<1x1x16xf32> to vector<16xf32>
        %parallel_loop3A_732 = arith.constant 0 : i32
        %parallel_loop3A_733 = arith.index_cast %parallel_loop3A_732 : i32 to index
        %parallel_loop3A_734 = arith.index_cast %parallel_loop3A_166 : i32 to index
        %parallel_loop3A_735 = arith.constant 688 : index
        %parallel_loop3A_736 = tpu.vector_load %arg7[%parallel_loop3A_733, %parallel_loop3A_734, %parallel_loop3A_735] {strides = array<i32>} : memref<2x16x999xf32, #tpu.memory_space<vmem>>, vector<1x1x16xf32>,
        %parallel_loop3A_737 = vector.shape_cast %parallel_loop3A_736 : vector<1x1x16xf32> to vector<16xf32>
        %parallel_loop3A_738 = vector.shape_cast %parallel_loop3A_731 : vector<16xf32> to vector<1x1x16xf32>
        tpu.vector_store %arg7[%parallel_loop3A_733, %parallel_loop3A_734, %parallel_loop3A_735], %parallel_loop3A_738 {strides = array<i32>} : memref<2x16x999xf32, #tpu.memory_space<vmem>>, vector<1x1x16xf32>,
        %parallel_loop3A_739 = arith.constant 0 : i32
        %parallel_loop3A_740 = arith.index_cast %parallel_loop3A_739 : i32 to index
        %parallel_loop3A_741 = arith.index_cast %parallel_loop3A_166 : i32 to index
        %parallel_loop3A_742 = arith.constant 704 : index
        %parallel_loop3A_743 = tpu.vector_load %arg6[%parallel_loop3A_740, %parallel_loop3A_741, %parallel_loop3A_742] {strides = array<i32>} : memref<2x16x1024xf32, #tpu.memory_space<vmem>>, vector<1x1x16xf32>,
        %parallel_loop3A_744 = vector.shape_cast %parallel_loop3A_743 : vector<1x1x16xf32> to vector<16xf32>
        %parallel_loop3A_745 = arith.constant 0 : i32
        %parallel_loop3A_746 = arith.index_cast %parallel_loop3A_745 : i32 to index
        %parallel_loop3A_747 = arith.index_cast %parallel_loop3A_166 : i32 to index
        %parallel_loop3A_748 = arith.constant 704 : index
        %parallel_loop3A_749 = tpu.vector_load %arg7[%parallel_loop3A_746, %parallel_loop3A_747, %parallel_loop3A_748] {strides = array<i32>} : memref<2x16x999xf32, #tpu.memory_space<vmem>>, vector<1x1x16xf32>,
        %parallel_loop3A_750 = vector.shape_cast %parallel_loop3A_749 : vector<1x1x16xf32> to vector<16xf32>
        %parallel_loop3A_751 = vector.shape_cast %parallel_loop3A_744 : vector<16xf32> to vector<1x1x16xf32>
        tpu.vector_store %arg7[%parallel_loop3A_746, %parallel_loop3A_747, %parallel_loop3A_748], %parallel_loop3A_751 {strides = array<i32>} : memref<2x16x999xf32, #tpu.memory_space<vmem>>, vector<1x1x16xf32>,
        %parallel_loop3A_752 = arith.constant 0 : i32
        %parallel_loop3A_753 = arith.index_cast %parallel_loop3A_752 : i32 to index
        %parallel_loop3A_754 = arith.index_cast %parallel_loop3A_166 : i32 to index
        %parallel_loop3A_755 = arith.constant 720 : index
        %parallel_loop3A_756 = tpu.vector_load %arg6[%parallel_loop3A_753, %parallel_loop3A_754, %parallel_loop3A_755] {strides = array<i32>} : memref<2x16x1024xf32, #tpu.memory_space<vmem>>, vector<1x1x16xf32>,
        %parallel_loop3A_757 = vector.shape_cast %parallel_loop3A_756 : vector<1x1x16xf32> to vector<16xf32>
        %parallel_loop3A_758 = arith.constant 0 : i32
        %parallel_loop3A_759 = arith.index_cast %parallel_loop3A_758 : i32 to index
        %parallel_loop3A_760 = arith.index_cast %parallel_loop3A_166 : i32 to index
        %parallel_loop3A_761 = arith.constant 720 : index
        %parallel_loop3A_762 = tpu.vector_load %arg7[%parallel_loop3A_759, %parallel_loop3A_760, %parallel_loop3A_761] {strides = array<i32>} : memref<2x16x999xf32, #tpu.memory_space<vmem>>, vector<1x1x16xf32>,
        %parallel_loop3A_763 = vector.shape_cast %parallel_loop3A_762 : vector<1x1x16xf32> to vector<16xf32>
        %parallel_loop3A_764 = vector.shape_cast %parallel_loop3A_757 : vector<16xf32> to vector<1x1x16xf32>
        tpu.vector_store %arg7[%parallel_loop3A_759, %parallel_loop3A_760, %parallel_loop3A_761], %parallel_loop3A_764 {strides = array<i32>} : memref<2x16x999xf32, #tpu.memory_space<vmem>>, vector<1x1x16xf32>,
        %parallel_loop3A_765 = arith.constant 0 : i32
        %parallel_loop3A_766 = arith.index_cast %parallel_loop3A_765 : i32 to index
        %parallel_loop3A_767 = arith.index_cast %parallel_loop3A_166 : i32 to index
        %parallel_loop3A_768 = arith.constant 736 : index
        %parallel_loop3A_769 = tpu.vector_load %arg6[%parallel_loop3A_766, %parallel_loop3A_767, %parallel_loop3A_768] {strides = array<i32>} : memref<2x16x1024xf32, #tpu.memory_space<vmem>>, vector<1x1x16xf32>,
        %parallel_loop3A_770 = vector.shape_cast %parallel_loop3A_769 : vector<1x1x16xf32> to vector<16xf32>
        %parallel_loop3A_771 = arith.constant 0 : i32
        %parallel_loop3A_772 = arith.index_cast %parallel_loop3A_771 : i32 to index
        %parallel_loop3A_773 = arith.index_cast %parallel_loop3A_166 : i32 to index
        %parallel_loop3A_774 = arith.constant 736 : index
        %parallel_loop3A_775 = tpu.vector_load %arg7[%parallel_loop3A_772, %parallel_loop3A_773, %parallel_loop3A_774] {strides = array<i32>} : memref<2x16x999xf32, #tpu.memory_space<vmem>>, vector<1x1x16xf32>,
        %parallel_loop3A_776 = vector.shape_cast %parallel_loop3A_775 : vector<1x1x16xf32> to vector<16xf32>
        %parallel_loop3A_777 = vector.shape_cast %parallel_loop3A_770 : vector<16xf32> to vector<1x1x16xf32>
        tpu.vector_store %arg7[%parallel_loop3A_772, %parallel_loop3A_773, %parallel_loop3A_774], %parallel_loop3A_777 {strides = array<i32>} : memref<2x16x999xf32, #tpu.memory_space<vmem>>, vector<1x1x16xf32>,
        %parallel_loop3A_778 = arith.constant 0 : i32
        %parallel_loop3A_779 = arith.index_cast %parallel_loop3A_778 : i32 to index
        %parallel_loop3A_780 = arith.index_cast %parallel_loop3A_166 : i32 to index
        %parallel_loop3A_781 = arith.constant 752 : index
        %parallel_loop3A_782 = tpu.vector_load %arg6[%parallel_loop3A_779, %parallel_loop3A_780, %parallel_loop3A_781] {strides = array<i32>} : memref<2x16x1024xf32, #tpu.memory_space<vmem>>, vector<1x1x16xf32>,
        %parallel_loop3A_783 = vector.shape_cast %parallel_loop3A_782 : vector<1x1x16xf32> to vector<16xf32>
        %parallel_loop3A_784 = arith.constant 0 : i32
        %parallel_loop3A_785 = arith.index_cast %parallel_loop3A_784 : i32 to index
        %parallel_loop3A_786 = arith.index_cast %parallel_loop3A_166 : i32 to index
        %parallel_loop3A_787 = arith.constant 752 : index
        %parallel_loop3A_788 = tpu.vector_load %arg7[%parallel_loop3A_785, %parallel_loop3A_786, %parallel_loop3A_787] {strides = array<i32>} : memref<2x16x999xf32, #tpu.memory_space<vmem>>, vector<1x1x16xf32>,
        %parallel_loop3A_789 = vector.shape_cast %parallel_loop3A_788 : vector<1x1x16xf32> to vector<16xf32>
        %parallel_loop3A_790 = vector.shape_cast %parallel_loop3A_783 : vector<16xf32> to vector<1x1x16xf32>
        tpu.vector_store %arg7[%parallel_loop3A_785, %parallel_loop3A_786, %parallel_loop3A_787], %parallel_loop3A_790 {strides = array<i32>} : memref<2x16x999xf32, #tpu.memory_space<vmem>>, vector<1x1x16xf32>,
        %parallel_loop3A_791 = arith.constant 0 : i32
        %parallel_loop3A_792 = arith.index_cast %parallel_loop3A_791 : i32 to index
        %parallel_loop3A_793 = arith.index_cast %parallel_loop3A_166 : i32 to index
        %parallel_loop3A_794 = arith.constant 768 : index
        %parallel_loop3A_795 = tpu.vector_load %arg6[%parallel_loop3A_792, %parallel_loop3A_793, %parallel_loop3A_794] {strides = array<i32>} : memref<2x16x1024xf32, #tpu.memory_space<vmem>>, vector<1x1x16xf32>,
        %parallel_loop3A_796 = vector.shape_cast %parallel_loop3A_795 : vector<1x1x16xf32> to vector<16xf32>
        %parallel_loop3A_797 = arith.constant 0 : i32
        %parallel_loop3A_798 = arith.index_cast %parallel_loop3A_797 : i32 to index
        %parallel_loop3A_799 = arith.index_cast %parallel_loop3A_166 : i32 to index
        %parallel_loop3A_800 = arith.constant 768 : index
        %parallel_loop3A_801 = tpu.vector_load %arg7[%parallel_loop3A_798, %parallel_loop3A_799, %parallel_loop3A_800] {strides = array<i32>} : memref<2x16x999xf32, #tpu.memory_space<vmem>>, vector<1x1x16xf32>,
        %parallel_loop3A_802 = vector.shape_cast %parallel_loop3A_801 : vector<1x1x16xf32> to vector<16xf32>
        %parallel_loop3A_803 = vector.shape_cast %parallel_loop3A_796 : vector<16xf32> to vector<1x1x16xf32>
        tpu.vector_store %arg7[%parallel_loop3A_798, %parallel_loop3A_799, %parallel_loop3A_800], %parallel_loop3A_803 {strides = array<i32>} : memref<2x16x999xf32, #tpu.memory_space<vmem>>, vector<1x1x16xf32>,
        %parallel_loop3A_804 = arith.constant 0 : i32
        %parallel_loop3A_805 = arith.index_cast %parallel_loop3A_804 : i32 to index
        %parallel_loop3A_806 = arith.index_cast %parallel_loop3A_166 : i32 to index
        %parallel_loop3A_807 = arith.constant 784 : index
        %parallel_loop3A_808 = tpu.vector_load %arg6[%parallel_loop3A_805, %parallel_loop3A_806, %parallel_loop3A_807] {strides = array<i32>} : memref<2x16x1024xf32, #tpu.memory_space<vmem>>, vector<1x1x16xf32>,
        %parallel_loop3A_809 = vector.shape_cast %parallel_loop3A_808 : vector<1x1x16xf32> to vector<16xf32>
        %parallel_loop3A_810 = arith.constant 0 : i32
        %parallel_loop3A_811 = arith.index_cast %parallel_loop3A_810 : i32 to index
        %parallel_loop3A_812 = arith.index_cast %parallel_loop3A_166 : i32 to index
        %parallel_loop3A_813 = arith.constant 784 : index
        %parallel_loop3A_814 = tpu.vector_load %arg7[%parallel_loop3A_811, %parallel_loop3A_812, %parallel_loop3A_813] {strides = array<i32>} : memref<2x16x999xf32, #tpu.memory_space<vmem>>, vector<1x1x16xf32>,
        %parallel_loop3A_815 = vector.shape_cast %parallel_loop3A_814 : vector<1x1x16xf32> to vector<16xf32>
        %parallel_loop3A_816 = vector.shape_cast %parallel_loop3A_809 : vector<16xf32> to vector<1x1x16xf32>
        tpu.vector_store %arg7[%parallel_loop3A_811, %parallel_loop3A_812, %parallel_loop3A_813], %parallel_loop3A_816 {strides = array<i32>} : memref<2x16x999xf32, #tpu.memory_space<vmem>>, vector<1x1x16xf32>,
        %parallel_loop3A_817 = arith.constant 0 : i32
        %parallel_loop3A_818 = arith.index_cast %parallel_loop3A_817 : i32 to index
        %parallel_loop3A_819 = arith.index_cast %parallel_loop3A_166 : i32 to index
        %parallel_loop3A_820 = arith.constant 800 : index
        %parallel_loop3A_821 = tpu.vector_load %arg6[%parallel_loop3A_818, %parallel_loop3A_819, %parallel_loop3A_820] {strides = array<i32>} : memref<2x16x1024xf32, #tpu.memory_space<vmem>>, vector<1x1x16xf32>,
        %parallel_loop3A_822 = vector.shape_cast %parallel_loop3A_821 : vector<1x1x16xf32> to vector<16xf32>
        %parallel_loop3A_823 = arith.constant 0 : i32
        %parallel_loop3A_824 = arith.index_cast %parallel_loop3A_823 : i32 to index
        %parallel_loop3A_825 = arith.index_cast %parallel_loop3A_166 : i32 to index
        %parallel_loop3A_826 = arith.constant 800 : index
        %parallel_loop3A_827 = tpu.vector_load %arg7[%parallel_loop3A_824, %parallel_loop3A_825, %parallel_loop3A_826] {strides = array<i32>} : memref<2x16x999xf32, #tpu.memory_space<vmem>>, vector<1x1x16xf32>,
        %parallel_loop3A_828 = vector.shape_cast %parallel_loop3A_827 : vector<1x1x16xf32> to vector<16xf32>
        %parallel_loop3A_829 = vector.shape_cast %parallel_loop3A_822 : vector<16xf32> to vector<1x1x16xf32>
        tpu.vector_store %arg7[%parallel_loop3A_824, %parallel_loop3A_825, %parallel_loop3A_826], %parallel_loop3A_829 {strides = array<i32>} : memref<2x16x999xf32, #tpu.memory_space<vmem>>, vector<1x1x16xf32>,
        %parallel_loop3A_830 = arith.constant 0 : i32
        %parallel_loop3A_831 = arith.index_cast %parallel_loop3A_830 : i32 to index
        %parallel_loop3A_832 = arith.index_cast %parallel_loop3A_166 : i32 to index
        %parallel_loop3A_833 = arith.constant 816 : index
        %parallel_loop3A_834 = tpu.vector_load %arg6[%parallel_loop3A_831, %parallel_loop3A_832, %parallel_loop3A_833] {strides = array<i32>} : memref<2x16x1024xf32, #tpu.memory_space<vmem>>, vector<1x1x16xf32>,
        %parallel_loop3A_835 = vector.shape_cast %parallel_loop3A_834 : vector<1x1x16xf32> to vector<16xf32>
        %parallel_loop3A_836 = arith.constant 0 : i32
        %parallel_loop3A_837 = arith.index_cast %parallel_loop3A_836 : i32 to index
        %parallel_loop3A_838 = arith.index_cast %parallel_loop3A_166 : i32 to index
        %parallel_loop3A_839 = arith.constant 816 : index
        %parallel_loop3A_840 = tpu.vector_load %arg7[%parallel_loop3A_837, %parallel_loop3A_838, %parallel_loop3A_839] {strides = array<i32>} : memref<2x16x999xf32, #tpu.memory_space<vmem>>, vector<1x1x16xf32>,
        %parallel_loop3A_841 = vector.shape_cast %parallel_loop3A_840 : vector<1x1x16xf32> to vector<16xf32>
        %parallel_loop3A_842 = vector.shape_cast %parallel_loop3A_835 : vector<16xf32> to vector<1x1x16xf32>
        tpu.vector_store %arg7[%parallel_loop3A_837, %parallel_loop3A_838, %parallel_loop3A_839], %parallel_loop3A_842 {strides = array<i32>} : memref<2x16x999xf32, #tpu.memory_space<vmem>>, vector<1x1x16xf32>,
        %parallel_loop3A_843 = arith.constant 0 : i32
        %parallel_loop3A_844 = arith.index_cast %parallel_loop3A_843 : i32 to index
        %parallel_loop3A_845 = arith.index_cast %parallel_loop3A_166 : i32 to index
        %parallel_loop3A_846 = arith.constant 832 : index
        %parallel_loop3A_847 = tpu.vector_load %arg6[%parallel_loop3A_844, %parallel_loop3A_845, %parallel_loop3A_846] {strides = array<i32>} : memref<2x16x1024xf32, #tpu.memory_space<vmem>>, vector<1x1x16xf32>,
        %parallel_loop3A_848 = vector.shape_cast %parallel_loop3A_847 : vector<1x1x16xf32> to vector<16xf32>
        %parallel_loop3A_849 = arith.constant 0 : i32
        %parallel_loop3A_850 = arith.index_cast %parallel_loop3A_849 : i32 to index
        %parallel_loop3A_851 = arith.index_cast %parallel_loop3A_166 : i32 to index
        %parallel_loop3A_852 = arith.constant 832 : index
        %parallel_loop3A_853 = tpu.vector_load %arg7[%parallel_loop3A_850, %parallel_loop3A_851, %parallel_loop3A_852] {strides = array<i32>} : memref<2x16x999xf32, #tpu.memory_space<vmem>>, vector<1x1x16xf32>,
        %parallel_loop3A_854 = vector.shape_cast %parallel_loop3A_853 : vector<1x1x16xf32> to vector<16xf32>
        %parallel_loop3A_855 = vector.shape_cast %parallel_loop3A_848 : vector<16xf32> to vector<1x1x16xf32>
        tpu.vector_store %arg7[%parallel_loop3A_850, %parallel_loop3A_851, %parallel_loop3A_852], %parallel_loop3A_855 {strides = array<i32>} : memref<2x16x999xf32, #tpu.memory_space<vmem>>, vector<1x1x16xf32>,
        %parallel_loop3A_856 = arith.constant 0 : i32
        %parallel_loop3A_857 = arith.index_cast %parallel_loop3A_856 : i32 to index
        %parallel_loop3A_858 = arith.index_cast %parallel_loop3A_166 : i32 to index
        %parallel_loop3A_859 = arith.constant 848 : index
        %parallel_loop3A_860 = tpu.vector_load %arg6[%parallel_loop3A_857, %parallel_loop3A_858, %parallel_loop3A_859] {strides = array<i32>} : memref<2x16x1024xf32, #tpu.memory_space<vmem>>, vector<1x1x16xf32>,
        %parallel_loop3A_861 = vector.shape_cast %parallel_loop3A_860 : vector<1x1x16xf32> to vector<16xf32>
        %parallel_loop3A_862 = arith.constant 0 : i32
        %parallel_loop3A_863 = arith.index_cast %parallel_loop3A_862 : i32 to index
        %parallel_loop3A_864 = arith.index_cast %parallel_loop3A_166 : i32 to index
        %parallel_loop3A_865 = arith.constant 848 : index
        %parallel_loop3A_866 = tpu.vector_load %arg7[%parallel_loop3A_863, %parallel_loop3A_864, %parallel_loop3A_865] {strides = array<i32>} : memref<2x16x999xf32, #tpu.memory_space<vmem>>, vector<1x1x16xf32>,
        %parallel_loop3A_867 = vector.shape_cast %parallel_loop3A_866 : vector<1x1x16xf32> to vector<16xf32>
        %parallel_loop3A_868 = vector.shape_cast %parallel_loop3A_861 : vector<16xf32> to vector<1x1x16xf32>
        tpu.vector_store %arg7[%parallel_loop3A_863, %parallel_loop3A_864, %parallel_loop3A_865], %parallel_loop3A_868 {strides = array<i32>} : memref<2x16x999xf32, #tpu.memory_space<vmem>>, vector<1x1x16xf32>,
        %parallel_loop3A_869 = arith.constant 0 : i32
        %parallel_loop3A_870 = arith.index_cast %parallel_loop3A_869 : i32 to index
        %parallel_loop3A_871 = arith.index_cast %parallel_loop3A_166 : i32 to index
        %parallel_loop3A_872 = arith.constant 864 : index
        %parallel_loop3A_873 = tpu.vector_load %arg6[%parallel_loop3A_870, %parallel_loop3A_871, %parallel_loop3A_872] {strides = array<i32>} : memref<2x16x1024xf32, #tpu.memory_space<vmem>>, vector<1x1x16xf32>,
        %parallel_loop3A_874 = vector.shape_cast %parallel_loop3A_873 : vector<1x1x16xf32> to vector<16xf32>
        %parallel_loop3A_875 = arith.constant 0 : i32
        %parallel_loop3A_876 = arith.index_cast %parallel_loop3A_875 : i32 to index
        %parallel_loop3A_877 = arith.index_cast %parallel_loop3A_166 : i32 to index
        %parallel_loop3A_878 = arith.constant 864 : index
        %parallel_loop3A_879 = tpu.vector_load %arg7[%parallel_loop3A_876, %parallel_loop3A_877, %parallel_loop3A_878] {strides = array<i32>} : memref<2x16x999xf32, #tpu.memory_space<vmem>>, vector<1x1x16xf32>,
        %parallel_loop3A_880 = vector.shape_cast %parallel_loop3A_879 : vector<1x1x16xf32> to vector<16xf32>
        %parallel_loop3A_881 = vector.shape_cast %parallel_loop3A_874 : vector<16xf32> to vector<1x1x16xf32>
        tpu.vector_store %arg7[%parallel_loop3A_876, %parallel_loop3A_877, %parallel_loop3A_878], %parallel_loop3A_881 {strides = array<i32>} : memref<2x16x999xf32, #tpu.memory_space<vmem>>, vector<1x1x16xf32>,
        %parallel_loop3A_882 = arith.constant 0 : i32
        %parallel_loop3A_883 = arith.index_cast %parallel_loop3A_882 : i32 to index
        %parallel_loop3A_884 = arith.index_cast %parallel_loop3A_166 : i32 to index
        %parallel_loop3A_885 = arith.constant 880 : index
        %parallel_loop3A_886 = tpu.vector_load %arg6[%parallel_loop3A_883, %parallel_loop3A_884, %parallel_loop3A_885] {strides = array<i32>} : memref<2x16x1024xf32, #tpu.memory_space<vmem>>, vector<1x1x16xf32>,
        %parallel_loop3A_887 = vector.shape_cast %parallel_loop3A_886 : vector<1x1x16xf32> to vector<16xf32>
        %parallel_loop3A_888 = arith.constant 0 : i32
        %parallel_loop3A_889 = arith.index_cast %parallel_loop3A_888 : i32 to index
        %parallel_loop3A_890 = arith.index_cast %parallel_loop3A_166 : i32 to index
        %parallel_loop3A_891 = arith.constant 880 : index
        %parallel_loop3A_892 = tpu.vector_load %arg7[%parallel_loop3A_889, %parallel_loop3A_890, %parallel_loop3A_891] {strides = array<i32>} : memref<2x16x999xf32, #tpu.memory_space<vmem>>, vector<1x1x16xf32>,
        %parallel_loop3A_893 = vector.shape_cast %parallel_loop3A_892 : vector<1x1x16xf32> to vector<16xf32>
        %parallel_loop3A_894 = vector.shape_cast %parallel_loop3A_887 : vector<16xf32> to vector<1x1x16xf32>
        tpu.vector_store %arg7[%parallel_loop3A_889, %parallel_loop3A_890, %parallel_loop3A_891], %parallel_loop3A_894 {strides = array<i32>} : memref<2x16x999xf32, #tpu.memory_space<vmem>>, vector<1x1x16xf32>,
        %parallel_loop3A_895 = arith.constant 0 : i32
        %parallel_loop3A_896 = arith.index_cast %parallel_loop3A_895 : i32 to index
        %parallel_loop3A_897 = arith.index_cast %parallel_loop3A_166 : i32 to index
        %parallel_loop3A_898 = arith.constant 896 : index
        %parallel_loop3A_899 = tpu.vector_load %arg6[%parallel_loop3A_896, %parallel_loop3A_897, %parallel_loop3A_898] {strides = array<i32>} : memref<2x16x1024xf32, #tpu.memory_space<vmem>>, vector<1x1x16xf32>,
        %parallel_loop3A_900 = vector.shape_cast %parallel_loop3A_899 : vector<1x1x16xf32> to vector<16xf32>
        %parallel_loop3A_901 = arith.constant 0 : i32
        %parallel_loop3A_902 = arith.index_cast %parallel_loop3A_901 : i32 to index
        %parallel_loop3A_903 = arith.index_cast %parallel_loop3A_166 : i32 to index
        %parallel_loop3A_904 = arith.constant 896 : index
        %parallel_loop3A_905 = tpu.vector_load %arg7[%parallel_loop3A_902, %parallel_loop3A_903, %parallel_loop3A_904] {strides = array<i32>} : memref<2x16x999xf32, #tpu.memory_space<vmem>>, vector<1x1x16xf32>,
        %parallel_loop3A_906 = vector.shape_cast %parallel_loop3A_905 : vector<1x1x16xf32> to vector<16xf32>
        %parallel_loop3A_907 = vector.shape_cast %parallel_loop3A_900 : vector<16xf32> to vector<1x1x16xf32>
        tpu.vector_store %arg7[%parallel_loop3A_902, %parallel_loop3A_903, %parallel_loop3A_904], %parallel_loop3A_907 {strides = array<i32>} : memref<2x16x999xf32, #tpu.memory_space<vmem>>, vector<1x1x16xf32>,
        %parallel_loop3A_908 = arith.constant 0 : i32
        %parallel_loop3A_909 = arith.index_cast %parallel_loop3A_908 : i32 to index
        %parallel_loop3A_910 = arith.index_cast %parallel_loop3A_166 : i32 to index
        %parallel_loop3A_911 = arith.constant 912 : index
        %parallel_loop3A_912 = tpu.vector_load %arg6[%parallel_loop3A_909, %parallel_loop3A_910, %parallel_loop3A_911] {strides = array<i32>} : memref<2x16x1024xf32, #tpu.memory_space<vmem>>, vector<1x1x16xf32>,
        %parallel_loop3A_913 = vector.shape_cast %parallel_loop3A_912 : vector<1x1x16xf32> to vector<16xf32>
        %parallel_loop3A_914 = arith.constant 0 : i32
        %parallel_loop3A_915 = arith.index_cast %parallel_loop3A_914 : i32 to index
        %parallel_loop3A_916 = arith.index_cast %parallel_loop3A_166 : i32 to index
        %parallel_loop3A_917 = arith.constant 912 : index
        %parallel_loop3A_918 = tpu.vector_load %arg7[%parallel_loop3A_915, %parallel_loop3A_916, %parallel_loop3A_917] {strides = array<i32>} : memref<2x16x999xf32, #tpu.memory_space<vmem>>, vector<1x1x16xf32>,
        %parallel_loop3A_919 = vector.shape_cast %parallel_loop3A_918 : vector<1x1x16xf32> to vector<16xf32>
        %parallel_loop3A_920 = vector.shape_cast %parallel_loop3A_913 : vector<16xf32> to vector<1x1x16xf32>
        tpu.vector_store %arg7[%parallel_loop3A_915, %parallel_loop3A_916, %parallel_loop3A_917], %parallel_loop3A_920 {strides = array<i32>} : memref<2x16x999xf32, #tpu.memory_space<vmem>>, vector<1x1x16xf32>,
        %parallel_loop3A_921 = arith.constant 0 : i32
        %parallel_loop3A_922 = arith.index_cast %parallel_loop3A_921 : i32 to index
        %parallel_loop3A_923 = arith.index_cast %parallel_loop3A_166 : i32 to index
        %parallel_loop3A_924 = arith.constant 928 : index
        %parallel_loop3A_925 = tpu.vector_load %arg6[%parallel_loop3A_922, %parallel_loop3A_923, %parallel_loop3A_924] {strides = array<i32>} : memref<2x16x1024xf32, #tpu.memory_space<vmem>>, vector<1x1x16xf32>,
        %parallel_loop3A_926 = vector.shape_cast %parallel_loop3A_925 : vector<1x1x16xf32> to vector<16xf32>
        %parallel_loop3A_927 = arith.constant 0 : i32
        %parallel_loop3A_928 = arith.index_cast %parallel_loop3A_927 : i32 to index
        %parallel_loop3A_929 = arith.index_cast %parallel_loop3A_166 : i32 to index
        %parallel_loop3A_930 = arith.constant 928 : index
        %parallel_loop3A_931 = tpu.vector_load %arg7[%parallel_loop3A_928, %parallel_loop3A_929, %parallel_loop3A_930] {strides = array<i32>} : memref<2x16x999xf32, #tpu.memory_space<vmem>>, vector<1x1x16xf32>,
        %parallel_loop3A_932 = vector.shape_cast %parallel_loop3A_931 : vector<1x1x16xf32> to vector<16xf32>
        %parallel_loop3A_933 = vector.shape_cast %parallel_loop3A_926 : vector<16xf32> to vector<1x1x16xf32>
        tpu.vector_store %arg7[%parallel_loop3A_928, %parallel_loop3A_929, %parallel_loop3A_930], %parallel_loop3A_933 {strides = array<i32>} : memref<2x16x999xf32, #tpu.memory_space<vmem>>, vector<1x1x16xf32>,
        %parallel_loop3A_934 = arith.constant 0 : i32
        %parallel_loop3A_935 = arith.index_cast %parallel_loop3A_934 : i32 to index
        %parallel_loop3A_936 = arith.index_cast %parallel_loop3A_166 : i32 to index
        %parallel_loop3A_937 = arith.constant 944 : index
        %parallel_loop3A_938 = tpu.vector_load %arg6[%parallel_loop3A_935, %parallel_loop3A_936, %parallel_loop3A_937] {strides = array<i32>} : memref<2x16x1024xf32, #tpu.memory_space<vmem>>, vector<1x1x16xf32>,
        %parallel_loop3A_939 = vector.shape_cast %parallel_loop3A_938 : vector<1x1x16xf32> to vector<16xf32>
        %parallel_loop3A_940 = arith.constant 0 : i32
        %parallel_loop3A_941 = arith.index_cast %parallel_loop3A_940 : i32 to index
        %parallel_loop3A_942 = arith.index_cast %parallel_loop3A_166 : i32 to index
        %parallel_loop3A_943 = arith.constant 944 : index
        %parallel_loop3A_944 = tpu.vector_load %arg7[%parallel_loop3A_941, %parallel_loop3A_942, %parallel_loop3A_943] {strides = array<i32>} : memref<2x16x999xf32, #tpu.memory_space<vmem>>, vector<1x1x16xf32>,
        %parallel_loop3A_945 = vector.shape_cast %parallel_loop3A_944 : vector<1x1x16xf32> to vector<16xf32>
        %parallel_loop3A_946 = vector.shape_cast %parallel_loop3A_939 : vector<16xf32> to vector<1x1x16xf32>
        tpu.vector_store %arg7[%parallel_loop3A_941, %parallel_loop3A_942, %parallel_loop3A_943], %parallel_loop3A_946 {strides = array<i32>} : memref<2x16x999xf32, #tpu.memory_space<vmem>>, vector<1x1x16xf32>,
        %parallel_loop3A_947 = arith.constant 0 : i32
        %parallel_loop3A_948 = arith.index_cast %parallel_loop3A_947 : i32 to index
        %parallel_loop3A_949 = arith.index_cast %parallel_loop3A_166 : i32 to index
        %parallel_loop3A_950 = arith.constant 960 : index
        %parallel_loop3A_951 = tpu.vector_load %arg6[%parallel_loop3A_948, %parallel_loop3A_949, %parallel_loop3A_950] {strides = array<i32>} : memref<2x16x1024xf32, #tpu.memory_space<vmem>>, vector<1x1x16xf32>,
        %parallel_loop3A_952 = vector.shape_cast %parallel_loop3A_951 : vector<1x1x16xf32> to vector<16xf32>
        %parallel_loop3A_953 = arith.constant 0 : i32
        %parallel_loop3A_954 = arith.index_cast %parallel_loop3A_953 : i32 to index
        %parallel_loop3A_955 = arith.index_cast %parallel_loop3A_166 : i32 to index
        %parallel_loop3A_956 = arith.constant 960 : index
        %parallel_loop3A_957 = tpu.vector_load %arg7[%parallel_loop3A_954, %parallel_loop3A_955, %parallel_loop3A_956] {strides = array<i32>} : memref<2x16x999xf32, #tpu.memory_space<vmem>>, vector<1x1x16xf32>,
        %parallel_loop3A_958 = vector.shape_cast %parallel_loop3A_957 : vector<1x1x16xf32> to vector<16xf32>
        %parallel_loop3A_959 = vector.shape_cast %parallel_loop3A_952 : vector<16xf32> to vector<1x1x16xf32>
        tpu.vector_store %arg7[%parallel_loop3A_954, %parallel_loop3A_955, %parallel_loop3A_956], %parallel_loop3A_959 {strides = array<i32>} : memref<2x16x999xf32, #tpu.memory_space<vmem>>, vector<1x1x16xf32>,
        %parallel_loop3A_960 = arith.constant 0 : i32
        %parallel_loop3A_961 = arith.index_cast %parallel_loop3A_960 : i32 to index
        %parallel_loop3A_962 = arith.index_cast %parallel_loop3A_166 : i32 to index
        %parallel_loop3A_963 = arith.constant 976 : index
        %parallel_loop3A_964 = tpu.vector_load %arg6[%parallel_loop3A_961, %parallel_loop3A_962, %parallel_loop3A_963] {strides = array<i32>} : memref<2x16x1024xf32, #tpu.memory_space<vmem>>, vector<1x1x16xf32>,
        %parallel_loop3A_965 = vector.shape_cast %parallel_loop3A_964 : vector<1x1x16xf32> to vector<16xf32>
        %parallel_loop3A_966 = arith.constant 0 : i32
        %parallel_loop3A_967 = arith.index_cast %parallel_loop3A_966 : i32 to index
        %parallel_loop3A_968 = arith.index_cast %parallel_loop3A_166 : i32 to index
        %parallel_loop3A_969 = arith.constant 976 : index
        %parallel_loop3A_970 = tpu.vector_load %arg7[%parallel_loop3A_967, %parallel_loop3A_968, %parallel_loop3A_969] {strides = array<i32>} : memref<2x16x999xf32, #tpu.memory_space<vmem>>, vector<1x1x16xf32>,
        %parallel_loop3A_971 = vector.shape_cast %parallel_loop3A_970 : vector<1x1x16xf32> to vector<16xf32>
        %parallel_loop3A_972 = vector.shape_cast %parallel_loop3A_965 : vector<16xf32> to vector<1x1x16xf32>
        tpu.vector_store %arg7[%parallel_loop3A_967, %parallel_loop3A_968, %parallel_loop3A_969], %parallel_loop3A_972 {strides = array<i32>} : memref<2x16x999xf32, #tpu.memory_space<vmem>>, vector<1x1x16xf32>,
        %parallel_loop3A_973 = arith.constant 0 : i32
        %parallel_loop3A_974 = arith.index_cast %parallel_loop3A_973 : i32 to index
        %parallel_loop3A_975 = arith.index_cast %parallel_loop3A_166 : i32 to index
        %parallel_loop3A_976 = arith.constant 983 : index
        %parallel_loop3A_977 = tpu.vector_load %arg6[%parallel_loop3A_974, %parallel_loop3A_975, %parallel_loop3A_976] {strides = array<i32>} : memref<2x16x1024xf32, #tpu.memory_space<vmem>>, vector<1x1x16xf32>,
        %parallel_loop3A_978 = vector.shape_cast %parallel_loop3A_977 : vector<1x1x16xf32> to vector<16xf32>
        %parallel_loop3A_979 = arith.constant 0 : i32
        %parallel_loop3A_980 = arith.index_cast %parallel_loop3A_979 : i32 to index
        %parallel_loop3A_981 = arith.index_cast %parallel_loop3A_166 : i32 to index
        %parallel_loop3A_982 = arith.constant 983 : index
        %parallel_loop3A_983 = tpu.vector_load %arg7[%parallel_loop3A_980, %parallel_loop3A_981, %parallel_loop3A_982] {strides = array<i32>} : memref<2x16x999xf32, #tpu.memory_space<vmem>>, vector<1x1x16xf32>,
        %parallel_loop3A_984 = vector.shape_cast %parallel_loop3A_983 : vector<1x1x16xf32> to vector<16xf32>
        %parallel_loop3A_985 = vector.shape_cast %parallel_loop3A_978 : vector<16xf32> to vector<1x1x16xf32>
        tpu.vector_store %arg7[%parallel_loop3A_980, %parallel_loop3A_981, %parallel_loop3A_982], %parallel_loop3A_985 {strides = array<i32>} : memref<2x16x999xf32, #tpu.memory_space<vmem>>, vector<1x1x16xf32>,
      } {sc.loop_unroll_factor = 1 : i64, sc.parallel_access}
      %mul3A_93 = arith.constant 16 : i32
      %mul3A_94 = arith.muli %add3A_74, %mul3A_93 : i32
      %add3A_95 = arith.addi %mul3A_2, %mul3A_94 : i32
      %dma_start3A_96 = arith.constant 0 : i32
      %dma_start3A_97 = arith.constant 0 : i32
      %dma_start3A_98 = arith.constant 0 : i32
      %dma_start3A_99 = arith.constant 0 : i32
      %dma_start3A_100 = tpu.memref_slice %arg7[%dma_start3A_96, %dma_start3A_98, %dma_start3A_99] : memref<2x16x999xf32, #tpu.memory_space<vmem>> -> memref<1x16x999xf32, #tpu.memory_space<vmem>>
      %dma_start3A_101 = tpu.memref_squeeze %dma_start3A_100 : memref<1x16x999xf32, #tpu.memory_space<vmem>> -> memref<16x999xf32, #tpu.memory_space<vmem>>
      %dma_start3A_102 = arith.constant 0 : i32
      %dma_start3A_103 = tpu.memref_slice %arg4[%add3A_95, %dma_start3A_102] : memref<16384x999xf32, #tpu.memory_space<hbm>> -> memref<16x999xf32, #tpu.memory_space<hbm>>
      %dma_start3A_104 = tpu.memref_slice %arg9[%dma_start3A_97] : memref<2x!tpu.dma_semaphore, #tpu.memory_space<semaphore_mem>> -> memref<1x!tpu.dma_semaphore, #tpu.memory_space<semaphore_mem>>
      %dma_start3A_105 = tpu.memref_squeeze %dma_start3A_104 : memref<1x!tpu.dma_semaphore, #tpu.memory_space<semaphore_mem>> -> memref<!tpu.dma_semaphore, #tpu.memory_space<semaphore_mem>>
      %dma_start3A_106 = arith.constant 0 : i32
      %dma_start3A_107 = tpu.memref_slice %arg4[%add3A_95, %dma_start3A_106] : memref<16384x999xf32, #tpu.memory_space<hbm>> -> memref<16x999xf32, #tpu.memory_space<hbm>>
      %dma_start3A_108 = arith.constant 0 : i32
      %dma_start3A_109 = arith.constant 0 : i32
      %dma_start3A_110 = tpu.memref_slice %arg7[%dma_start3A_96, %dma_start3A_108, %dma_start3A_109] : memref<2x16x999xf32, #tpu.memory_space<vmem>> -> memref<1x16x999xf32, #tpu.memory_space<vmem>>
      %dma_start3A_111 = tpu.memref_squeeze %dma_start3A_110 : memref<1x16x999xf32, #tpu.memory_space<vmem>> -> memref<16x999xf32, #tpu.memory_space<vmem>>
      tpu.enqueue_dma source(%dma_start3A_111 : memref<16x999xf32, #tpu.memory_space<vmem>>) target(%dma_start3A_107 : memref<16x999xf32, #tpu.memory_space<hbm>>) target_semaphore(%dma_start3A_105 : memref<!tpu.dma_semaphore, #tpu.memory_space<semaphore_mem>>)
      %lt3A = arith.constant 15 : i32
      %lt3A_112 = arith.cmpi slt, %scan3A_70, %lt3A : i32
      %convert_element_type3A_113 = arith.extui %lt3A_112 : i1 to i32
      %cond3A_114 = arith.constant 0 : i32
      %cond3A_115 = arith.cmpi ne, %convert_element_type3A_113, %cond3A_114 : i32
      scf.if %cond3A_115 {
        %add3A_166 = arith.constant 2 : i32
        %add3A_167 = arith.addi %add3A_74, %add3A_166 : i32
        %dma_start3A_168 = arith.constant 0 : i32
        %dma_start3A_169 = arith.constant 0 : i32
        %dma_start3A_170 = arith.constant 0 : i32
        %dma_start3A_171 = arith.constant 0 : i32
        %dma_start3A_172 = tpu.memref_slice %arg6[%dma_start3A_168, %dma_start3A_170, %dma_start3A_171] : memref<2x16x1024xf32, #tpu.memory_space<vmem>> -> memref<1x16x1024xf32, #tpu.memory_space<vmem>>
        %dma_start3A_173 = tpu.memref_squeeze %dma_start3A_172 : memref<1x16x1024xf32, #tpu.memory_space<vmem>> -> memref<16x1024xf32, #tpu.memory_space<vmem>>
        %dma_start3A_174 = arith.constant 0 : i32
        %dma_start3A_175 = tpu.memref_slice %arg5[%add3A_167, %dma_start3A_174] : memref<32x16xi32, #tpu.memory_space<vmem>> -> memref<1x16xi32, #tpu.memory_space<vmem>>
        %dma_start3A_176 = tpu.memref_squeeze %dma_start3A_175 : memref<1x16xi32, #tpu.memory_space<vmem>> -> memref<16xi32, #tpu.memory_space<vmem>>
        %dma_start3A_177 = arith.constant 0 : i32
        %dma_start3A_178 = arith.constant 0 : i32
        %dma_start3A_179 = tpu.memref_slice %arg3[%dma_start3A_177, %dma_start3A_178] : memref<1000x1024xf32, #tpu.memory_space<hbm>> -> memref<1000x1024xf32, #tpu.memory_space<hbm>>
        %dma_start3A_180 = tpu.memref_slice %arg8[%dma_start3A_169] : memref<2x!tpu.dma_semaphore, #tpu.memory_space<semaphore_mem>> -> memref<1x!tpu.dma_semaphore, #tpu.memory_space<semaphore_mem>>
        %dma_start3A_181 = tpu.memref_squeeze %dma_start3A_180 : memref<1x!tpu.dma_semaphore, #tpu.memory_space<semaphore_mem>> -> memref<!tpu.dma_semaphore, #tpu.memory_space<semaphore_mem>>
        tpu.enqueue_indirect_dma source(%dma_start3A_179 : memref<1000x1024xf32, #tpu.memory_space<hbm>>) target(%dma_start3A_173 : memref<16x1024xf32, #tpu.memory_space<vmem>>) offsets(%dma_start3A_176 : memref<16xi32, #tpu.memory_space<vmem>>) semaphore(%dma_start3A_181 : memref<!tpu.dma_semaphore, #tpu.memory_space<semaphore_mem>>)
      } else {
      }
      %mul3A_116 = arith.constant 2 : i32
      %mul3A_117 = arith.muli %mul3A_116, %scan3A_70 : i32
      %add3A_118 = arith.constant 1 : i32
      %add3A_119 = arith.addi %mul3A_117, %add3A_118 : i32
      %dma_wait3A_120 = arith.constant 1 : i32
      %dma_wait3A_121 = arith.constant 1 : i32
      %dma_wait3A_122 = arith.constant 0 : i32
      %dma_wait3A_123 = arith.constant 0 : i32
      %dma_wait3A_124 = tpu.memref_slice %arg6[%dma_wait3A_120, %dma_wait3A_122, %dma_wait3A_123] : memref<2x16x1024xf32, #tpu.memory_space<vmem>> -> memref<1x16x1024xf32, #tpu.memory_space<vmem>>
      %dma_wait3A_125 = tpu.memref_squeeze %dma_wait3A_124 : memref<1x16x1024xf32, #tpu.memory_space<vmem>> -> memref<16x1024xf32, #tpu.memory_space<vmem>>
      %dma_wait3A_126 = arith.constant 0 : i32
      %dma_wait3A_127 = tpu.memref_slice %arg5[%add3A_119, %dma_wait3A_126] : memref<32x16xi32, #tpu.memory_space<vmem>> -> memref<1x16xi32, #tpu.memory_space<vmem>>
      %dma_wait3A_128 = tpu.memref_squeeze %dma_wait3A_127 : memref<1x16xi32, #tpu.memory_space<vmem>> -> memref<16xi32, #tpu.memory_space<vmem>>
      %dma_wait3A_129 = arith.constant 0 : i32
      %dma_wait3A_130 = arith.constant 0 : i32
      %dma_wait3A_131 = tpu.memref_slice %arg3[%dma_wait3A_129, %dma_wait3A_130] : memref<1000x1024xf32, #tpu.memory_space<hbm>> -> memref<1000x1024xf32, #tpu.memory_space<hbm>>
      %dma_wait3A_132 = tpu.memref_slice %arg8[%dma_wait3A_121] : memref<2x!tpu.dma_semaphore, #tpu.memory_space<semaphore_mem>> -> memref<1x!tpu.dma_semaphore, #tpu.memory_space<semaphore_mem>>
      %dma_wait3A_133 = tpu.memref_squeeze %dma_wait3A_132 : memref<1x!tpu.dma_semaphore, #tpu.memory_space<semaphore_mem>> -> memref<!tpu.dma_semaphore, #tpu.memory_space<semaphore_mem>>
      tpu.wait_indirect_dma semaphore(%dma_wait3A_133 : memref<!tpu.dma_semaphore, #tpu.memory_space<semaphore_mem>>) src(%dma_wait3A_131 : memref<1000x1024xf32, #tpu.memory_space<hbm>>) dst(%dma_wait3A_125 : memref<16x1024xf32, #tpu.memory_space<vmem>>)
      %gt3A_134 = arith.constant 0 : i32
      %gt3A_135 = arith.cmpi sgt, %scan3A_70, %gt3A_134 : i32
      %convert_element_type3A_136 = arith.extui %gt3A_135 : i1 to i32
      %cond3A_137 = arith.constant 0 : i32
      %cond3A_138 = arith.cmpi ne, %convert_element_type3A_136, %cond3A_137 : i32
      scf.if %cond3A_138 {
        %dma_wait3A_166 = arith.constant 1 : i32
        %dma_wait3A_167 = arith.constant 1 : i32
        %dma_wait3A_168 = arith.constant 0 : i32
        %dma_wait3A_169 = arith.constant 0 : i32
        %dma_wait3A_170 = tpu.memref_slice %arg7[%dma_wait3A_166, %dma_wait3A_168, %dma_wait3A_169] : memref<2x16x999xf32, #tpu.memory_space<vmem>> -> memref<1x16x999xf32, #tpu.memory_space<vmem>>
        %dma_wait3A_171 = tpu.memref_squeeze %dma_wait3A_170 : memref<1x16x999xf32, #tpu.memory_space<vmem>> -> memref<16x999xf32, #tpu.memory_space<vmem>>
        %dma_wait3A_172 = arith.constant 0 : i32
        %dma_wait3A_173 = tpu.memref_slice %arg4[%mul3A_2, %dma_wait3A_172] : memref<16384x999xf32, #tpu.memory_space<hbm>> -> memref<16x999xf32, #tpu.memory_space<hbm>>
        %dma_wait3A_174 = tpu.memref_slice %arg9[%dma_wait3A_167] : memref<2x!tpu.dma_semaphore, #tpu.memory_space<semaphore_mem>> -> memref<1x!tpu.dma_semaphore, #tpu.memory_space<semaphore_mem>>
        %dma_wait3A_175 = tpu.memref_squeeze %dma_wait3A_174 : memref<1x!tpu.dma_semaphore, #tpu.memory_space<semaphore_mem>> -> memref<!tpu.dma_semaphore, #tpu.memory_space<semaphore_mem>>
        %dma_wait3A_176 = arith.constant 0 : i32
        %dma_wait3A_177 = tpu.memref_slice %arg4[%mul3A_2, %dma_wait3A_176] : memref<16384x999xf32, #tpu.memory_space<hbm>> -> memref<16x999xf32, #tpu.memory_space<hbm>>
        %dma_wait3A_178 = arith.constant 0 : i32
        %dma_wait3A_179 = arith.constant 0 : i32
        %dma_wait3A_180 = tpu.memref_slice %arg7[%dma_wait3A_166, %dma_wait3A_178, %dma_wait3A_179] : memref<2x16x999xf32, #tpu.memory_space<vmem>> -> memref<1x16x999xf32, #tpu.memory_space<vmem>>
        %dma_wait3A_181 = tpu.memref_squeeze %dma_wait3A_180 : memref<1x16x999xf32, #tpu.memory_space<vmem>> -> memref<16x999xf32, #tpu.memory_space<vmem>>
        tpu.wait_dma2 semaphore(%dma_wait3A_175 : memref<!tpu.dma_semaphore, #tpu.memory_space<semaphore_mem>>) src(%dma_wait3A_181 : memref<16x999xf32, #tpu.memory_space<vmem>>) dst(%dma_wait3A_177 : memref<16x999xf32, #tpu.memory_space<hbm>>)
      } else {
      }
      %parallel_loop3A_139 = arith.constant 0 : i32
      %parallel_loop3A_140 = arith.constant 16 : i32
      %parallel_loop3A_141 = arith.constant 1 : i32
      scf.for %parallel_loop3A_166 = %parallel_loop3A_139 to %parallel_loop3A_140 step %parallel_loop3A_141  : i32 {
        %parallel_loop3A_167 = arith.constant 1 : i32
        %parallel_loop3A_168 = arith.index_cast %parallel_loop3A_167 : i32 to index
        %parallel_loop3A_169 = arith.index_cast %parallel_loop3A_166 : i32 to index
        %parallel_loop3A_170 = arith.constant 0 : index
        %parallel_loop3A_171 = tpu.vector_load %arg6[%parallel_loop3A_168, %parallel_loop3A_169, %parallel_loop3A_170] {strides = array<i32>} : memref<2x16x1024xf32, #tpu.memory_space<vmem>>, vector<1x1x16xf32>,
        %parallel_loop3A_172 = vector.shape_cast %parallel_loop3A_171 : vector<1x1x16xf32> to vector<16xf32>
        %parallel_loop3A_173 = arith.constant 1 : i32
        %parallel_loop3A_174 = arith.index_cast %parallel_loop3A_173 : i32 to index
        %parallel_loop3A_175 = arith.index_cast %parallel_loop3A_166 : i32 to index
        %parallel_loop3A_176 = arith.constant 0 : index
        %parallel_loop3A_177 = tpu.vector_load %arg7[%parallel_loop3A_174, %parallel_loop3A_175, %parallel_loop3A_176] {strides = array<i32>} : memref<2x16x999xf32, #tpu.memory_space<vmem>>, vector<1x1x16xf32>,
        %parallel_loop3A_178 = vector.shape_cast %parallel_loop3A_177 : vector<1x1x16xf32> to vector<16xf32>
        %parallel_loop3A_179 = vector.shape_cast %parallel_loop3A_172 : vector<16xf32> to vector<1x1x16xf32>
        tpu.vector_store %arg7[%parallel_loop3A_174, %parallel_loop3A_175, %parallel_loop3A_176], %parallel_loop3A_179 {strides = array<i32>} : memref<2x16x999xf32, #tpu.memory_space<vmem>>, vector<1x1x16xf32>,
        %parallel_loop3A_180 = arith.constant 1 : i32
        %parallel_loop3A_181 = arith.index_cast %parallel_loop3A_180 : i32 to index
        %parallel_loop3A_182 = arith.index_cast %parallel_loop3A_166 : i32 to index
        %parallel_loop3A_183 = arith.constant 16 : index
        %parallel_loop3A_184 = tpu.vector_load %arg6[%parallel_loop3A_181, %parallel_loop3A_182, %parallel_loop3A_183] {strides = array<i32>} : memref<2x16x1024xf32, #tpu.memory_space<vmem>>, vector<1x1x16xf32>,
        %parallel_loop3A_185 = vector.shape_cast %parallel_loop3A_184 : vector<1x1x16xf32> to vector<16xf32>
        %parallel_loop3A_186 = arith.constant 1 : i32
        %parallel_loop3A_187 = arith.index_cast %parallel_loop3A_186 : i32 to index
        %parallel_loop3A_188 = arith.index_cast %parallel_loop3A_166 : i32 to index
        %parallel_loop3A_189 = arith.constant 16 : index
        %parallel_loop3A_190 = tpu.vector_load %arg7[%parallel_loop3A_187, %parallel_loop3A_188, %parallel_loop3A_189] {strides = array<i32>} : memref<2x16x999xf32, #tpu.memory_space<vmem>>, vector<1x1x16xf32>,
        %parallel_loop3A_191 = vector.shape_cast %parallel_loop3A_190 : vector<1x1x16xf32> to vector<16xf32>
        %parallel_loop3A_192 = vector.shape_cast %parallel_loop3A_185 : vector<16xf32> to vector<1x1x16xf32>
        tpu.vector_store %arg7[%parallel_loop3A_187, %parallel_loop3A_188, %parallel_loop3A_189], %parallel_loop3A_192 {strides = array<i32>} : memref<2x16x999xf32, #tpu.memory_space<vmem>>, vector<1x1x16xf32>,
        %parallel_loop3A_193 = arith.constant 1 : i32
        %parallel_loop3A_194 = arith.index_cast %parallel_loop3A_193 : i32 to index
        %parallel_loop3A_195 = arith.index_cast %parallel_loop3A_166 : i32 to index
        %parallel_loop3A_196 = arith.constant 32 : index
        %parallel_loop3A_197 = tpu.vector_load %arg6[%parallel_loop3A_194, %parallel_loop3A_195, %parallel_loop3A_196] {strides = array<i32>} : memref<2x16x1024xf32, #tpu.memory_space<vmem>>, vector<1x1x16xf32>,
        %parallel_loop3A_198 = vector.shape_cast %parallel_loop3A_197 : vector<1x1x16xf32> to vector<16xf32>
        %parallel_loop3A_199 = arith.constant 1 : i32
        %parallel_loop3A_200 = arith.index_cast %parallel_loop3A_199 : i32 to index
        %parallel_loop3A_201 = arith.index_cast %parallel_loop3A_166 : i32 to index
        %parallel_loop3A_202 = arith.constant 32 : index
        %parallel_loop3A_203 = tpu.vector_load %arg7[%parallel_loop3A_200, %parallel_loop3A_201, %parallel_loop3A_202] {strides = array<i32>} : memref<2x16x999xf32, #tpu.memory_space<vmem>>, vector<1x1x16xf32>,
        %parallel_loop3A_204 = vector.shape_cast %parallel_loop3A_203 : vector<1x1x16xf32> to vector<16xf32>
        %parallel_loop3A_205 = vector.shape_cast %parallel_loop3A_198 : vector<16xf32> to vector<1x1x16xf32>
        tpu.vector_store %arg7[%parallel_loop3A_200, %parallel_loop3A_201, %parallel_loop3A_202], %parallel_loop3A_205 {strides = array<i32>} : memref<2x16x999xf32, #tpu.memory_space<vmem>>, vector<1x1x16xf32>,
        %parallel_loop3A_206 = arith.constant 1 : i32
        %parallel_loop3A_207 = arith.index_cast %parallel_loop3A_206 : i32 to index
        %parallel_loop3A_208 = arith.index_cast %parallel_loop3A_166 : i32 to index
        %parallel_loop3A_209 = arith.constant 48 : index
        %parallel_loop3A_210 = tpu.vector_load %arg6[%parallel_loop3A_207, %parallel_loop3A_208, %parallel_loop3A_209] {strides = array<i32>} : memref<2x16x1024xf32, #tpu.memory_space<vmem>>, vector<1x1x16xf32>,
        %parallel_loop3A_211 = vector.shape_cast %parallel_loop3A_210 : vector<1x1x16xf32> to vector<16xf32>
        %parallel_loop3A_212 = arith.constant 1 : i32
        %parallel_loop3A_213 = arith.index_cast %parallel_loop3A_212 : i32 to index
        %parallel_loop3A_214 = arith.index_cast %parallel_loop3A_166 : i32 to index
        %parallel_loop3A_215 = arith.constant 48 : index
        %parallel_loop3A_216 = tpu.vector_load %arg7[%parallel_loop3A_213, %parallel_loop3A_214, %parallel_loop3A_215] {strides = array<i32>} : memref<2x16x999xf32, #tpu.memory_space<vmem>>, vector<1x1x16xf32>,
        %parallel_loop3A_217 = vector.shape_cast %parallel_loop3A_216 : vector<1x1x16xf32> to vector<16xf32>
        %parallel_loop3A_218 = vector.shape_cast %parallel_loop3A_211 : vector<16xf32> to vector<1x1x16xf32>
        tpu.vector_store %arg7[%parallel_loop3A_213, %parallel_loop3A_214, %parallel_loop3A_215], %parallel_loop3A_218 {strides = array<i32>} : memref<2x16x999xf32, #tpu.memory_space<vmem>>, vector<1x1x16xf32>,
        %parallel_loop3A_219 = arith.constant 1 : i32
        %parallel_loop3A_220 = arith.index_cast %parallel_loop3A_219 : i32 to index
        %parallel_loop3A_221 = arith.index_cast %parallel_loop3A_166 : i32 to index
        %parallel_loop3A_222 = arith.constant 64 : index
        %parallel_loop3A_223 = tpu.vector_load %arg6[%parallel_loop3A_220, %parallel_loop3A_221, %parallel_loop3A_222] {strides = array<i32>} : memref<2x16x1024xf32, #tpu.memory_space<vmem>>, vector<1x1x16xf32>,
        %parallel_loop3A_224 = vector.shape_cast %parallel_loop3A_223 : vector<1x1x16xf32> to vector<16xf32>
        %parallel_loop3A_225 = arith.constant 1 : i32
        %parallel_loop3A_226 = arith.index_cast %parallel_loop3A_225 : i32 to index
        %parallel_loop3A_227 = arith.index_cast %parallel_loop3A_166 : i32 to index
        %parallel_loop3A_228 = arith.constant 64 : index
        %parallel_loop3A_229 = tpu.vector_load %arg7[%parallel_loop3A_226, %parallel_loop3A_227, %parallel_loop3A_228] {strides = array<i32>} : memref<2x16x999xf32, #tpu.memory_space<vmem>>, vector<1x1x16xf32>,
        %parallel_loop3A_230 = vector.shape_cast %parallel_loop3A_229 : vector<1x1x16xf32> to vector<16xf32>
        %parallel_loop3A_231 = vector.shape_cast %parallel_loop3A_224 : vector<16xf32> to vector<1x1x16xf32>
        tpu.vector_store %arg7[%parallel_loop3A_226, %parallel_loop3A_227, %parallel_loop3A_228], %parallel_loop3A_231 {strides = array<i32>} : memref<2x16x999xf32, #tpu.memory_space<vmem>>, vector<1x1x16xf32>,
        %parallel_loop3A_232 = arith.constant 1 : i32
        %parallel_loop3A_233 = arith.index_cast %parallel_loop3A_232 : i32 to index
        %parallel_loop3A_234 = arith.index_cast %parallel_loop3A_166 : i32 to index
        %parallel_loop3A_235 = arith.constant 80 : index
        %parallel_loop3A_236 = tpu.vector_load %arg6[%parallel_loop3A_233, %parallel_loop3A_234, %parallel_loop3A_235] {strides = array<i32>} : memref<2x16x1024xf32, #tpu.memory_space<vmem>>, vector<1x1x16xf32>,
        %parallel_loop3A_237 = vector.shape_cast %parallel_loop3A_236 : vector<1x1x16xf32> to vector<16xf32>
        %parallel_loop3A_238 = arith.constant 1 : i32
        %parallel_loop3A_239 = arith.index_cast %parallel_loop3A_238 : i32 to index
        %parallel_loop3A_240 = arith.index_cast %parallel_loop3A_166 : i32 to index
        %parallel_loop3A_241 = arith.constant 80 : index
        %parallel_loop3A_242 = tpu.vector_load %arg7[%parallel_loop3A_239, %parallel_loop3A_240, %parallel_loop3A_241] {strides = array<i32>} : memref<2x16x999xf32, #tpu.memory_space<vmem>>, vector<1x1x16xf32>,
        %parallel_loop3A_243 = vector.shape_cast %parallel_loop3A_242 : vector<1x1x16xf32> to vector<16xf32>
        %parallel_loop3A_244 = vector.shape_cast %parallel_loop3A_237 : vector<16xf32> to vector<1x1x16xf32>
        tpu.vector_store %arg7[%parallel_loop3A_239, %parallel_loop3A_240, %parallel_loop3A_241], %parallel_loop3A_244 {strides = array<i32>} : memref<2x16x999xf32, #tpu.memory_space<vmem>>, vector<1x1x16xf32>,
        %parallel_loop3A_245 = arith.constant 1 : i32
        %parallel_loop3A_246 = arith.index_cast %parallel_loop3A_245 : i32 to index
        %parallel_loop3A_247 = arith.index_cast %parallel_loop3A_166 : i32 to index
        %parallel_loop3A_248 = arith.constant 96 : index
        %parallel_loop3A_249 = tpu.vector_load %arg6[%parallel_loop3A_246, %parallel_loop3A_247, %parallel_loop3A_248] {strides = array<i32>} : memref<2x16x1024xf32, #tpu.memory_space<vmem>>, vector<1x1x16xf32>,
        %parallel_loop3A_250 = vector.shape_cast %parallel_loop3A_249 : vector<1x1x16xf32> to vector<16xf32>
        %parallel_loop3A_251 = arith.constant 1 : i32
        %parallel_loop3A_252 = arith.index_cast %parallel_loop3A_251 : i32 to index
        %parallel_loop3A_253 = arith.index_cast %parallel_loop3A_166 : i32 to index
        %parallel_loop3A_254 = arith.constant 96 : index
        %parallel_loop3A_255 = tpu.vector_load %arg7[%parallel_loop3A_252, %parallel_loop3A_253, %parallel_loop3A_254] {strides = array<i32>} : memref<2x16x999xf32, #tpu.memory_space<vmem>>, vector<1x1x16xf32>,
        %parallel_loop3A_256 = vector.shape_cast %parallel_loop3A_255 : vector<1x1x16xf32> to vector<16xf32>
        %parallel_loop3A_257 = vector.shape_cast %parallel_loop3A_250 : vector<16xf32> to vector<1x1x16xf32>
        tpu.vector_store %arg7[%parallel_loop3A_252, %parallel_loop3A_253, %parallel_loop3A_254], %parallel_loop3A_257 {strides = array<i32>} : memref<2x16x999xf32, #tpu.memory_space<vmem>>, vector<1x1x16xf32>,
        %parallel_loop3A_258 = arith.constant 1 : i32
        %parallel_loop3A_259 = arith.index_cast %parallel_loop3A_258 : i32 to index
        %parallel_loop3A_260 = arith.index_cast %parallel_loop3A_166 : i32 to index
        %parallel_loop3A_261 = arith.constant 112 : index
        %parallel_loop3A_262 = tpu.vector_load %arg6[%parallel_loop3A_259, %parallel_loop3A_260, %parallel_loop3A_261] {strides = array<i32>} : memref<2x16x1024xf32, #tpu.memory_space<vmem>>, vector<1x1x16xf32>,
        %parallel_loop3A_263 = vector.shape_cast %parallel_loop3A_262 : vector<1x1x16xf32> to vector<16xf32>
        %parallel_loop3A_264 = arith.constant 1 : i32
        %parallel_loop3A_265 = arith.index_cast %parallel_loop3A_264 : i32 to index
        %parallel_loop3A_266 = arith.index_cast %parallel_loop3A_166 : i32 to index
        %parallel_loop3A_267 = arith.constant 112 : index
        %parallel_loop3A_268 = tpu.vector_load %arg7[%parallel_loop3A_265, %parallel_loop3A_266, %parallel_loop3A_267] {strides = array<i32>} : memref<2x16x999xf32, #tpu.memory_space<vmem>>, vector<1x1x16xf32>,
        %parallel_loop3A_269 = vector.shape_cast %parallel_loop3A_268 : vector<1x1x16xf32> to vector<16xf32>
        %parallel_loop3A_270 = vector.shape_cast %parallel_loop3A_263 : vector<16xf32> to vector<1x1x16xf32>
        tpu.vector_store %arg7[%parallel_loop3A_265, %parallel_loop3A_266, %parallel_loop3A_267], %parallel_loop3A_270 {strides = array<i32>} : memref<2x16x999xf32, #tpu.memory_space<vmem>>, vector<1x1x16xf32>,
        %parallel_loop3A_271 = arith.constant 1 : i32
        %parallel_loop3A_272 = arith.index_cast %parallel_loop3A_271 : i32 to index
        %parallel_loop3A_273 = arith.index_cast %parallel_loop3A_166 : i32 to index
        %parallel_loop3A_274 = arith.constant 128 : index
        %parallel_loop3A_275 = tpu.vector_load %arg6[%parallel_loop3A_272, %parallel_loop3A_273, %parallel_loop3A_274] {strides = array<i32>} : memref<2x16x1024xf32, #tpu.memory_space<vmem>>, vector<1x1x16xf32>,
        %parallel_loop3A_276 = vector.shape_cast %parallel_loop3A_275 : vector<1x1x16xf32> to vector<16xf32>
        %parallel_loop3A_277 = arith.constant 1 : i32
        %parallel_loop3A_278 = arith.index_cast %parallel_loop3A_277 : i32 to index
        %parallel_loop3A_279 = arith.index_cast %parallel_loop3A_166 : i32 to index
        %parallel_loop3A_280 = arith.constant 128 : index
        %parallel_loop3A_281 = tpu.vector_load %arg7[%parallel_loop3A_278, %parallel_loop3A_279, %parallel_loop3A_280] {strides = array<i32>} : memref<2x16x999xf32, #tpu.memory_space<vmem>>, vector<1x1x16xf32>,
        %parallel_loop3A_282 = vector.shape_cast %parallel_loop3A_281 : vector<1x1x16xf32> to vector<16xf32>
        %parallel_loop3A_283 = vector.shape_cast %parallel_loop3A_276 : vector<16xf32> to vector<1x1x16xf32>
        tpu.vector_store %arg7[%parallel_loop3A_278, %parallel_loop3A_279, %parallel_loop3A_280], %parallel_loop3A_283 {strides = array<i32>} : memref<2x16x999xf32, #tpu.memory_space<vmem>>, vector<1x1x16xf32>,
        %parallel_loop3A_284 = arith.constant 1 : i32
        %parallel_loop3A_285 = arith.index_cast %parallel_loop3A_284 : i32 to index
        %parallel_loop3A_286 = arith.index_cast %parallel_loop3A_166 : i32 to index
        %parallel_loop3A_287 = arith.constant 144 : index
        %parallel_loop3A_288 = tpu.vector_load %arg6[%parallel_loop3A_285, %parallel_loop3A_286, %parallel_loop3A_287] {strides = array<i32>} : memref<2x16x1024xf32, #tpu.memory_space<vmem>>, vector<1x1x16xf32>,
        %parallel_loop3A_289 = vector.shape_cast %parallel_loop3A_288 : vector<1x1x16xf32> to vector<16xf32>
        %parallel_loop3A_290 = arith.constant 1 : i32
        %parallel_loop3A_291 = arith.index_cast %parallel_loop3A_290 : i32 to index
        %parallel_loop3A_292 = arith.index_cast %parallel_loop3A_166 : i32 to index
        %parallel_loop3A_293 = arith.constant 144 : index
        %parallel_loop3A_294 = tpu.vector_load %arg7[%parallel_loop3A_291, %parallel_loop3A_292, %parallel_loop3A_293] {strides = array<i32>} : memref<2x16x999xf32, #tpu.memory_space<vmem>>, vector<1x1x16xf32>,
        %parallel_loop3A_295 = vector.shape_cast %parallel_loop3A_294 : vector<1x1x16xf32> to vector<16xf32>
        %parallel_loop3A_296 = vector.shape_cast %parallel_loop3A_289 : vector<16xf32> to vector<1x1x16xf32>
        tpu.vector_store %arg7[%parallel_loop3A_291, %parallel_loop3A_292, %parallel_loop3A_293], %parallel_loop3A_296 {strides = array<i32>} : memref<2x16x999xf32, #tpu.memory_space<vmem>>, vector<1x1x16xf32>,
        %parallel_loop3A_297 = arith.constant 1 : i32
        %parallel_loop3A_298 = arith.index_cast %parallel_loop3A_297 : i32 to index
        %parallel_loop3A_299 = arith.index_cast %parallel_loop3A_166 : i32 to index
        %parallel_loop3A_300 = arith.constant 160 : index
        %parallel_loop3A_301 = tpu.vector_load %arg6[%parallel_loop3A_298, %parallel_loop3A_299, %parallel_loop3A_300] {strides = array<i32>} : memref<2x16x1024xf32, #tpu.memory_space<vmem>>, vector<1x1x16xf32>,
        %parallel_loop3A_302 = vector.shape_cast %parallel_loop3A_301 : vector<1x1x16xf32> to vector<16xf32>
        %parallel_loop3A_303 = arith.constant 1 : i32
        %parallel_loop3A_304 = arith.index_cast %parallel_loop3A_303 : i32 to index
        %parallel_loop3A_305 = arith.index_cast %parallel_loop3A_166 : i32 to index
        %parallel_loop3A_306 = arith.constant 160 : index
        %parallel_loop3A_307 = tpu.vector_load %arg7[%parallel_loop3A_304, %parallel_loop3A_305, %parallel_loop3A_306] {strides = array<i32>} : memref<2x16x999xf32, #tpu.memory_space<vmem>>, vector<1x1x16xf32>,
        %parallel_loop3A_308 = vector.shape_cast %parallel_loop3A_307 : vector<1x1x16xf32> to vector<16xf32>
        %parallel_loop3A_309 = vector.shape_cast %parallel_loop3A_302 : vector<16xf32> to vector<1x1x16xf32>
        tpu.vector_store %arg7[%parallel_loop3A_304, %parallel_loop3A_305, %parallel_loop3A_306], %parallel_loop3A_309 {strides = array<i32>} : memref<2x16x999xf32, #tpu.memory_space<vmem>>, vector<1x1x16xf32>,
        %parallel_loop3A_310 = arith.constant 1 : i32
        %parallel_loop3A_311 = arith.index_cast %parallel_loop3A_310 : i32 to index
        %parallel_loop3A_312 = arith.index_cast %parallel_loop3A_166 : i32 to index
        %parallel_loop3A_313 = arith.constant 176 : index
        %parallel_loop3A_314 = tpu.vector_load %arg6[%parallel_loop3A_311, %parallel_loop3A_312, %parallel_loop3A_313] {strides = array<i32>} : memref<2x16x1024xf32, #tpu.memory_space<vmem>>, vector<1x1x16xf32>,
        %parallel_loop3A_315 = vector.shape_cast %parallel_loop3A_314 : vector<1x1x16xf32> to vector<16xf32>
        %parallel_loop3A_316 = arith.constant 1 : i32
        %parallel_loop3A_317 = arith.index_cast %parallel_loop3A_316 : i32 to index
        %parallel_loop3A_318 = arith.index_cast %parallel_loop3A_166 : i32 to index
        %parallel_loop3A_319 = arith.constant 176 : index
        %parallel_loop3A_320 = tpu.vector_load %arg7[%parallel_loop3A_317, %parallel_loop3A_318, %parallel_loop3A_319] {strides = array<i32>} : memref<2x16x999xf32, #tpu.memory_space<vmem>>, vector<1x1x16xf32>,
        %parallel_loop3A_321 = vector.shape_cast %parallel_loop3A_320 : vector<1x1x16xf32> to vector<16xf32>
        %parallel_loop3A_322 = vector.shape_cast %parallel_loop3A_315 : vector<16xf32> to vector<1x1x16xf32>
        tpu.vector_store %arg7[%parallel_loop3A_317, %parallel_loop3A_318, %parallel_loop3A_319], %parallel_loop3A_322 {strides = array<i32>} : memref<2x16x999xf32, #tpu.memory_space<vmem>>, vector<1x1x16xf32>,
        %parallel_loop3A_323 = arith.constant 1 : i32
        %parallel_loop3A_324 = arith.index_cast %parallel_loop3A_323 : i32 to index
        %parallel_loop3A_325 = arith.index_cast %parallel_loop3A_166 : i32 to index
        %parallel_loop3A_326 = arith.constant 192 : index
        %parallel_loop3A_327 = tpu.vector_load %arg6[%parallel_loop3A_324, %parallel_loop3A_325, %parallel_loop3A_326] {strides = array<i32>} : memref<2x16x1024xf32, #tpu.memory_space<vmem>>, vector<1x1x16xf32>,
        %parallel_loop3A_328 = vector.shape_cast %parallel_loop3A_327 : vector<1x1x16xf32> to vector<16xf32>
        %parallel_loop3A_329 = arith.constant 1 : i32
        %parallel_loop3A_330 = arith.index_cast %parallel_loop3A_329 : i32 to index
        %parallel_loop3A_331 = arith.index_cast %parallel_loop3A_166 : i32 to index
        %parallel_loop3A_332 = arith.constant 192 : index
        %parallel_loop3A_333 = tpu.vector_load %arg7[%parallel_loop3A_330, %parallel_loop3A_331, %parallel_loop3A_332] {strides = array<i32>} : memref<2x16x999xf32, #tpu.memory_space<vmem>>, vector<1x1x16xf32>,
        %parallel_loop3A_334 = vector.shape_cast %parallel_loop3A_333 : vector<1x1x16xf32> to vector<16xf32>
        %parallel_loop3A_335 = vector.shape_cast %parallel_loop3A_328 : vector<16xf32> to vector<1x1x16xf32>
        tpu.vector_store %arg7[%parallel_loop3A_330, %parallel_loop3A_331, %parallel_loop3A_332], %parallel_loop3A_335 {strides = array<i32>} : memref<2x16x999xf32, #tpu.memory_space<vmem>>, vector<1x1x16xf32>,
        %parallel_loop3A_336 = arith.constant 1 : i32
        %parallel_loop3A_337 = arith.index_cast %parallel_loop3A_336 : i32 to index
        %parallel_loop3A_338 = arith.index_cast %parallel_loop3A_166 : i32 to index
        %parallel_loop3A_339 = arith.constant 208 : index
        %parallel_loop3A_340 = tpu.vector_load %arg6[%parallel_loop3A_337, %parallel_loop3A_338, %parallel_loop3A_339] {strides = array<i32>} : memref<2x16x1024xf32, #tpu.memory_space<vmem>>, vector<1x1x16xf32>,
        %parallel_loop3A_341 = vector.shape_cast %parallel_loop3A_340 : vector<1x1x16xf32> to vector<16xf32>
        %parallel_loop3A_342 = arith.constant 1 : i32
        %parallel_loop3A_343 = arith.index_cast %parallel_loop3A_342 : i32 to index
        %parallel_loop3A_344 = arith.index_cast %parallel_loop3A_166 : i32 to index
        %parallel_loop3A_345 = arith.constant 208 : index
        %parallel_loop3A_346 = tpu.vector_load %arg7[%parallel_loop3A_343, %parallel_loop3A_344, %parallel_loop3A_345] {strides = array<i32>} : memref<2x16x999xf32, #tpu.memory_space<vmem>>, vector<1x1x16xf32>,
        %parallel_loop3A_347 = vector.shape_cast %parallel_loop3A_346 : vector<1x1x16xf32> to vector<16xf32>
        %parallel_loop3A_348 = vector.shape_cast %parallel_loop3A_341 : vector<16xf32> to vector<1x1x16xf32>
        tpu.vector_store %arg7[%parallel_loop3A_343, %parallel_loop3A_344, %parallel_loop3A_345], %parallel_loop3A_348 {strides = array<i32>} : memref<2x16x999xf32, #tpu.memory_space<vmem>>, vector<1x1x16xf32>,
        %parallel_loop3A_349 = arith.constant 1 : i32
        %parallel_loop3A_350 = arith.index_cast %parallel_loop3A_349 : i32 to index
        %parallel_loop3A_351 = arith.index_cast %parallel_loop3A_166 : i32 to index
        %parallel_loop3A_352 = arith.constant 224 : index
        %parallel_loop3A_353 = tpu.vector_load %arg6[%parallel_loop3A_350, %parallel_loop3A_351, %parallel_loop3A_352] {strides = array<i32>} : memref<2x16x1024xf32, #tpu.memory_space<vmem>>, vector<1x1x16xf32>,
        %parallel_loop3A_354 = vector.shape_cast %parallel_loop3A_353 : vector<1x1x16xf32> to vector<16xf32>
        %parallel_loop3A_355 = arith.constant 1 : i32
        %parallel_loop3A_356 = arith.index_cast %parallel_loop3A_355 : i32 to index
        %parallel_loop3A_357 = arith.index_cast %parallel_loop3A_166 : i32 to index
        %parallel_loop3A_358 = arith.constant 224 : index
        %parallel_loop3A_359 = tpu.vector_load %arg7[%parallel_loop3A_356, %parallel_loop3A_357, %parallel_loop3A_358] {strides = array<i32>} : memref<2x16x999xf32, #tpu.memory_space<vmem>>, vector<1x1x16xf32>,
        %parallel_loop3A_360 = vector.shape_cast %parallel_loop3A_359 : vector<1x1x16xf32> to vector<16xf32>
        %parallel_loop3A_361 = vector.shape_cast %parallel_loop3A_354 : vector<16xf32> to vector<1x1x16xf32>
        tpu.vector_store %arg7[%parallel_loop3A_356, %parallel_loop3A_357, %parallel_loop3A_358], %parallel_loop3A_361 {strides = array<i32>} : memref<2x16x999xf32, #tpu.memory_space<vmem>>, vector<1x1x16xf32>,
        %parallel_loop3A_362 = arith.constant 1 : i32
        %parallel_loop3A_363 = arith.index_cast %parallel_loop3A_362 : i32 to index
        %parallel_loop3A_364 = arith.index_cast %parallel_loop3A_166 : i32 to index
        %parallel_loop3A_365 = arith.constant 240 : index
        %parallel_loop3A_366 = tpu.vector_load %arg6[%parallel_loop3A_363, %parallel_loop3A_364, %parallel_loop3A_365] {strides = array<i32>} : memref<2x16x1024xf32, #tpu.memory_space<vmem>>, vector<1x1x16xf32>,
        %parallel_loop3A_367 = vector.shape_cast %parallel_loop3A_366 : vector<1x1x16xf32> to vector<16xf32>
        %parallel_loop3A_368 = arith.constant 1 : i32
        %parallel_loop3A_369 = arith.index_cast %parallel_loop3A_368 : i32 to index
        %parallel_loop3A_370 = arith.index_cast %parallel_loop3A_166 : i32 to index
        %parallel_loop3A_371 = arith.constant 240 : index
        %parallel_loop3A_372 = tpu.vector_load %arg7[%parallel_loop3A_369, %parallel_loop3A_370, %parallel_loop3A_371] {strides = array<i32>} : memref<2x16x999xf32, #tpu.memory_space<vmem>>, vector<1x1x16xf32>,
        %parallel_loop3A_373 = vector.shape_cast %parallel_loop3A_372 : vector<1x1x16xf32> to vector<16xf32>
        %parallel_loop3A_374 = vector.shape_cast %parallel_loop3A_367 : vector<16xf32> to vector<1x1x16xf32>
        tpu.vector_store %arg7[%parallel_loop3A_369, %parallel_loop3A_370, %parallel_loop3A_371], %parallel_loop3A_374 {strides = array<i32>} : memref<2x16x999xf32, #tpu.memory_space<vmem>>, vector<1x1x16xf32>,
        %parallel_loop3A_375 = arith.constant 1 : i32
        %parallel_loop3A_376 = arith.index_cast %parallel_loop3A_375 : i32 to index
        %parallel_loop3A_377 = arith.index_cast %parallel_loop3A_166 : i32 to index
        %parallel_loop3A_378 = arith.constant 256 : index
        %parallel_loop3A_379 = tpu.vector_load %arg6[%parallel_loop3A_376, %parallel_loop3A_377, %parallel_loop3A_378] {strides = array<i32>} : memref<2x16x1024xf32, #tpu.memory_space<vmem>>, vector<1x1x16xf32>,
        %parallel_loop3A_380 = vector.shape_cast %parallel_loop3A_379 : vector<1x1x16xf32> to vector<16xf32>
        %parallel_loop3A_381 = arith.constant 1 : i32
        %parallel_loop3A_382 = arith.index_cast %parallel_loop3A_381 : i32 to index
        %parallel_loop3A_383 = arith.index_cast %parallel_loop3A_166 : i32 to index
        %parallel_loop3A_384 = arith.constant 256 : index
        %parallel_loop3A_385 = tpu.vector_load %arg7[%parallel_loop3A_382, %parallel_loop3A_383, %parallel_loop3A_384] {strides = array<i32>} : memref<2x16x999xf32, #tpu.memory_space<vmem>>, vector<1x1x16xf32>,
        %parallel_loop3A_386 = vector.shape_cast %parallel_loop3A_385 : vector<1x1x16xf32> to vector<16xf32>
        %parallel_loop3A_387 = vector.shape_cast %parallel_loop3A_380 : vector<16xf32> to vector<1x1x16xf32>
        tpu.vector_store %arg7[%parallel_loop3A_382, %parallel_loop3A_383, %parallel_loop3A_384], %parallel_loop3A_387 {strides = array<i32>} : memref<2x16x999xf32, #tpu.memory_space<vmem>>, vector<1x1x16xf32>,
        %parallel_loop3A_388 = arith.constant 1 : i32
        %parallel_loop3A_389 = arith.index_cast %parallel_loop3A_388 : i32 to index
        %parallel_loop3A_390 = arith.index_cast %parallel_loop3A_166 : i32 to index
        %parallel_loop3A_391 = arith.constant 272 : index
        %parallel_loop3A_392 = tpu.vector_load %arg6[%parallel_loop3A_389, %parallel_loop3A_390, %parallel_loop3A_391] {strides = array<i32>} : memref<2x16x1024xf32, #tpu.memory_space<vmem>>, vector<1x1x16xf32>,
        %parallel_loop3A_393 = vector.shape_cast %parallel_loop3A_392 : vector<1x1x16xf32> to vector<16xf32>
        %parallel_loop3A_394 = arith.constant 1 : i32
        %parallel_loop3A_395 = arith.index_cast %parallel_loop3A_394 : i32 to index
        %parallel_loop3A_396 = arith.index_cast %parallel_loop3A_166 : i32 to index
        %parallel_loop3A_397 = arith.constant 272 : index
        %parallel_loop3A_398 = tpu.vector_load %arg7[%parallel_loop3A_395, %parallel_loop3A_396, %parallel_loop3A_397] {strides = array<i32>} : memref<2x16x999xf32, #tpu.memory_space<vmem>>, vector<1x1x16xf32>,
        %parallel_loop3A_399 = vector.shape_cast %parallel_loop3A_398 : vector<1x1x16xf32> to vector<16xf32>
        %parallel_loop3A_400 = vector.shape_cast %parallel_loop3A_393 : vector<16xf32> to vector<1x1x16xf32>
        tpu.vector_store %arg7[%parallel_loop3A_395, %parallel_loop3A_396, %parallel_loop3A_397], %parallel_loop3A_400 {strides = array<i32>} : memref<2x16x999xf32, #tpu.memory_space<vmem>>, vector<1x1x16xf32>,
        %parallel_loop3A_401 = arith.constant 1 : i32
        %parallel_loop3A_402 = arith.index_cast %parallel_loop3A_401 : i32 to index
        %parallel_loop3A_403 = arith.index_cast %parallel_loop3A_166 : i32 to index
        %parallel_loop3A_404 = arith.constant 288 : index
        %parallel_loop3A_405 = tpu.vector_load %arg6[%parallel_loop3A_402, %parallel_loop3A_403, %parallel_loop3A_404] {strides = array<i32>} : memref<2x16x1024xf32, #tpu.memory_space<vmem>>, vector<1x1x16xf32>,
        %parallel_loop3A_406 = vector.shape_cast %parallel_loop3A_405 : vector<1x1x16xf32> to vector<16xf32>
        %parallel_loop3A_407 = arith.constant 1 : i32
        %parallel_loop3A_408 = arith.index_cast %parallel_loop3A_407 : i32 to index
        %parallel_loop3A_409 = arith.index_cast %parallel_loop3A_166 : i32 to index
        %parallel_loop3A_410 = arith.constant 288 : index
        %parallel_loop3A_411 = tpu.vector_load %arg7[%parallel_loop3A_408, %parallel_loop3A_409, %parallel_loop3A_410] {strides = array<i32>} : memref<2x16x999xf32, #tpu.memory_space<vmem>>, vector<1x1x16xf32>,
        %parallel_loop3A_412 = vector.shape_cast %parallel_loop3A_411 : vector<1x1x16xf32> to vector<16xf32>
        %parallel_loop3A_413 = vector.shape_cast %parallel_loop3A_406 : vector<16xf32> to vector<1x1x16xf32>
        tpu.vector_store %arg7[%parallel_loop3A_408, %parallel_loop3A_409, %parallel_loop3A_410], %parallel_loop3A_413 {strides = array<i32>} : memref<2x16x999xf32, #tpu.memory_space<vmem>>, vector<1x1x16xf32>,
        %parallel_loop3A_414 = arith.constant 1 : i32
        %parallel_loop3A_415 = arith.index_cast %parallel_loop3A_414 : i32 to index
        %parallel_loop3A_416 = arith.index_cast %parallel_loop3A_166 : i32 to index
        %parallel_loop3A_417 = arith.constant 304 : index
        %parallel_loop3A_418 = tpu.vector_load %arg6[%parallel_loop3A_415, %parallel_loop3A_416, %parallel_loop3A_417] {strides = array<i32>} : memref<2x16x1024xf32, #tpu.memory_space<vmem>>, vector<1x1x16xf32>,
        %parallel_loop3A_419 = vector.shape_cast %parallel_loop3A_418 : vector<1x1x16xf32> to vector<16xf32>
        %parallel_loop3A_420 = arith.constant 1 : i32
        %parallel_loop3A_421 = arith.index_cast %parallel_loop3A_420 : i32 to index
        %parallel_loop3A_422 = arith.index_cast %parallel_loop3A_166 : i32 to index
        %parallel_loop3A_423 = arith.constant 304 : index
        %parallel_loop3A_424 = tpu.vector_load %arg7[%parallel_loop3A_421, %parallel_loop3A_422, %parallel_loop3A_423] {strides = array<i32>} : memref<2x16x999xf32, #tpu.memory_space<vmem>>, vector<1x1x16xf32>,
        %parallel_loop3A_425 = vector.shape_cast %parallel_loop3A_424 : vector<1x1x16xf32> to vector<16xf32>
        %parallel_loop3A_426 = vector.shape_cast %parallel_loop3A_419 : vector<16xf32> to vector<1x1x16xf32>
        tpu.vector_store %arg7[%parallel_loop3A_421, %parallel_loop3A_422, %parallel_loop3A_423], %parallel_loop3A_426 {strides = array<i32>} : memref<2x16x999xf32, #tpu.memory_space<vmem>>, vector<1x1x16xf32>,
        %parallel_loop3A_427 = arith.constant 1 : i32
        %parallel_loop3A_428 = arith.index_cast %parallel_loop3A_427 : i32 to index
        %parallel_loop3A_429 = arith.index_cast %parallel_loop3A_166 : i32 to index
        %parallel_loop3A_430 = arith.constant 320 : index
        %parallel_loop3A_431 = tpu.vector_load %arg6[%parallel_loop3A_428, %parallel_loop3A_429, %parallel_loop3A_430] {strides = array<i32>} : memref<2x16x1024xf32, #tpu.memory_space<vmem>>, vector<1x1x16xf32>,
        %parallel_loop3A_432 = vector.shape_cast %parallel_loop3A_431 : vector<1x1x16xf32> to vector<16xf32>
        %parallel_loop3A_433 = arith.constant 1 : i32
        %parallel_loop3A_434 = arith.index_cast %parallel_loop3A_433 : i32 to index
        %parallel_loop3A_435 = arith.index_cast %parallel_loop3A_166 : i32 to index
        %parallel_loop3A_436 = arith.constant 320 : index
        %parallel_loop3A_437 = tpu.vector_load %arg7[%parallel_loop3A_434, %parallel_loop3A_435, %parallel_loop3A_436] {strides = array<i32>} : memref<2x16x999xf32, #tpu.memory_space<vmem>>, vector<1x1x16xf32>,
        %parallel_loop3A_438 = vector.shape_cast %parallel_loop3A_437 : vector<1x1x16xf32> to vector<16xf32>
        %parallel_loop3A_439 = vector.shape_cast %parallel_loop3A_432 : vector<16xf32> to vector<1x1x16xf32>
        tpu.vector_store %arg7[%parallel_loop3A_434, %parallel_loop3A_435, %parallel_loop3A_436], %parallel_loop3A_439 {strides = array<i32>} : memref<2x16x999xf32, #tpu.memory_space<vmem>>, vector<1x1x16xf32>,
        %parallel_loop3A_440 = arith.constant 1 : i32
        %parallel_loop3A_441 = arith.index_cast %parallel_loop3A_440 : i32 to index
        %parallel_loop3A_442 = arith.index_cast %parallel_loop3A_166 : i32 to index
        %parallel_loop3A_443 = arith.constant 336 : index
        %parallel_loop3A_444 = tpu.vector_load %arg6[%parallel_loop3A_441, %parallel_loop3A_442, %parallel_loop3A_443] {strides = array<i32>} : memref<2x16x1024xf32, #tpu.memory_space<vmem>>, vector<1x1x16xf32>,
        %parallel_loop3A_445 = vector.shape_cast %parallel_loop3A_444 : vector<1x1x16xf32> to vector<16xf32>
        %parallel_loop3A_446 = arith.constant 1 : i32
        %parallel_loop3A_447 = arith.index_cast %parallel_loop3A_446 : i32 to index
        %parallel_loop3A_448 = arith.index_cast %parallel_loop3A_166 : i32 to index
        %parallel_loop3A_449 = arith.constant 336 : index
        %parallel_loop3A_450 = tpu.vector_load %arg7[%parallel_loop3A_447, %parallel_loop3A_448, %parallel_loop3A_449] {strides = array<i32>} : memref<2x16x999xf32, #tpu.memory_space<vmem>>, vector<1x1x16xf32>,
        %parallel_loop3A_451 = vector.shape_cast %parallel_loop3A_450 : vector<1x1x16xf32> to vector<16xf32>
        %parallel_loop3A_452 = vector.shape_cast %parallel_loop3A_445 : vector<16xf32> to vector<1x1x16xf32>
        tpu.vector_store %arg7[%parallel_loop3A_447, %parallel_loop3A_448, %parallel_loop3A_449], %parallel_loop3A_452 {strides = array<i32>} : memref<2x16x999xf32, #tpu.memory_space<vmem>>, vector<1x1x16xf32>,
        %parallel_loop3A_453 = arith.constant 1 : i32
        %parallel_loop3A_454 = arith.index_cast %parallel_loop3A_453 : i32 to index
        %parallel_loop3A_455 = arith.index_cast %parallel_loop3A_166 : i32 to index
        %parallel_loop3A_456 = arith.constant 352 : index
        %parallel_loop3A_457 = tpu.vector_load %arg6[%parallel_loop3A_454, %parallel_loop3A_455, %parallel_loop3A_456] {strides = array<i32>} : memref<2x16x1024xf32, #tpu.memory_space<vmem>>, vector<1x1x16xf32>,
        %parallel_loop3A_458 = vector.shape_cast %parallel_loop3A_457 : vector<1x1x16xf32> to vector<16xf32>
        %parallel_loop3A_459 = arith.constant 1 : i32
        %parallel_loop3A_460 = arith.index_cast %parallel_loop3A_459 : i32 to index
        %parallel_loop3A_461 = arith.index_cast %parallel_loop3A_166 : i32 to index
        %parallel_loop3A_462 = arith.constant 352 : index
        %parallel_loop3A_463 = tpu.vector_load %arg7[%parallel_loop3A_460, %parallel_loop3A_461, %parallel_loop3A_462] {strides = array<i32>} : memref<2x16x999xf32, #tpu.memory_space<vmem>>, vector<1x1x16xf32>,
        %parallel_loop3A_464 = vector.shape_cast %parallel_loop3A_463 : vector<1x1x16xf32> to vector<16xf32>
        %parallel_loop3A_465 = vector.shape_cast %parallel_loop3A_458 : vector<16xf32> to vector<1x1x16xf32>
        tpu.vector_store %arg7[%parallel_loop3A_460, %parallel_loop3A_461, %parallel_loop3A_462], %parallel_loop3A_465 {strides = array<i32>} : memref<2x16x999xf32, #tpu.memory_space<vmem>>, vector<1x1x16xf32>,
        %parallel_loop3A_466 = arith.constant 1 : i32
        %parallel_loop3A_467 = arith.index_cast %parallel_loop3A_466 : i32 to index
        %parallel_loop3A_468 = arith.index_cast %parallel_loop3A_166 : i32 to index
        %parallel_loop3A_469 = arith.constant 368 : index
        %parallel_loop3A_470 = tpu.vector_load %arg6[%parallel_loop3A_467, %parallel_loop3A_468, %parallel_loop3A_469] {strides = array<i32>} : memref<2x16x1024xf32, #tpu.memory_space<vmem>>, vector<1x1x16xf32>,
        %parallel_loop3A_471 = vector.shape_cast %parallel_loop3A_470 : vector<1x1x16xf32> to vector<16xf32>
        %parallel_loop3A_472 = arith.constant 1 : i32
        %parallel_loop3A_473 = arith.index_cast %parallel_loop3A_472 : i32 to index
        %parallel_loop3A_474 = arith.index_cast %parallel_loop3A_166 : i32 to index
        %parallel_loop3A_475 = arith.constant 368 : index
        %parallel_loop3A_476 = tpu.vector_load %arg7[%parallel_loop3A_473, %parallel_loop3A_474, %parallel_loop3A_475] {strides = array<i32>} : memref<2x16x999xf32, #tpu.memory_space<vmem>>, vector<1x1x16xf32>,
        %parallel_loop3A_477 = vector.shape_cast %parallel_loop3A_476 : vector<1x1x16xf32> to vector<16xf32>
        %parallel_loop3A_478 = vector.shape_cast %parallel_loop3A_471 : vector<16xf32> to vector<1x1x16xf32>
        tpu.vector_store %arg7[%parallel_loop3A_473, %parallel_loop3A_474, %parallel_loop3A_475], %parallel_loop3A_478 {strides = array<i32>} : memref<2x16x999xf32, #tpu.memory_space<vmem>>, vector<1x1x16xf32>,
        %parallel_loop3A_479 = arith.constant 1 : i32
        %parallel_loop3A_480 = arith.index_cast %parallel_loop3A_479 : i32 to index
        %parallel_loop3A_481 = arith.index_cast %parallel_loop3A_166 : i32 to index
        %parallel_loop3A_482 = arith.constant 384 : index
        %parallel_loop3A_483 = tpu.vector_load %arg6[%parallel_loop3A_480, %parallel_loop3A_481, %parallel_loop3A_482] {strides = array<i32>} : memref<2x16x1024xf32, #tpu.memory_space<vmem>>, vector<1x1x16xf32>,
        %parallel_loop3A_484 = vector.shape_cast %parallel_loop3A_483 : vector<1x1x16xf32> to vector<16xf32>
        %parallel_loop3A_485 = arith.constant 1 : i32
        %parallel_loop3A_486 = arith.index_cast %parallel_loop3A_485 : i32 to index
        %parallel_loop3A_487 = arith.index_cast %parallel_loop3A_166 : i32 to index
        %parallel_loop3A_488 = arith.constant 384 : index
        %parallel_loop3A_489 = tpu.vector_load %arg7[%parallel_loop3A_486, %parallel_loop3A_487, %parallel_loop3A_488] {strides = array<i32>} : memref<2x16x999xf32, #tpu.memory_space<vmem>>, vector<1x1x16xf32>,
        %parallel_loop3A_490 = vector.shape_cast %parallel_loop3A_489 : vector<1x1x16xf32> to vector<16xf32>
        %parallel_loop3A_491 = vector.shape_cast %parallel_loop3A_484 : vector<16xf32> to vector<1x1x16xf32>
        tpu.vector_store %arg7[%parallel_loop3A_486, %parallel_loop3A_487, %parallel_loop3A_488], %parallel_loop3A_491 {strides = array<i32>} : memref<2x16x999xf32, #tpu.memory_space<vmem>>, vector<1x1x16xf32>,
        %parallel_loop3A_492 = arith.constant 1 : i32
        %parallel_loop3A_493 = arith.index_cast %parallel_loop3A_492 : i32 to index
        %parallel_loop3A_494 = arith.index_cast %parallel_loop3A_166 : i32 to index
        %parallel_loop3A_495 = arith.constant 400 : index
        %parallel_loop3A_496 = tpu.vector_load %arg6[%parallel_loop3A_493, %parallel_loop3A_494, %parallel_loop3A_495] {strides = array<i32>} : memref<2x16x1024xf32, #tpu.memory_space<vmem>>, vector<1x1x16xf32>,
        %parallel_loop3A_497 = vector.shape_cast %parallel_loop3A_496 : vector<1x1x16xf32> to vector<16xf32>
        %parallel_loop3A_498 = arith.constant 1 : i32
        %parallel_loop3A_499 = arith.index_cast %parallel_loop3A_498 : i32 to index
        %parallel_loop3A_500 = arith.index_cast %parallel_loop3A_166 : i32 to index
        %parallel_loop3A_501 = arith.constant 400 : index
        %parallel_loop3A_502 = tpu.vector_load %arg7[%parallel_loop3A_499, %parallel_loop3A_500, %parallel_loop3A_501] {strides = array<i32>} : memref<2x16x999xf32, #tpu.memory_space<vmem>>, vector<1x1x16xf32>,
        %parallel_loop3A_503 = vector.shape_cast %parallel_loop3A_502 : vector<1x1x16xf32> to vector<16xf32>
        %parallel_loop3A_504 = vector.shape_cast %parallel_loop3A_497 : vector<16xf32> to vector<1x1x16xf32>
        tpu.vector_store %arg7[%parallel_loop3A_499, %parallel_loop3A_500, %parallel_loop3A_501], %parallel_loop3A_504 {strides = array<i32>} : memref<2x16x999xf32, #tpu.memory_space<vmem>>, vector<1x1x16xf32>,
        %parallel_loop3A_505 = arith.constant 1 : i32
        %parallel_loop3A_506 = arith.index_cast %parallel_loop3A_505 : i32 to index
        %parallel_loop3A_507 = arith.index_cast %parallel_loop3A_166 : i32 to index
        %parallel_loop3A_508 = arith.constant 416 : index
        %parallel_loop3A_509 = tpu.vector_load %arg6[%parallel_loop3A_506, %parallel_loop3A_507, %parallel_loop3A_508] {strides = array<i32>} : memref<2x16x1024xf32, #tpu.memory_space<vmem>>, vector<1x1x16xf32>,
        %parallel_loop3A_510 = vector.shape_cast %parallel_loop3A_509 : vector<1x1x16xf32> to vector<16xf32>
        %parallel_loop3A_511 = arith.constant 1 : i32
        %parallel_loop3A_512 = arith.index_cast %parallel_loop3A_511 : i32 to index
        %parallel_loop3A_513 = arith.index_cast %parallel_loop3A_166 : i32 to index
        %parallel_loop3A_514 = arith.constant 416 : index
        %parallel_loop3A_515 = tpu.vector_load %arg7[%parallel_loop3A_512, %parallel_loop3A_513, %parallel_loop3A_514] {strides = array<i32>} : memref<2x16x999xf32, #tpu.memory_space<vmem>>, vector<1x1x16xf32>,
        %parallel_loop3A_516 = vector.shape_cast %parallel_loop3A_515 : vector<1x1x16xf32> to vector<16xf32>
        %parallel_loop3A_517 = vector.shape_cast %parallel_loop3A_510 : vector<16xf32> to vector<1x1x16xf32>
        tpu.vector_store %arg7[%parallel_loop3A_512, %parallel_loop3A_513, %parallel_loop3A_514], %parallel_loop3A_517 {strides = array<i32>} : memref<2x16x999xf32, #tpu.memory_space<vmem>>, vector<1x1x16xf32>,
        %parallel_loop3A_518 = arith.constant 1 : i32
        %parallel_loop3A_519 = arith.index_cast %parallel_loop3A_518 : i32 to index
        %parallel_loop3A_520 = arith.index_cast %parallel_loop3A_166 : i32 to index
        %parallel_loop3A_521 = arith.constant 432 : index
        %parallel_loop3A_522 = tpu.vector_load %arg6[%parallel_loop3A_519, %parallel_loop3A_520, %parallel_loop3A_521] {strides = array<i32>} : memref<2x16x1024xf32, #tpu.memory_space<vmem>>, vector<1x1x16xf32>,
        %parallel_loop3A_523 = vector.shape_cast %parallel_loop3A_522 : vector<1x1x16xf32> to vector<16xf32>
        %parallel_loop3A_524 = arith.constant 1 : i32
        %parallel_loop3A_525 = arith.index_cast %parallel_loop3A_524 : i32 to index
        %parallel_loop3A_526 = arith.index_cast %parallel_loop3A_166 : i32 to index
        %parallel_loop3A_527 = arith.constant 432 : index
        %parallel_loop3A_528 = tpu.vector_load %arg7[%parallel_loop3A_525, %parallel_loop3A_526, %parallel_loop3A_527] {strides = array<i32>} : memref<2x16x999xf32, #tpu.memory_space<vmem>>, vector<1x1x16xf32>,
        %parallel_loop3A_529 = vector.shape_cast %parallel_loop3A_528 : vector<1x1x16xf32> to vector<16xf32>
        %parallel_loop3A_530 = vector.shape_cast %parallel_loop3A_523 : vector<16xf32> to vector<1x1x16xf32>
        tpu.vector_store %arg7[%parallel_loop3A_525, %parallel_loop3A_526, %parallel_loop3A_527], %parallel_loop3A_530 {strides = array<i32>} : memref<2x16x999xf32, #tpu.memory_space<vmem>>, vector<1x1x16xf32>,
        %parallel_loop3A_531 = arith.constant 1 : i32
        %parallel_loop3A_532 = arith.index_cast %parallel_loop3A_531 : i32 to index
        %parallel_loop3A_533 = arith.index_cast %parallel_loop3A_166 : i32 to index
        %parallel_loop3A_534 = arith.constant 448 : index
        %parallel_loop3A_535 = tpu.vector_load %arg6[%parallel_loop3A_532, %parallel_loop3A_533, %parallel_loop3A_534] {strides = array<i32>} : memref<2x16x1024xf32, #tpu.memory_space<vmem>>, vector<1x1x16xf32>,
        %parallel_loop3A_536 = vector.shape_cast %parallel_loop3A_535 : vector<1x1x16xf32> to vector<16xf32>
        %parallel_loop3A_537 = arith.constant 1 : i32
        %parallel_loop3A_538 = arith.index_cast %parallel_loop3A_537 : i32 to index
        %parallel_loop3A_539 = arith.index_cast %parallel_loop3A_166 : i32 to index
        %parallel_loop3A_540 = arith.constant 448 : index
        %parallel_loop3A_541 = tpu.vector_load %arg7[%parallel_loop3A_538, %parallel_loop3A_539, %parallel_loop3A_540] {strides = array<i32>} : memref<2x16x999xf32, #tpu.memory_space<vmem>>, vector<1x1x16xf32>,
        %parallel_loop3A_542 = vector.shape_cast %parallel_loop3A_541 : vector<1x1x16xf32> to vector<16xf32>
        %parallel_loop3A_543 = vector.shape_cast %parallel_loop3A_536 : vector<16xf32> to vector<1x1x16xf32>
        tpu.vector_store %arg7[%parallel_loop3A_538, %parallel_loop3A_539, %parallel_loop3A_540], %parallel_loop3A_543 {strides = array<i32>} : memref<2x16x999xf32, #tpu.memory_space<vmem>>, vector<1x1x16xf32>,
        %parallel_loop3A_544 = arith.constant 1 : i32
        %parallel_loop3A_545 = arith.index_cast %parallel_loop3A_544 : i32 to index
        %parallel_loop3A_546 = arith.index_cast %parallel_loop3A_166 : i32 to index
        %parallel_loop3A_547 = arith.constant 464 : index
        %parallel_loop3A_548 = tpu.vector_load %arg6[%parallel_loop3A_545, %parallel_loop3A_546, %parallel_loop3A_547] {strides = array<i32>} : memref<2x16x1024xf32, #tpu.memory_space<vmem>>, vector<1x1x16xf32>,
        %parallel_loop3A_549 = vector.shape_cast %parallel_loop3A_548 : vector<1x1x16xf32> to vector<16xf32>
        %parallel_loop3A_550 = arith.constant 1 : i32
        %parallel_loop3A_551 = arith.index_cast %parallel_loop3A_550 : i32 to index
        %parallel_loop3A_552 = arith.index_cast %parallel_loop3A_166 : i32 to index
        %parallel_loop3A_553 = arith.constant 464 : index
        %parallel_loop3A_554 = tpu.vector_load %arg7[%parallel_loop3A_551, %parallel_loop3A_552, %parallel_loop3A_553] {strides = array<i32>} : memref<2x16x999xf32, #tpu.memory_space<vmem>>, vector<1x1x16xf32>,
        %parallel_loop3A_555 = vector.shape_cast %parallel_loop3A_554 : vector<1x1x16xf32> to vector<16xf32>
        %parallel_loop3A_556 = vector.shape_cast %parallel_loop3A_549 : vector<16xf32> to vector<1x1x16xf32>
        tpu.vector_store %arg7[%parallel_loop3A_551, %parallel_loop3A_552, %parallel_loop3A_553], %parallel_loop3A_556 {strides = array<i32>} : memref<2x16x999xf32, #tpu.memory_space<vmem>>, vector<1x1x16xf32>,
        %parallel_loop3A_557 = arith.constant 1 : i32
        %parallel_loop3A_558 = arith.index_cast %parallel_loop3A_557 : i32 to index
        %parallel_loop3A_559 = arith.index_cast %parallel_loop3A_166 : i32 to index
        %parallel_loop3A_560 = arith.constant 480 : index
        %parallel_loop3A_561 = tpu.vector_load %arg6[%parallel_loop3A_558, %parallel_loop3A_559, %parallel_loop3A_560] {strides = array<i32>} : memref<2x16x1024xf32, #tpu.memory_space<vmem>>, vector<1x1x16xf32>,
        %parallel_loop3A_562 = vector.shape_cast %parallel_loop3A_561 : vector<1x1x16xf32> to vector<16xf32>
        %parallel_loop3A_563 = arith.constant 1 : i32
        %parallel_loop3A_564 = arith.index_cast %parallel_loop3A_563 : i32 to index
        %parallel_loop3A_565 = arith.index_cast %parallel_loop3A_166 : i32 to index
        %parallel_loop3A_566 = arith.constant 480 : index
        %parallel_loop3A_567 = tpu.vector_load %arg7[%parallel_loop3A_564, %parallel_loop3A_565, %parallel_loop3A_566] {strides = array<i32>} : memref<2x16x999xf32, #tpu.memory_space<vmem>>, vector<1x1x16xf32>,
        %parallel_loop3A_568 = vector.shape_cast %parallel_loop3A_567 : vector<1x1x16xf32> to vector<16xf32>
        %parallel_loop3A_569 = vector.shape_cast %parallel_loop3A_562 : vector<16xf32> to vector<1x1x16xf32>
        tpu.vector_store %arg7[%parallel_loop3A_564, %parallel_loop3A_565, %parallel_loop3A_566], %parallel_loop3A_569 {strides = array<i32>} : memref<2x16x999xf32, #tpu.memory_space<vmem>>, vector<1x1x16xf32>,
        %parallel_loop3A_570 = arith.constant 1 : i32
        %parallel_loop3A_571 = arith.index_cast %parallel_loop3A_570 : i32 to index
        %parallel_loop3A_572 = arith.index_cast %parallel_loop3A_166 : i32 to index
        %parallel_loop3A_573 = arith.constant 496 : index
        %parallel_loop3A_574 = tpu.vector_load %arg6[%parallel_loop3A_571, %parallel_loop3A_572, %parallel_loop3A_573] {strides = array<i32>} : memref<2x16x1024xf32, #tpu.memory_space<vmem>>, vector<1x1x16xf32>,
        %parallel_loop3A_575 = vector.shape_cast %parallel_loop3A_574 : vector<1x1x16xf32> to vector<16xf32>
        %parallel_loop3A_576 = arith.constant 1 : i32
        %parallel_loop3A_577 = arith.index_cast %parallel_loop3A_576 : i32 to index
        %parallel_loop3A_578 = arith.index_cast %parallel_loop3A_166 : i32 to index
        %parallel_loop3A_579 = arith.constant 496 : index
        %parallel_loop3A_580 = tpu.vector_load %arg7[%parallel_loop3A_577, %parallel_loop3A_578, %parallel_loop3A_579] {strides = array<i32>} : memref<2x16x999xf32, #tpu.memory_space<vmem>>, vector<1x1x16xf32>,
        %parallel_loop3A_581 = vector.shape_cast %parallel_loop3A_580 : vector<1x1x16xf32> to vector<16xf32>
        %parallel_loop3A_582 = vector.shape_cast %parallel_loop3A_575 : vector<16xf32> to vector<1x1x16xf32>
        tpu.vector_store %arg7[%parallel_loop3A_577, %parallel_loop3A_578, %parallel_loop3A_579], %parallel_loop3A_582 {strides = array<i32>} : memref<2x16x999xf32, #tpu.memory_space<vmem>>, vector<1x1x16xf32>,
        %parallel_loop3A_583 = arith.constant 1 : i32
        %parallel_loop3A_584 = arith.index_cast %parallel_loop3A_583 : i32 to index
        %parallel_loop3A_585 = arith.index_cast %parallel_loop3A_166 : i32 to index
        %parallel_loop3A_586 = arith.constant 512 : index
        %parallel_loop3A_587 = tpu.vector_load %arg6[%parallel_loop3A_584, %parallel_loop3A_585, %parallel_loop3A_586] {strides = array<i32>} : memref<2x16x1024xf32, #tpu.memory_space<vmem>>, vector<1x1x16xf32>,
        %parallel_loop3A_588 = vector.shape_cast %parallel_loop3A_587 : vector<1x1x16xf32> to vector<16xf32>
        %parallel_loop3A_589 = arith.constant 1 : i32
        %parallel_loop3A_590 = arith.index_cast %parallel_loop3A_589 : i32 to index
        %parallel_loop3A_591 = arith.index_cast %parallel_loop3A_166 : i32 to index
        %parallel_loop3A_592 = arith.constant 512 : index
        %parallel_loop3A_593 = tpu.vector_load %arg7[%parallel_loop3A_590, %parallel_loop3A_591, %parallel_loop3A_592] {strides = array<i32>} : memref<2x16x999xf32, #tpu.memory_space<vmem>>, vector<1x1x16xf32>,
        %parallel_loop3A_594 = vector.shape_cast %parallel_loop3A_593 : vector<1x1x16xf32> to vector<16xf32>
        %parallel_loop3A_595 = vector.shape_cast %parallel_loop3A_588 : vector<16xf32> to vector<1x1x16xf32>
        tpu.vector_store %arg7[%parallel_loop3A_590, %parallel_loop3A_591, %parallel_loop3A_592], %parallel_loop3A_595 {strides = array<i32>} : memref<2x16x999xf32, #tpu.memory_space<vmem>>, vector<1x1x16xf32>,
        %parallel_loop3A_596 = arith.constant 1 : i32
        %parallel_loop3A_597 = arith.index_cast %parallel_loop3A_596 : i32 to index
        %parallel_loop3A_598 = arith.index_cast %parallel_loop3A_166 : i32 to index
        %parallel_loop3A_599 = arith.constant 528 : index
        %parallel_loop3A_600 = tpu.vector_load %arg6[%parallel_loop3A_597, %parallel_loop3A_598, %parallel_loop3A_599] {strides = array<i32>} : memref<2x16x1024xf32, #tpu.memory_space<vmem>>, vector<1x1x16xf32>,
        %parallel_loop3A_601 = vector.shape_cast %parallel_loop3A_600 : vector<1x1x16xf32> to vector<16xf32>
        %parallel_loop3A_602 = arith.constant 1 : i32
        %parallel_loop3A_603 = arith.index_cast %parallel_loop3A_602 : i32 to index
        %parallel_loop3A_604 = arith.index_cast %parallel_loop3A_166 : i32 to index
        %parallel_loop3A_605 = arith.constant 528 : index
        %parallel_loop3A_606 = tpu.vector_load %arg7[%parallel_loop3A_603, %parallel_loop3A_604, %parallel_loop3A_605] {strides = array<i32>} : memref<2x16x999xf32, #tpu.memory_space<vmem>>, vector<1x1x16xf32>,
        %parallel_loop3A_607 = vector.shape_cast %parallel_loop3A_606 : vector<1x1x16xf32> to vector<16xf32>
        %parallel_loop3A_608 = vector.shape_cast %parallel_loop3A_601 : vector<16xf32> to vector<1x1x16xf32>
        tpu.vector_store %arg7[%parallel_loop3A_603, %parallel_loop3A_604, %parallel_loop3A_605], %parallel_loop3A_608 {strides = array<i32>} : memref<2x16x999xf32, #tpu.memory_space<vmem>>, vector<1x1x16xf32>,
        %parallel_loop3A_609 = arith.constant 1 : i32
        %parallel_loop3A_610 = arith.index_cast %parallel_loop3A_609 : i32 to index
        %parallel_loop3A_611 = arith.index_cast %parallel_loop3A_166 : i32 to index
        %parallel_loop3A_612 = arith.constant 544 : index
        %parallel_loop3A_613 = tpu.vector_load %arg6[%parallel_loop3A_610, %parallel_loop3A_611, %parallel_loop3A_612] {strides = array<i32>} : memref<2x16x1024xf32, #tpu.memory_space<vmem>>, vector<1x1x16xf32>,
        %parallel_loop3A_614 = vector.shape_cast %parallel_loop3A_613 : vector<1x1x16xf32> to vector<16xf32>
        %parallel_loop3A_615 = arith.constant 1 : i32
        %parallel_loop3A_616 = arith.index_cast %parallel_loop3A_615 : i32 to index
        %parallel_loop3A_617 = arith.index_cast %parallel_loop3A_166 : i32 to index
        %parallel_loop3A_618 = arith.constant 544 : index
        %parallel_loop3A_619 = tpu.vector_load %arg7[%parallel_loop3A_616, %parallel_loop3A_617, %parallel_loop3A_618] {strides = array<i32>} : memref<2x16x999xf32, #tpu.memory_space<vmem>>, vector<1x1x16xf32>,
        %parallel_loop3A_620 = vector.shape_cast %parallel_loop3A_619 : vector<1x1x16xf32> to vector<16xf32>
        %parallel_loop3A_621 = vector.shape_cast %parallel_loop3A_614 : vector<16xf32> to vector<1x1x16xf32>
        tpu.vector_store %arg7[%parallel_loop3A_616, %parallel_loop3A_617, %parallel_loop3A_618], %parallel_loop3A_621 {strides = array<i32>} : memref<2x16x999xf32, #tpu.memory_space<vmem>>, vector<1x1x16xf32>,
        %parallel_loop3A_622 = arith.constant 1 : i32
        %parallel_loop3A_623 = arith.index_cast %parallel_loop3A_622 : i32 to index
        %parallel_loop3A_624 = arith.index_cast %parallel_loop3A_166 : i32 to index
        %parallel_loop3A_625 = arith.constant 560 : index
        %parallel_loop3A_626 = tpu.vector_load %arg6[%parallel_loop3A_623, %parallel_loop3A_624, %parallel_loop3A_625] {strides = array<i32>} : memref<2x16x1024xf32, #tpu.memory_space<vmem>>, vector<1x1x16xf32>,
        %parallel_loop3A_627 = vector.shape_cast %parallel_loop3A_626 : vector<1x1x16xf32> to vector<16xf32>
        %parallel_loop3A_628 = arith.constant 1 : i32
        %parallel_loop3A_629 = arith.index_cast %parallel_loop3A_628 : i32 to index
        %parallel_loop3A_630 = arith.index_cast %parallel_loop3A_166 : i32 to index
        %parallel_loop3A_631 = arith.constant 560 : index
        %parallel_loop3A_632 = tpu.vector_load %arg7[%parallel_loop3A_629, %parallel_loop3A_630, %parallel_loop3A_631] {strides = array<i32>} : memref<2x16x999xf32, #tpu.memory_space<vmem>>, vector<1x1x16xf32>,
        %parallel_loop3A_633 = vector.shape_cast %parallel_loop3A_632 : vector<1x1x16xf32> to vector<16xf32>
        %parallel_loop3A_634 = vector.shape_cast %parallel_loop3A_627 : vector<16xf32> to vector<1x1x16xf32>
        tpu.vector_store %arg7[%parallel_loop3A_629, %parallel_loop3A_630, %parallel_loop3A_631], %parallel_loop3A_634 {strides = array<i32>} : memref<2x16x999xf32, #tpu.memory_space<vmem>>, vector<1x1x16xf32>,
        %parallel_loop3A_635 = arith.constant 1 : i32
        %parallel_loop3A_636 = arith.index_cast %parallel_loop3A_635 : i32 to index
        %parallel_loop3A_637 = arith.index_cast %parallel_loop3A_166 : i32 to index
        %parallel_loop3A_638 = arith.constant 576 : index
        %parallel_loop3A_639 = tpu.vector_load %arg6[%parallel_loop3A_636, %parallel_loop3A_637, %parallel_loop3A_638] {strides = array<i32>} : memref<2x16x1024xf32, #tpu.memory_space<vmem>>, vector<1x1x16xf32>,
        %parallel_loop3A_640 = vector.shape_cast %parallel_loop3A_639 : vector<1x1x16xf32> to vector<16xf32>
        %parallel_loop3A_641 = arith.constant 1 : i32
        %parallel_loop3A_642 = arith.index_cast %parallel_loop3A_641 : i32 to index
        %parallel_loop3A_643 = arith.index_cast %parallel_loop3A_166 : i32 to index
        %parallel_loop3A_644 = arith.constant 576 : index
        %parallel_loop3A_645 = tpu.vector_load %arg7[%parallel_loop3A_642, %parallel_loop3A_643, %parallel_loop3A_644] {strides = array<i32>} : memref<2x16x999xf32, #tpu.memory_space<vmem>>, vector<1x1x16xf32>,
        %parallel_loop3A_646 = vector.shape_cast %parallel_loop3A_645 : vector<1x1x16xf32> to vector<16xf32>
        %parallel_loop3A_647 = vector.shape_cast %parallel_loop3A_640 : vector<16xf32> to vector<1x1x16xf32>
        tpu.vector_store %arg7[%parallel_loop3A_642, %parallel_loop3A_643, %parallel_loop3A_644], %parallel_loop3A_647 {strides = array<i32>} : memref<2x16x999xf32, #tpu.memory_space<vmem>>, vector<1x1x16xf32>,
        %parallel_loop3A_648 = arith.constant 1 : i32
        %parallel_loop3A_649 = arith.index_cast %parallel_loop3A_648 : i32 to index
        %parallel_loop3A_650 = arith.index_cast %parallel_loop3A_166 : i32 to index
        %parallel_loop3A_651 = arith.constant 592 : index
        %parallel_loop3A_652 = tpu.vector_load %arg6[%parallel_loop3A_649, %parallel_loop3A_650, %parallel_loop3A_651] {strides = array<i32>} : memref<2x16x1024xf32, #tpu.memory_space<vmem>>, vector<1x1x16xf32>,
        %parallel_loop3A_653 = vector.shape_cast %parallel_loop3A_652 : vector<1x1x16xf32> to vector<16xf32>
        %parallel_loop3A_654 = arith.constant 1 : i32
        %parallel_loop3A_655 = arith.index_cast %parallel_loop3A_654 : i32 to index
        %parallel_loop3A_656 = arith.index_cast %parallel_loop3A_166 : i32 to index
        %parallel_loop3A_657 = arith.constant 592 : index
        %parallel_loop3A_658 = tpu.vector_load %arg7[%parallel_loop3A_655, %parallel_loop3A_656, %parallel_loop3A_657] {strides = array<i32>} : memref<2x16x999xf32, #tpu.memory_space<vmem>>, vector<1x1x16xf32>,
        %parallel_loop3A_659 = vector.shape_cast %parallel_loop3A_658 : vector<1x1x16xf32> to vector<16xf32>
        %parallel_loop3A_660 = vector.shape_cast %parallel_loop3A_653 : vector<16xf32> to vector<1x1x16xf32>
        tpu.vector_store %arg7[%parallel_loop3A_655, %parallel_loop3A_656, %parallel_loop3A_657], %parallel_loop3A_660 {strides = array<i32>} : memref<2x16x999xf32, #tpu.memory_space<vmem>>, vector<1x1x16xf32>,
        %parallel_loop3A_661 = arith.constant 1 : i32
        %parallel_loop3A_662 = arith.index_cast %parallel_loop3A_661 : i32 to index
        %parallel_loop3A_663 = arith.index_cast %parallel_loop3A_166 : i32 to index
        %parallel_loop3A_664 = arith.constant 608 : index
        %parallel_loop3A_665 = tpu.vector_load %arg6[%parallel_loop3A_662, %parallel_loop3A_663, %parallel_loop3A_664] {strides = array<i32>} : memref<2x16x1024xf32, #tpu.memory_space<vmem>>, vector<1x1x16xf32>,
        %parallel_loop3A_666 = vector.shape_cast %parallel_loop3A_665 : vector<1x1x16xf32> to vector<16xf32>
        %parallel_loop3A_667 = arith.constant 1 : i32
        %parallel_loop3A_668 = arith.index_cast %parallel_loop3A_667 : i32 to index
        %parallel_loop3A_669 = arith.index_cast %parallel_loop3A_166 : i32 to index
        %parallel_loop3A_670 = arith.constant 608 : index
        %parallel_loop3A_671 = tpu.vector_load %arg7[%parallel_loop3A_668, %parallel_loop3A_669, %parallel_loop3A_670] {strides = array<i32>} : memref<2x16x999xf32, #tpu.memory_space<vmem>>, vector<1x1x16xf32>,
        %parallel_loop3A_672 = vector.shape_cast %parallel_loop3A_671 : vector<1x1x16xf32> to vector<16xf32>
        %parallel_loop3A_673 = vector.shape_cast %parallel_loop3A_666 : vector<16xf32> to vector<1x1x16xf32>
        tpu.vector_store %arg7[%parallel_loop3A_668, %parallel_loop3A_669, %parallel_loop3A_670], %parallel_loop3A_673 {strides = array<i32>} : memref<2x16x999xf32, #tpu.memory_space<vmem>>, vector<1x1x16xf32>,
        %parallel_loop3A_674 = arith.constant 1 : i32
        %parallel_loop3A_675 = arith.index_cast %parallel_loop3A_674 : i32 to index
        %parallel_loop3A_676 = arith.index_cast %parallel_loop3A_166 : i32 to index
        %parallel_loop3A_677 = arith.constant 624 : index
        %parallel_loop3A_678 = tpu.vector_load %arg6[%parallel_loop3A_675, %parallel_loop3A_676, %parallel_loop3A_677] {strides = array<i32>} : memref<2x16x1024xf32, #tpu.memory_space<vmem>>, vector<1x1x16xf32>,
        %parallel_loop3A_679 = vector.shape_cast %parallel_loop3A_678 : vector<1x1x16xf32> to vector<16xf32>
        %parallel_loop3A_680 = arith.constant 1 : i32
        %parallel_loop3A_681 = arith.index_cast %parallel_loop3A_680 : i32 to index
        %parallel_loop3A_682 = arith.index_cast %parallel_loop3A_166 : i32 to index
        %parallel_loop3A_683 = arith.constant 624 : index
        %parallel_loop3A_684 = tpu.vector_load %arg7[%parallel_loop3A_681, %parallel_loop3A_682, %parallel_loop3A_683] {strides = array<i32>} : memref<2x16x999xf32, #tpu.memory_space<vmem>>, vector<1x1x16xf32>,
        %parallel_loop3A_685 = vector.shape_cast %parallel_loop3A_684 : vector<1x1x16xf32> to vector<16xf32>
        %parallel_loop3A_686 = vector.shape_cast %parallel_loop3A_679 : vector<16xf32> to vector<1x1x16xf32>
        tpu.vector_store %arg7[%parallel_loop3A_681, %parallel_loop3A_682, %parallel_loop3A_683], %parallel_loop3A_686 {strides = array<i32>} : memref<2x16x999xf32, #tpu.memory_space<vmem>>, vector<1x1x16xf32>,
        %parallel_loop3A_687 = arith.constant 1 : i32
        %parallel_loop3A_688 = arith.index_cast %parallel_loop3A_687 : i32 to index
        %parallel_loop3A_689 = arith.index_cast %parallel_loop3A_166 : i32 to index
        %parallel_loop3A_690 = arith.constant 640 : index
        %parallel_loop3A_691 = tpu.vector_load %arg6[%parallel_loop3A_688, %parallel_loop3A_689, %parallel_loop3A_690] {strides = array<i32>} : memref<2x16x1024xf32, #tpu.memory_space<vmem>>, vector<1x1x16xf32>,
        %parallel_loop3A_692 = vector.shape_cast %parallel_loop3A_691 : vector<1x1x16xf32> to vector<16xf32>
        %parallel_loop3A_693 = arith.constant 1 : i32
        %parallel_loop3A_694 = arith.index_cast %parallel_loop3A_693 : i32 to index
        %parallel_loop3A_695 = arith.index_cast %parallel_loop3A_166 : i32 to index
        %parallel_loop3A_696 = arith.constant 640 : index
        %parallel_loop3A_697 = tpu.vector_load %arg7[%parallel_loop3A_694, %parallel_loop3A_695, %parallel_loop3A_696] {strides = array<i32>} : memref<2x16x999xf32, #tpu.memory_space<vmem>>, vector<1x1x16xf32>,
        %parallel_loop3A_698 = vector.shape_cast %parallel_loop3A_697 : vector<1x1x16xf32> to vector<16xf32>
        %parallel_loop3A_699 = vector.shape_cast %parallel_loop3A_692 : vector<16xf32> to vector<1x1x16xf32>
        tpu.vector_store %arg7[%parallel_loop3A_694, %parallel_loop3A_695, %parallel_loop3A_696], %parallel_loop3A_699 {strides = array<i32>} : memref<2x16x999xf32, #tpu.memory_space<vmem>>, vector<1x1x16xf32>,
        %parallel_loop3A_700 = arith.constant 1 : i32
        %parallel_loop3A_701 = arith.index_cast %parallel_loop3A_700 : i32 to index
        %parallel_loop3A_702 = arith.index_cast %parallel_loop3A_166 : i32 to index
        %parallel_loop3A_703 = arith.constant 656 : index
        %parallel_loop3A_704 = tpu.vector_load %arg6[%parallel_loop3A_701, %parallel_loop3A_702, %parallel_loop3A_703] {strides = array<i32>} : memref<2x16x1024xf32, #tpu.memory_space<vmem>>, vector<1x1x16xf32>,
        %parallel_loop3A_705 = vector.shape_cast %parallel_loop3A_704 : vector<1x1x16xf32> to vector<16xf32>
        %parallel_loop3A_706 = arith.constant 1 : i32
        %parallel_loop3A_707 = arith.index_cast %parallel_loop3A_706 : i32 to index
        %parallel_loop3A_708 = arith.index_cast %parallel_loop3A_166 : i32 to index
        %parallel_loop3A_709 = arith.constant 656 : index
        %parallel_loop3A_710 = tpu.vector_load %arg7[%parallel_loop3A_707, %parallel_loop3A_708, %parallel_loop3A_709] {strides = array<i32>} : memref<2x16x999xf32, #tpu.memory_space<vmem>>, vector<1x1x16xf32>,
        %parallel_loop3A_711 = vector.shape_cast %parallel_loop3A_710 : vector<1x1x16xf32> to vector<16xf32>
        %parallel_loop3A_712 = vector.shape_cast %parallel_loop3A_705 : vector<16xf32> to vector<1x1x16xf32>
        tpu.vector_store %arg7[%parallel_loop3A_707, %parallel_loop3A_708, %parallel_loop3A_709], %parallel_loop3A_712 {strides = array<i32>} : memref<2x16x999xf32, #tpu.memory_space<vmem>>, vector<1x1x16xf32>,
        %parallel_loop3A_713 = arith.constant 1 : i32
        %parallel_loop3A_714 = arith.index_cast %parallel_loop3A_713 : i32 to index
        %parallel_loop3A_715 = arith.index_cast %parallel_loop3A_166 : i32 to index
        %parallel_loop3A_716 = arith.constant 672 : index
        %parallel_loop3A_717 = tpu.vector_load %arg6[%parallel_loop3A_714, %parallel_loop3A_715, %parallel_loop3A_716] {strides = array<i32>} : memref<2x16x1024xf32, #tpu.memory_space<vmem>>, vector<1x1x16xf32>,
        %parallel_loop3A_718 = vector.shape_cast %parallel_loop3A_717 : vector<1x1x16xf32> to vector<16xf32>
        %parallel_loop3A_719 = arith.constant 1 : i32
        %parallel_loop3A_720 = arith.index_cast %parallel_loop3A_719 : i32 to index
        %parallel_loop3A_721 = arith.index_cast %parallel_loop3A_166 : i32 to index
        %parallel_loop3A_722 = arith.constant 672 : index
        %parallel_loop3A_723 = tpu.vector_load %arg7[%parallel_loop3A_720, %parallel_loop3A_721, %parallel_loop3A_722] {strides = array<i32>} : memref<2x16x999xf32, #tpu.memory_space<vmem>>, vector<1x1x16xf32>,
        %parallel_loop3A_724 = vector.shape_cast %parallel_loop3A_723 : vector<1x1x16xf32> to vector<16xf32>
        %parallel_loop3A_725 = vector.shape_cast %parallel_loop3A_718 : vector<16xf32> to vector<1x1x16xf32>
        tpu.vector_store %arg7[%parallel_loop3A_720, %parallel_loop3A_721, %parallel_loop3A_722], %parallel_loop3A_725 {strides = array<i32>} : memref<2x16x999xf32, #tpu.memory_space<vmem>>, vector<1x1x16xf32>,
        %parallel_loop3A_726 = arith.constant 1 : i32
        %parallel_loop3A_727 = arith.index_cast %parallel_loop3A_726 : i32 to index
        %parallel_loop3A_728 = arith.index_cast %parallel_loop3A_166 : i32 to index
        %parallel_loop3A_729 = arith.constant 688 : index
        %parallel_loop3A_730 = tpu.vector_load %arg6[%parallel_loop3A_727, %parallel_loop3A_728, %parallel_loop3A_729] {strides = array<i32>} : memref<2x16x1024xf32, #tpu.memory_space<vmem>>, vector<1x1x16xf32>,
        %parallel_loop3A_731 = vector.shape_cast %parallel_loop3A_730 : vector<1x1x16xf32> to vector<16xf32>
        %parallel_loop3A_732 = arith.constant 1 : i32
        %parallel_loop3A_733 = arith.index_cast %parallel_loop3A_732 : i32 to index
        %parallel_loop3A_734 = arith.index_cast %parallel_loop3A_166 : i32 to index
        %parallel_loop3A_735 = arith.constant 688 : index
        %parallel_loop3A_736 = tpu.vector_load %arg7[%parallel_loop3A_733, %parallel_loop3A_734, %parallel_loop3A_735] {strides = array<i32>} : memref<2x16x999xf32, #tpu.memory_space<vmem>>, vector<1x1x16xf32>,
        %parallel_loop3A_737 = vector.shape_cast %parallel_loop3A_736 : vector<1x1x16xf32> to vector<16xf32>
        %parallel_loop3A_738 = vector.shape_cast %parallel_loop3A_731 : vector<16xf32> to vector<1x1x16xf32>
        tpu.vector_store %arg7[%parallel_loop3A_733, %parallel_loop3A_734, %parallel_loop3A_735], %parallel_loop3A_738 {strides = array<i32>} : memref<2x16x999xf32, #tpu.memory_space<vmem>>, vector<1x1x16xf32>,
        %parallel_loop3A_739 = arith.constant 1 : i32
        %parallel_loop3A_740 = arith.index_cast %parallel_loop3A_739 : i32 to index
        %parallel_loop3A_741 = arith.index_cast %parallel_loop3A_166 : i32 to index
        %parallel_loop3A_742 = arith.constant 704 : index
        %parallel_loop3A_743 = tpu.vector_load %arg6[%parallel_loop3A_740, %parallel_loop3A_741, %parallel_loop3A_742] {strides = array<i32>} : memref<2x16x1024xf32, #tpu.memory_space<vmem>>, vector<1x1x16xf32>,
        %parallel_loop3A_744 = vector.shape_cast %parallel_loop3A_743 : vector<1x1x16xf32> to vector<16xf32>
        %parallel_loop3A_745 = arith.constant 1 : i32
        %parallel_loop3A_746 = arith.index_cast %parallel_loop3A_745 : i32 to index
        %parallel_loop3A_747 = arith.index_cast %parallel_loop3A_166 : i32 to index
        %parallel_loop3A_748 = arith.constant 704 : index
        %parallel_loop3A_749 = tpu.vector_load %arg7[%parallel_loop3A_746, %parallel_loop3A_747, %parallel_loop3A_748] {strides = array<i32>} : memref<2x16x999xf32, #tpu.memory_space<vmem>>, vector<1x1x16xf32>,
        %parallel_loop3A_750 = vector.shape_cast %parallel_loop3A_749 : vector<1x1x16xf32> to vector<16xf32>
        %parallel_loop3A_751 = vector.shape_cast %parallel_loop3A_744 : vector<16xf32> to vector<1x1x16xf32>
        tpu.vector_store %arg7[%parallel_loop3A_746, %parallel_loop3A_747, %parallel_loop3A_748], %parallel_loop3A_751 {strides = array<i32>} : memref<2x16x999xf32, #tpu.memory_space<vmem>>, vector<1x1x16xf32>,
        %parallel_loop3A_752 = arith.constant 1 : i32
        %parallel_loop3A_753 = arith.index_cast %parallel_loop3A_752 : i32 to index
        %parallel_loop3A_754 = arith.index_cast %parallel_loop3A_166 : i32 to index
        %parallel_loop3A_755 = arith.constant 720 : index
        %parallel_loop3A_756 = tpu.vector_load %arg6[%parallel_loop3A_753, %parallel_loop3A_754, %parallel_loop3A_755] {strides = array<i32>} : memref<2x16x1024xf32, #tpu.memory_space<vmem>>, vector<1x1x16xf32>,
        %parallel_loop3A_757 = vector.shape_cast %parallel_loop3A_756 : vector<1x1x16xf32> to vector<16xf32>
        %parallel_loop3A_758 = arith.constant 1 : i32
        %parallel_loop3A_759 = arith.index_cast %parallel_loop3A_758 : i32 to index
        %parallel_loop3A_760 = arith.index_cast %parallel_loop3A_166 : i32 to index
        %parallel_loop3A_761 = arith.constant 720 : index
        %parallel_loop3A_762 = tpu.vector_load %arg7[%parallel_loop3A_759, %parallel_loop3A_760, %parallel_loop3A_761] {strides = array<i32>} : memref<2x16x999xf32, #tpu.memory_space<vmem>>, vector<1x1x16xf32>,
        %parallel_loop3A_763 = vector.shape_cast %parallel_loop3A_762 : vector<1x1x16xf32> to vector<16xf32>
        %parallel_loop3A_764 = vector.shape_cast %parallel_loop3A_757 : vector<16xf32> to vector<1x1x16xf32>
        tpu.vector_store %arg7[%parallel_loop3A_759, %parallel_loop3A_760, %parallel_loop3A_761], %parallel_loop3A_764 {strides = array<i32>} : memref<2x16x999xf32, #tpu.memory_space<vmem>>, vector<1x1x16xf32>,
        %parallel_loop3A_765 = arith.constant 1 : i32
        %parallel_loop3A_766 = arith.index_cast %parallel_loop3A_765 : i32 to index
        %parallel_loop3A_767 = arith.index_cast %parallel_loop3A_166 : i32 to index
        %parallel_loop3A_768 = arith.constant 736 : index
        %parallel_loop3A_769 = tpu.vector_load %arg6[%parallel_loop3A_766, %parallel_loop3A_767, %parallel_loop3A_768] {strides = array<i32>} : memref<2x16x1024xf32, #tpu.memory_space<vmem>>, vector<1x1x16xf32>,
        %parallel_loop3A_770 = vector.shape_cast %parallel_loop3A_769 : vector<1x1x16xf32> to vector<16xf32>
        %parallel_loop3A_771 = arith.constant 1 : i32
        %parallel_loop3A_772 = arith.index_cast %parallel_loop3A_771 : i32 to index
        %parallel_loop3A_773 = arith.index_cast %parallel_loop3A_166 : i32 to index
        %parallel_loop3A_774 = arith.constant 736 : index
        %parallel_loop3A_775 = tpu.vector_load %arg7[%parallel_loop3A_772, %parallel_loop3A_773, %parallel_loop3A_774] {strides = array<i32>} : memref<2x16x999xf32, #tpu.memory_space<vmem>>, vector<1x1x16xf32>,
        %parallel_loop3A_776 = vector.shape_cast %parallel_loop3A_775 : vector<1x1x16xf32> to vector<16xf32>
        %parallel_loop3A_777 = vector.shape_cast %parallel_loop3A_770 : vector<16xf32> to vector<1x1x16xf32>
        tpu.vector_store %arg7[%parallel_loop3A_772, %parallel_loop3A_773, %parallel_loop3A_774], %parallel_loop3A_777 {strides = array<i32>} : memref<2x16x999xf32, #tpu.memory_space<vmem>>, vector<1x1x16xf32>,
        %parallel_loop3A_778 = arith.constant 1 : i32
        %parallel_loop3A_779 = arith.index_cast %parallel_loop3A_778 : i32 to index
        %parallel_loop3A_780 = arith.index_cast %parallel_loop3A_166 : i32 to index
        %parallel_loop3A_781 = arith.constant 752 : index
        %parallel_loop3A_782 = tpu.vector_load %arg6[%parallel_loop3A_779, %parallel_loop3A_780, %parallel_loop3A_781] {strides = array<i32>} : memref<2x16x1024xf32, #tpu.memory_space<vmem>>, vector<1x1x16xf32>,
        %parallel_loop3A_783 = vector.shape_cast %parallel_loop3A_782 : vector<1x1x16xf32> to vector<16xf32>
        %parallel_loop3A_784 = arith.constant 1 : i32
        %parallel_loop3A_785 = arith.index_cast %parallel_loop3A_784 : i32 to index
        %parallel_loop3A_786 = arith.index_cast %parallel_loop3A_166 : i32 to index
        %parallel_loop3A_787 = arith.constant 752 : index
        %parallel_loop3A_788 = tpu.vector_load %arg7[%parallel_loop3A_785, %parallel_loop3A_786, %parallel_loop3A_787] {strides = array<i32>} : memref<2x16x999xf32, #tpu.memory_space<vmem>>, vector<1x1x16xf32>,
        %parallel_loop3A_789 = vector.shape_cast %parallel_loop3A_788 : vector<1x1x16xf32> to vector<16xf32>
        %parallel_loop3A_790 = vector.shape_cast %parallel_loop3A_783 : vector<16xf32> to vector<1x1x16xf32>
        tpu.vector_store %arg7[%parallel_loop3A_785, %parallel_loop3A_786, %parallel_loop3A_787], %parallel_loop3A_790 {strides = array<i32>} : memref<2x16x999xf32, #tpu.memory_space<vmem>>, vector<1x1x16xf32>,
        %parallel_loop3A_791 = arith.constant 1 : i32
        %parallel_loop3A_792 = arith.index_cast %parallel_loop3A_791 : i32 to index
        %parallel_loop3A_793 = arith.index_cast %parallel_loop3A_166 : i32 to index
        %parallel_loop3A_794 = arith.constant 768 : index
        %parallel_loop3A_795 = tpu.vector_load %arg6[%parallel_loop3A_792, %parallel_loop3A_793, %parallel_loop3A_794] {strides = array<i32>} : memref<2x16x1024xf32, #tpu.memory_space<vmem>>, vector<1x1x16xf32>,
        %parallel_loop3A_796 = vector.shape_cast %parallel_loop3A_795 : vector<1x1x16xf32> to vector<16xf32>
        %parallel_loop3A_797 = arith.constant 1 : i32
        %parallel_loop3A_798 = arith.index_cast %parallel_loop3A_797 : i32 to index
        %parallel_loop3A_799 = arith.index_cast %parallel_loop3A_166 : i32 to index
        %parallel_loop3A_800 = arith.constant 768 : index
        %parallel_loop3A_801 = tpu.vector_load %arg7[%parallel_loop3A_798, %parallel_loop3A_799, %parallel_loop3A_800] {strides = array<i32>} : memref<2x16x999xf32, #tpu.memory_space<vmem>>, vector<1x1x16xf32>,
        %parallel_loop3A_802 = vector.shape_cast %parallel_loop3A_801 : vector<1x1x16xf32> to vector<16xf32>
        %parallel_loop3A_803 = vector.shape_cast %parallel_loop3A_796 : vector<16xf32> to vector<1x1x16xf32>
        tpu.vector_store %arg7[%parallel_loop3A_798, %parallel_loop3A_799, %parallel_loop3A_800], %parallel_loop3A_803 {strides = array<i32>} : memref<2x16x999xf32, #tpu.memory_space<vmem>>, vector<1x1x16xf32>,
        %parallel_loop3A_804 = arith.constant 1 : i32
        %parallel_loop3A_805 = arith.index_cast %parallel_loop3A_804 : i32 to index
        %parallel_loop3A_806 = arith.index_cast %parallel_loop3A_166 : i32 to index
        %parallel_loop3A_807 = arith.constant 784 : index
        %parallel_loop3A_808 = tpu.vector_load %arg6[%parallel_loop3A_805, %parallel_loop3A_806, %parallel_loop3A_807] {strides = array<i32>} : memref<2x16x1024xf32, #tpu.memory_space<vmem>>, vector<1x1x16xf32>,
        %parallel_loop3A_809 = vector.shape_cast %parallel_loop3A_808 : vector<1x1x16xf32> to vector<16xf32>
        %parallel_loop3A_810 = arith.constant 1 : i32
        %parallel_loop3A_811 = arith.index_cast %parallel_loop3A_810 : i32 to index
        %parallel_loop3A_812 = arith.index_cast %parallel_loop3A_166 : i32 to index
        %parallel_loop3A_813 = arith.constant 784 : index
        %parallel_loop3A_814 = tpu.vector_load %arg7[%parallel_loop3A_811, %parallel_loop3A_812, %parallel_loop3A_813] {strides = array<i32>} : memref<2x16x999xf32, #tpu.memory_space<vmem>>, vector<1x1x16xf32>,
        %parallel_loop3A_815 = vector.shape_cast %parallel_loop3A_814 : vector<1x1x16xf32> to vector<16xf32>
        %parallel_loop3A_816 = vector.shape_cast %parallel_loop3A_809 : vector<16xf32> to vector<1x1x16xf32>
        tpu.vector_store %arg7[%parallel_loop3A_811, %parallel_loop3A_812, %parallel_loop3A_813], %parallel_loop3A_816 {strides = array<i32>} : memref<2x16x999xf32, #tpu.memory_space<vmem>>, vector<1x1x16xf32>,
        %parallel_loop3A_817 = arith.constant 1 : i32
        %parallel_loop3A_818 = arith.index_cast %parallel_loop3A_817 : i32 to index
        %parallel_loop3A_819 = arith.index_cast %parallel_loop3A_166 : i32 to index
        %parallel_loop3A_820 = arith.constant 800 : index
        %parallel_loop3A_821 = tpu.vector_load %arg6[%parallel_loop3A_818, %parallel_loop3A_819, %parallel_loop3A_820] {strides = array<i32>} : memref<2x16x1024xf32, #tpu.memory_space<vmem>>, vector<1x1x16xf32>,
        %parallel_loop3A_822 = vector.shape_cast %parallel_loop3A_821 : vector<1x1x16xf32> to vector<16xf32>
        %parallel_loop3A_823 = arith.constant 1 : i32
        %parallel_loop3A_824 = arith.index_cast %parallel_loop3A_823 : i32 to index
        %parallel_loop3A_825 = arith.index_cast %parallel_loop3A_166 : i32 to index
        %parallel_loop3A_826 = arith.constant 800 : index
        %parallel_loop3A_827 = tpu.vector_load %arg7[%parallel_loop3A_824, %parallel_loop3A_825, %parallel_loop3A_826] {strides = array<i32>} : memref<2x16x999xf32, #tpu.memory_space<vmem>>, vector<1x1x16xf32>,
        %parallel_loop3A_828 = vector.shape_cast %parallel_loop3A_827 : vector<1x1x16xf32> to vector<16xf32>
        %parallel_loop3A_829 = vector.shape_cast %parallel_loop3A_822 : vector<16xf32> to vector<1x1x16xf32>
        tpu.vector_store %arg7[%parallel_loop3A_824, %parallel_loop3A_825, %parallel_loop3A_826], %parallel_loop3A_829 {strides = array<i32>} : memref<2x16x999xf32, #tpu.memory_space<vmem>>, vector<1x1x16xf32>,
        %parallel_loop3A_830 = arith.constant 1 : i32
        %parallel_loop3A_831 = arith.index_cast %parallel_loop3A_830 : i32 to index
        %parallel_loop3A_832 = arith.index_cast %parallel_loop3A_166 : i32 to index
        %parallel_loop3A_833 = arith.constant 816 : index
        %parallel_loop3A_834 = tpu.vector_load %arg6[%parallel_loop3A_831, %parallel_loop3A_832, %parallel_loop3A_833] {strides = array<i32>} : memref<2x16x1024xf32, #tpu.memory_space<vmem>>, vector<1x1x16xf32>,
        %parallel_loop3A_835 = vector.shape_cast %parallel_loop3A_834 : vector<1x1x16xf32> to vector<16xf32>
        %parallel_loop3A_836 = arith.constant 1 : i32
        %parallel_loop3A_837 = arith.index_cast %parallel_loop3A_836 : i32 to index
        %parallel_loop3A_838 = arith.index_cast %parallel_loop3A_166 : i32 to index
        %parallel_loop3A_839 = arith.constant 816 : index
        %parallel_loop3A_840 = tpu.vector_load %arg7[%parallel_loop3A_837, %parallel_loop3A_838, %parallel_loop3A_839] {strides = array<i32>} : memref<2x16x999xf32, #tpu.memory_space<vmem>>, vector<1x1x16xf32>,
        %parallel_loop3A_841 = vector.shape_cast %parallel_loop3A_840 : vector<1x1x16xf32> to vector<16xf32>
        %parallel_loop3A_842 = vector.shape_cast %parallel_loop3A_835 : vector<16xf32> to vector<1x1x16xf32>
        tpu.vector_store %arg7[%parallel_loop3A_837, %parallel_loop3A_838, %parallel_loop3A_839], %parallel_loop3A_842 {strides = array<i32>} : memref<2x16x999xf32, #tpu.memory_space<vmem>>, vector<1x1x16xf32>,
        %parallel_loop3A_843 = arith.constant 1 : i32
        %parallel_loop3A_844 = arith.index_cast %parallel_loop3A_843 : i32 to index
        %parallel_loop3A_845 = arith.index_cast %parallel_loop3A_166 : i32 to index
        %parallel_loop3A_846 = arith.constant 832 : index
        %parallel_loop3A_847 = tpu.vector_load %arg6[%parallel_loop3A_844, %parallel_loop3A_845, %parallel_loop3A_846] {strides = array<i32>} : memref<2x16x1024xf32, #tpu.memory_space<vmem>>, vector<1x1x16xf32>,
        %parallel_loop3A_848 = vector.shape_cast %parallel_loop3A_847 : vector<1x1x16xf32> to vector<16xf32>
        %parallel_loop3A_849 = arith.constant 1 : i32
        %parallel_loop3A_850 = arith.index_cast %parallel_loop3A_849 : i32 to index
        %parallel_loop3A_851 = arith.index_cast %parallel_loop3A_166 : i32 to index
        %parallel_loop3A_852 = arith.constant 832 : index
        %parallel_loop3A_853 = tpu.vector_load %arg7[%parallel_loop3A_850, %parallel_loop3A_851, %parallel_loop3A_852] {strides = array<i32>} : memref<2x16x999xf32, #tpu.memory_space<vmem>>, vector<1x1x16xf32>,
        %parallel_loop3A_854 = vector.shape_cast %parallel_loop3A_853 : vector<1x1x16xf32> to vector<16xf32>
        %parallel_loop3A_855 = vector.shape_cast %parallel_loop3A_848 : vector<16xf32> to vector<1x1x16xf32>
        tpu.vector_store %arg7[%parallel_loop3A_850, %parallel_loop3A_851, %parallel_loop3A_852], %parallel_loop3A_855 {strides = array<i32>} : memref<2x16x999xf32, #tpu.memory_space<vmem>>, vector<1x1x16xf32>,
        %parallel_loop3A_856 = arith.constant 1 : i32
        %parallel_loop3A_857 = arith.index_cast %parallel_loop3A_856 : i32 to index
        %parallel_loop3A_858 = arith.index_cast %parallel_loop3A_166 : i32 to index
        %parallel_loop3A_859 = arith.constant 848 : index
        %parallel_loop3A_860 = tpu.vector_load %arg6[%parallel_loop3A_857, %parallel_loop3A_858, %parallel_loop3A_859] {strides = array<i32>} : memref<2x16x1024xf32, #tpu.memory_space<vmem>>, vector<1x1x16xf32>,
        %parallel_loop3A_861 = vector.shape_cast %parallel_loop3A_860 : vector<1x1x16xf32> to vector<16xf32>
        %parallel_loop3A_862 = arith.constant 1 : i32
        %parallel_loop3A_863 = arith.index_cast %parallel_loop3A_862 : i32 to index
        %parallel_loop3A_864 = arith.index_cast %parallel_loop3A_166 : i32 to index
        %parallel_loop3A_865 = arith.constant 848 : index
        %parallel_loop3A_866 = tpu.vector_load %arg7[%parallel_loop3A_863, %parallel_loop3A_864, %parallel_loop3A_865] {strides = array<i32>} : memref<2x16x999xf32, #tpu.memory_space<vmem>>, vector<1x1x16xf32>,
        %parallel_loop3A_867 = vector.shape_cast %parallel_loop3A_866 : vector<1x1x16xf32> to vector<16xf32>
        %parallel_loop3A_868 = vector.shape_cast %parallel_loop3A_861 : vector<16xf32> to vector<1x1x16xf32>
        tpu.vector_store %arg7[%parallel_loop3A_863, %parallel_loop3A_864, %parallel_loop3A_865], %parallel_loop3A_868 {strides = array<i32>} : memref<2x16x999xf32, #tpu.memory_space<vmem>>, vector<1x1x16xf32>,
        %parallel_loop3A_869 = arith.constant 1 : i32
        %parallel_loop3A_870 = arith.index_cast %parallel_loop3A_869 : i32 to index
        %parallel_loop3A_871 = arith.index_cast %parallel_loop3A_166 : i32 to index
        %parallel_loop3A_872 = arith.constant 864 : index
        %parallel_loop3A_873 = tpu.vector_load %arg6[%parallel_loop3A_870, %parallel_loop3A_871, %parallel_loop3A_872] {strides = array<i32>} : memref<2x16x1024xf32, #tpu.memory_space<vmem>>, vector<1x1x16xf32>,
        %parallel_loop3A_874 = vector.shape_cast %parallel_loop3A_873 : vector<1x1x16xf32> to vector<16xf32>
        %parallel_loop3A_875 = arith.constant 1 : i32
        %parallel_loop3A_876 = arith.index_cast %parallel_loop3A_875 : i32 to index
        %parallel_loop3A_877 = arith.index_cast %parallel_loop3A_166 : i32 to index
        %parallel_loop3A_878 = arith.constant 864 : index
        %parallel_loop3A_879 = tpu.vector_load %arg7[%parallel_loop3A_876, %parallel_loop3A_877, %parallel_loop3A_878] {strides = array<i32>} : memref<2x16x999xf32, #tpu.memory_space<vmem>>, vector<1x1x16xf32>,
        %parallel_loop3A_880 = vector.shape_cast %parallel_loop3A_879 : vector<1x1x16xf32> to vector<16xf32>
        %parallel_loop3A_881 = vector.shape_cast %parallel_loop3A_874 : vector<16xf32> to vector<1x1x16xf32>
        tpu.vector_store %arg7[%parallel_loop3A_876, %parallel_loop3A_877, %parallel_loop3A_878], %parallel_loop3A_881 {strides = array<i32>} : memref<2x16x999xf32, #tpu.memory_space<vmem>>, vector<1x1x16xf32>,
        %parallel_loop3A_882 = arith.constant 1 : i32
        %parallel_loop3A_883 = arith.index_cast %parallel_loop3A_882 : i32 to index
        %parallel_loop3A_884 = arith.index_cast %parallel_loop3A_166 : i32 to index
        %parallel_loop3A_885 = arith.constant 880 : index
        %parallel_loop3A_886 = tpu.vector_load %arg6[%parallel_loop3A_883, %parallel_loop3A_884, %parallel_loop3A_885] {strides = array<i32>} : memref<2x16x1024xf32, #tpu.memory_space<vmem>>, vector<1x1x16xf32>,
        %parallel_loop3A_887 = vector.shape_cast %parallel_loop3A_886 : vector<1x1x16xf32> to vector<16xf32>
        %parallel_loop3A_888 = arith.constant 1 : i32
        %parallel_loop3A_889 = arith.index_cast %parallel_loop3A_888 : i32 to index
        %parallel_loop3A_890 = arith.index_cast %parallel_loop3A_166 : i32 to index
        %parallel_loop3A_891 = arith.constant 880 : index
        %parallel_loop3A_892 = tpu.vector_load %arg7[%parallel_loop3A_889, %parallel_loop3A_890, %parallel_loop3A_891] {strides = array<i32>} : memref<2x16x999xf32, #tpu.memory_space<vmem>>, vector<1x1x16xf32>,
        %parallel_loop3A_893 = vector.shape_cast %parallel_loop3A_892 : vector<1x1x16xf32> to vector<16xf32>
        %parallel_loop3A_894 = vector.shape_cast %parallel_loop3A_887 : vector<16xf32> to vector<1x1x16xf32>
        tpu.vector_store %arg7[%parallel_loop3A_889, %parallel_loop3A_890, %parallel_loop3A_891], %parallel_loop3A_894 {strides = array<i32>} : memref<2x16x999xf32, #tpu.memory_space<vmem>>, vector<1x1x16xf32>,
        %parallel_loop3A_895 = arith.constant 1 : i32
        %parallel_loop3A_896 = arith.index_cast %parallel_loop3A_895 : i32 to index
        %parallel_loop3A_897 = arith.index_cast %parallel_loop3A_166 : i32 to index
        %parallel_loop3A_898 = arith.constant 896 : index
        %parallel_loop3A_899 = tpu.vector_load %arg6[%parallel_loop3A_896, %parallel_loop3A_897, %parallel_loop3A_898] {strides = array<i32>} : memref<2x16x1024xf32, #tpu.memory_space<vmem>>, vector<1x1x16xf32>,
        %parallel_loop3A_900 = vector.shape_cast %parallel_loop3A_899 : vector<1x1x16xf32> to vector<16xf32>
        %parallel_loop3A_901 = arith.constant 1 : i32
        %parallel_loop3A_902 = arith.index_cast %parallel_loop3A_901 : i32 to index
        %parallel_loop3A_903 = arith.index_cast %parallel_loop3A_166 : i32 to index
        %parallel_loop3A_904 = arith.constant 896 : index
        %parallel_loop3A_905 = tpu.vector_load %arg7[%parallel_loop3A_902, %parallel_loop3A_903, %parallel_loop3A_904] {strides = array<i32>} : memref<2x16x999xf32, #tpu.memory_space<vmem>>, vector<1x1x16xf32>,
        %parallel_loop3A_906 = vector.shape_cast %parallel_loop3A_905 : vector<1x1x16xf32> to vector<16xf32>
        %parallel_loop3A_907 = vector.shape_cast %parallel_loop3A_900 : vector<16xf32> to vector<1x1x16xf32>
        tpu.vector_store %arg7[%parallel_loop3A_902, %parallel_loop3A_903, %parallel_loop3A_904], %parallel_loop3A_907 {strides = array<i32>} : memref<2x16x999xf32, #tpu.memory_space<vmem>>, vector<1x1x16xf32>,
        %parallel_loop3A_908 = arith.constant 1 : i32
        %parallel_loop3A_909 = arith.index_cast %parallel_loop3A_908 : i32 to index
        %parallel_loop3A_910 = arith.index_cast %parallel_loop3A_166 : i32 to index
        %parallel_loop3A_911 = arith.constant 912 : index
        %parallel_loop3A_912 = tpu.vector_load %arg6[%parallel_loop3A_909, %parallel_loop3A_910, %parallel_loop3A_911] {strides = array<i32>} : memref<2x16x1024xf32, #tpu.memory_space<vmem>>, vector<1x1x16xf32>,
        %parallel_loop3A_913 = vector.shape_cast %parallel_loop3A_912 : vector<1x1x16xf32> to vector<16xf32>
        %parallel_loop3A_914 = arith.constant 1 : i32
        %parallel_loop3A_915 = arith.index_cast %parallel_loop3A_914 : i32 to index
        %parallel_loop3A_916 = arith.index_cast %parallel_loop3A_166 : i32 to index
        %parallel_loop3A_917 = arith.constant 912 : index
        %parallel_loop3A_918 = tpu.vector_load %arg7[%parallel_loop3A_915, %parallel_loop3A_916, %parallel_loop3A_917] {strides = array<i32>} : memref<2x16x999xf32, #tpu.memory_space<vmem>>, vector<1x1x16xf32>,
        %parallel_loop3A_919 = vector.shape_cast %parallel_loop3A_918 : vector<1x1x16xf32> to vector<16xf32>
        %parallel_loop3A_920 = vector.shape_cast %parallel_loop3A_913 : vector<16xf32> to vector<1x1x16xf32>
        tpu.vector_store %arg7[%parallel_loop3A_915, %parallel_loop3A_916, %parallel_loop3A_917], %parallel_loop3A_920 {strides = array<i32>} : memref<2x16x999xf32, #tpu.memory_space<vmem>>, vector<1x1x16xf32>,
        %parallel_loop3A_921 = arith.constant 1 : i32
        %parallel_loop3A_922 = arith.index_cast %parallel_loop3A_921 : i32 to index
        %parallel_loop3A_923 = arith.index_cast %parallel_loop3A_166 : i32 to index
        %parallel_loop3A_924 = arith.constant 928 : index
        %parallel_loop3A_925 = tpu.vector_load %arg6[%parallel_loop3A_922, %parallel_loop3A_923, %parallel_loop3A_924] {strides = array<i32>} : memref<2x16x1024xf32, #tpu.memory_space<vmem>>, vector<1x1x16xf32>,
        %parallel_loop3A_926 = vector.shape_cast %parallel_loop3A_925 : vector<1x1x16xf32> to vector<16xf32>
        %parallel_loop3A_927 = arith.constant 1 : i32
        %parallel_loop3A_928 = arith.index_cast %parallel_loop3A_927 : i32 to index
        %parallel_loop3A_929 = arith.index_cast %parallel_loop3A_166 : i32 to index
        %parallel_loop3A_930 = arith.constant 928 : index
        %parallel_loop3A_931 = tpu.vector_load %arg7[%parallel_loop3A_928, %parallel_loop3A_929, %parallel_loop3A_930] {strides = array<i32>} : memref<2x16x999xf32, #tpu.memory_space<vmem>>, vector<1x1x16xf32>,
        %parallel_loop3A_932 = vector.shape_cast %parallel_loop3A_931 : vector<1x1x16xf32> to vector<16xf32>
        %parallel_loop3A_933 = vector.shape_cast %parallel_loop3A_926 : vector<16xf32> to vector<1x1x16xf32>
        tpu.vector_store %arg7[%parallel_loop3A_928, %parallel_loop3A_929, %parallel_loop3A_930], %parallel_loop3A_933 {strides = array<i32>} : memref<2x16x999xf32, #tpu.memory_space<vmem>>, vector<1x1x16xf32>,
        %parallel_loop3A_934 = arith.constant 1 : i32
        %parallel_loop3A_935 = arith.index_cast %parallel_loop3A_934 : i32 to index
        %parallel_loop3A_936 = arith.index_cast %parallel_loop3A_166 : i32 to index
        %parallel_loop3A_937 = arith.constant 944 : index
        %parallel_loop3A_938 = tpu.vector_load %arg6[%parallel_loop3A_935, %parallel_loop3A_936, %parallel_loop3A_937] {strides = array<i32>} : memref<2x16x1024xf32, #tpu.memory_space<vmem>>, vector<1x1x16xf32>,
        %parallel_loop3A_939 = vector.shape_cast %parallel_loop3A_938 : vector<1x1x16xf32> to vector<16xf32>
        %parallel_loop3A_940 = arith.constant 1 : i32
        %parallel_loop3A_941 = arith.index_cast %parallel_loop3A_940 : i32 to index
        %parallel_loop3A_942 = arith.index_cast %parallel_loop3A_166 : i32 to index
        %parallel_loop3A_943 = arith.constant 944 : index
        %parallel_loop3A_944 = tpu.vector_load %arg7[%parallel_loop3A_941, %parallel_loop3A_942, %parallel_loop3A_943] {strides = array<i32>} : memref<2x16x999xf32, #tpu.memory_space<vmem>>, vector<1x1x16xf32>,
        %parallel_loop3A_945 = vector.shape_cast %parallel_loop3A_944 : vector<1x1x16xf32> to vector<16xf32>
        %parallel_loop3A_946 = vector.shape_cast %parallel_loop3A_939 : vector<16xf32> to vector<1x1x16xf32>
        tpu.vector_store %arg7[%parallel_loop3A_941, %parallel_loop3A_942, %parallel_loop3A_943], %parallel_loop3A_946 {strides = array<i32>} : memref<2x16x999xf32, #tpu.memory_space<vmem>>, vector<1x1x16xf32>,
        %parallel_loop3A_947 = arith.constant 1 : i32
        %parallel_loop3A_948 = arith.index_cast %parallel_loop3A_947 : i32 to index
        %parallel_loop3A_949 = arith.index_cast %parallel_loop3A_166 : i32 to index
        %parallel_loop3A_950 = arith.constant 960 : index
        %parallel_loop3A_951 = tpu.vector_load %arg6[%parallel_loop3A_948, %parallel_loop3A_949, %parallel_loop3A_950] {strides = array<i32>} : memref<2x16x1024xf32, #tpu.memory_space<vmem>>, vector<1x1x16xf32>,
        %parallel_loop3A_952 = vector.shape_cast %parallel_loop3A_951 : vector<1x1x16xf32> to vector<16xf32>
        %parallel_loop3A_953 = arith.constant 1 : i32
        %parallel_loop3A_954 = arith.index_cast %parallel_loop3A_953 : i32 to index
        %parallel_loop3A_955 = arith.index_cast %parallel_loop3A_166 : i32 to index
        %parallel_loop3A_956 = arith.constant 960 : index
        %parallel_loop3A_957 = tpu.vector_load %arg7[%parallel_loop3A_954, %parallel_loop3A_955, %parallel_loop3A_956] {strides = array<i32>} : memref<2x16x999xf32, #tpu.memory_space<vmem>>, vector<1x1x16xf32>,
        %parallel_loop3A_958 = vector.shape_cast %parallel_loop3A_957 : vector<1x1x16xf32> to vector<16xf32>
        %parallel_loop3A_959 = vector.shape_cast %parallel_loop3A_952 : vector<16xf32> to vector<1x1x16xf32>
        tpu.vector_store %arg7[%parallel_loop3A_954, %parallel_loop3A_955, %parallel_loop3A_956], %parallel_loop3A_959 {strides = array<i32>} : memref<2x16x999xf32, #tpu.memory_space<vmem>>, vector<1x1x16xf32>,
        %parallel_loop3A_960 = arith.constant 1 : i32
        %parallel_loop3A_961 = arith.index_cast %parallel_loop3A_960 : i32 to index
        %parallel_loop3A_962 = arith.index_cast %parallel_loop3A_166 : i32 to index
        %parallel_loop3A_963 = arith.constant 976 : index
        %parallel_loop3A_964 = tpu.vector_load %arg6[%parallel_loop3A_961, %parallel_loop3A_962, %parallel_loop3A_963] {strides = array<i32>} : memref<2x16x1024xf32, #tpu.memory_space<vmem>>, vector<1x1x16xf32>,
        %parallel_loop3A_965 = vector.shape_cast %parallel_loop3A_964 : vector<1x1x16xf32> to vector<16xf32>
        %parallel_loop3A_966 = arith.constant 1 : i32
        %parallel_loop3A_967 = arith.index_cast %parallel_loop3A_966 : i32 to index
        %parallel_loop3A_968 = arith.index_cast %parallel_loop3A_166 : i32 to index
        %parallel_loop3A_969 = arith.constant 976 : index
        %parallel_loop3A_970 = tpu.vector_load %arg7[%parallel_loop3A_967, %parallel_loop3A_968, %parallel_loop3A_969] {strides = array<i32>} : memref<2x16x999xf32, #tpu.memory_space<vmem>>, vector<1x1x16xf32>,
        %parallel_loop3A_971 = vector.shape_cast %parallel_loop3A_970 : vector<1x1x16xf32> to vector<16xf32>
        %parallel_loop3A_972 = vector.shape_cast %parallel_loop3A_965 : vector<16xf32> to vector<1x1x16xf32>
        tpu.vector_store %arg7[%parallel_loop3A_967, %parallel_loop3A_968, %parallel_loop3A_969], %parallel_loop3A_972 {strides = array<i32>} : memref<2x16x999xf32, #tpu.memory_space<vmem>>, vector<1x1x16xf32>,
        %parallel_loop3A_973 = arith.constant 1 : i32
        %parallel_loop3A_974 = arith.index_cast %parallel_loop3A_973 : i32 to index
        %parallel_loop3A_975 = arith.index_cast %parallel_loop3A_166 : i32 to index
        %parallel_loop3A_976 = arith.constant 983 : index
        %parallel_loop3A_977 = tpu.vector_load %arg6[%parallel_loop3A_974, %parallel_loop3A_975, %parallel_loop3A_976] {strides = array<i32>} : memref<2x16x1024xf32, #tpu.memory_space<vmem>>, vector<1x1x16xf32>,
        %parallel_loop3A_978 = vector.shape_cast %parallel_loop3A_977 : vector<1x1x16xf32> to vector<16xf32>
        %parallel_loop3A_979 = arith.constant 1 : i32
        %parallel_loop3A_980 = arith.index_cast %parallel_loop3A_979 : i32 to index
        %parallel_loop3A_981 = arith.index_cast %parallel_loop3A_166 : i32 to index
        %parallel_loop3A_982 = arith.constant 983 : index
        %parallel_loop3A_983 = tpu.vector_load %arg7[%parallel_loop3A_980, %parallel_loop3A_981, %parallel_loop3A_982] {strides = array<i32>} : memref<2x16x999xf32, #tpu.memory_space<vmem>>, vector<1x1x16xf32>,
        %parallel_loop3A_984 = vector.shape_cast %parallel_loop3A_983 : vector<1x1x16xf32> to vector<16xf32>
        %parallel_loop3A_985 = vector.shape_cast %parallel_loop3A_978 : vector<16xf32> to vector<1x1x16xf32>
        tpu.vector_store %arg7[%parallel_loop3A_980, %parallel_loop3A_981, %parallel_loop3A_982], %parallel_loop3A_985 {strides = array<i32>} : memref<2x16x999xf32, #tpu.memory_space<vmem>>, vector<1x1x16xf32>,
      } {sc.loop_unroll_factor = 1 : i64, sc.parallel_access}
      %mul3A_142 = arith.constant 16 : i32
      %mul3A_143 = arith.muli %add3A_119, %mul3A_142 : i32
      %add3A_144 = arith.addi %mul3A_2, %mul3A_143 : i32
      %dma_start3A_145 = arith.constant 1 : i32
      %dma_start3A_146 = arith.constant 1 : i32
      %dma_start3A_147 = arith.constant 0 : i32
      %dma_start3A_148 = arith.constant 0 : i32
      %dma_start3A_149 = tpu.memref_slice %arg7[%dma_start3A_145, %dma_start3A_147, %dma_start3A_148] : memref<2x16x999xf32, #tpu.memory_space<vmem>> -> memref<1x16x999xf32, #tpu.memory_space<vmem>>
      %dma_start3A_150 = tpu.memref_squeeze %dma_start3A_149 : memref<1x16x999xf32, #tpu.memory_space<vmem>> -> memref<16x999xf32, #tpu.memory_space<vmem>>
      %dma_start3A_151 = arith.constant 0 : i32
      %dma_start3A_152 = tpu.memref_slice %arg4[%add3A_144, %dma_start3A_151] : memref<16384x999xf32, #tpu.memory_space<hbm>> -> memref<16x999xf32, #tpu.memory_space<hbm>>
      %dma_start3A_153 = tpu.memref_slice %arg9[%dma_start3A_146] : memref<2x!tpu.dma_semaphore, #tpu.memory_space<semaphore_mem>> -> memref<1x!tpu.dma_semaphore, #tpu.memory_space<semaphore_mem>>
      %dma_start3A_154 = tpu.memref_squeeze %dma_start3A_153 : memref<1x!tpu.dma_semaphore, #tpu.memory_space<semaphore_mem>> -> memref<!tpu.dma_semaphore, #tpu.memory_space<semaphore_mem>>
      %dma_start3A_155 = arith.constant 0 : i32
      %dma_start3A_156 = tpu.memref_slice %arg4[%add3A_144, %dma_start3A_155] : memref<16384x999xf32, #tpu.memory_space<hbm>> -> memref<16x999xf32, #tpu.memory_space<hbm>>
      %dma_start3A_157 = arith.constant 0 : i32
      %dma_start3A_158 = arith.constant 0 : i32
      %dma_start3A_159 = tpu.memref_slice %arg7[%dma_start3A_145, %dma_start3A_157, %dma_start3A_158] : memref<2x16x999xf32, #tpu.memory_space<vmem>> -> memref<1x16x999xf32, #tpu.memory_space<vmem>>
      %dma_start3A_160 = tpu.memref_squeeze %dma_start3A_159 : memref<1x16x999xf32, #tpu.memory_space<vmem>> -> memref<16x999xf32, #tpu.memory_space<vmem>>
      tpu.enqueue_dma source(%dma_start3A_160 : memref<16x999xf32, #tpu.memory_space<vmem>>) target(%dma_start3A_156 : memref<16x999xf32, #tpu.memory_space<hbm>>) target_semaphore(%dma_start3A_154 : memref<!tpu.dma_semaphore, #tpu.memory_space<semaphore_mem>>)
      %lt3A_161 = arith.constant 15 : i32
      %lt3A_162 = arith.cmpi slt, %scan3A_70, %lt3A_161 : i32
      %convert_element_type3A_163 = arith.extui %lt3A_162 : i1 to i32
      %cond3A_164 = arith.constant 0 : i32
      %cond3A_165 = arith.cmpi ne, %convert_element_type3A_163, %cond3A_164 : i32
      scf.if %cond3A_165 {
        %add3A_166 = arith.constant 2 : i32
        %add3A_167 = arith.addi %add3A_119, %add3A_166 : i32
        %dma_start3A_168 = arith.constant 1 : i32
        %dma_start3A_169 = arith.constant 1 : i32
        %dma_start3A_170 = arith.constant 0 : i32
        %dma_start3A_171 = arith.constant 0 : i32
        %dma_start3A_172 = tpu.memref_slice %arg6[%dma_start3A_168, %dma_start3A_170, %dma_start3A_171] : memref<2x16x1024xf32, #tpu.memory_space<vmem>> -> memref<1x16x1024xf32, #tpu.memory_space<vmem>>
        %dma_start3A_173 = tpu.memref_squeeze %dma_start3A_172 : memref<1x16x1024xf32, #tpu.memory_space<vmem>> -> memref<16x1024xf32, #tpu.memory_space<vmem>>
        %dma_start3A_174 = arith.constant 0 : i32
        %dma_start3A_175 = tpu.memref_slice %arg5[%add3A_167, %dma_start3A_174] : memref<32x16xi32, #tpu.memory_space<vmem>> -> memref<1x16xi32, #tpu.memory_space<vmem>>
        %dma_start3A_176 = tpu.memref_squeeze %dma_start3A_175 : memref<1x16xi32, #tpu.memory_space<vmem>> -> memref<16xi32, #tpu.memory_space<vmem>>
        %dma_start3A_177 = arith.constant 0 : i32
        %dma_start3A_178 = arith.constant 0 : i32
        %dma_start3A_179 = tpu.memref_slice %arg3[%dma_start3A_177, %dma_start3A_178] : memref<1000x1024xf32, #tpu.memory_space<hbm>> -> memref<1000x1024xf32, #tpu.memory_space<hbm>>
        %dma_start3A_180 = tpu.memref_slice %arg8[%dma_start3A_169] : memref<2x!tpu.dma_semaphore, #tpu.memory_space<semaphore_mem>> -> memref<1x!tpu.dma_semaphore, #tpu.memory_space<semaphore_mem>>
        %dma_start3A_181 = tpu.memref_squeeze %dma_start3A_180 : memref<1x!tpu.dma_semaphore, #tpu.memory_space<semaphore_mem>> -> memref<!tpu.dma_semaphore, #tpu.memory_space<semaphore_mem>>
        tpu.enqueue_indirect_dma source(%dma_start3A_179 : memref<1000x1024xf32, #tpu.memory_space<hbm>>) target(%dma_start3A_173 : memref<16x1024xf32, #tpu.memory_space<vmem>>) offsets(%dma_start3A_176 : memref<16xi32, #tpu.memory_space<vmem>>) semaphore(%dma_start3A_181 : memref<!tpu.dma_semaphore, #tpu.memory_space<semaphore_mem>>)
      } else {
      }
    }
    %scan3A_38 = arith.constant 16 : i32
    %dma_wait3A = arith.constant 0 : i32
    %dma_wait3A_39 = arith.constant 0 : i32
    %dma_wait3A_40 = arith.constant 0 : i32
    %dma_wait3A_41 = arith.constant 0 : i32
    %dma_wait3A_42 = tpu.memref_slice %arg7[%dma_wait3A, %dma_wait3A_40, %dma_wait3A_41] : memref<2x16x999xf32, #tpu.memory_space<vmem>> -> memref<1x16x999xf32, #tpu.memory_space<vmem>>
    %dma_wait3A_43 = tpu.memref_squeeze %dma_wait3A_42 : memref<1x16x999xf32, #tpu.memory_space<vmem>> -> memref<16x999xf32, #tpu.memory_space<vmem>>
    %dma_wait3A_44 = arith.constant 0 : i32
    %dma_wait3A_45 = tpu.memref_slice %arg4[%mul3A_2, %dma_wait3A_44] : memref<16384x999xf32, #tpu.memory_space<hbm>> -> memref<16x999xf32, #tpu.memory_space<hbm>>
    %dma_wait3A_46 = tpu.memref_slice %arg9[%dma_wait3A_39] : memref<2x!tpu.dma_semaphore, #tpu.memory_space<semaphore_mem>> -> memref<1x!tpu.dma_semaphore, #tpu.memory_space<semaphore_mem>>
    %dma_wait3A_47 = tpu.memref_squeeze %dma_wait3A_46 : memref<1x!tpu.dma_semaphore, #tpu.memory_space<semaphore_mem>> -> memref<!tpu.dma_semaphore, #tpu.memory_space<semaphore_mem>>
    %dma_wait3A_48 = arith.constant 0 : i32
    %dma_wait3A_49 = tpu.memref_slice %arg4[%mul3A_2, %dma_wait3A_48] : memref<16384x999xf32, #tpu.memory_space<hbm>> -> memref<16x999xf32, #tpu.memory_space<hbm>>
    %dma_wait3A_50 = arith.constant 0 : i32
    %dma_wait3A_51 = arith.constant 0 : i32
    %dma_wait3A_52 = tpu.memref_slice %arg7[%dma_wait3A, %dma_wait3A_50, %dma_wait3A_51] : memref<2x16x999xf32, #tpu.memory_space<vmem>> -> memref<1x16x999xf32, #tpu.memory_space<vmem>>
    %dma_wait3A_53 = tpu.memref_squeeze %dma_wait3A_52 : memref<1x16x999xf32, #tpu.memory_space<vmem>> -> memref<16x999xf32, #tpu.memory_space<vmem>>
    tpu.wait_dma2 semaphore(%dma_wait3A_47 : memref<!tpu.dma_semaphore, #tpu.memory_space<semaphore_mem>>) src(%dma_wait3A_53 : memref<16x999xf32, #tpu.memory_space<vmem>>) dst(%dma_wait3A_49 : memref<16x999xf32, #tpu.memory_space<hbm>>)
    %dma_wait3A_54 = arith.constant 1 : i32
    %dma_wait3A_55 = arith.constant 1 : i32
    %dma_wait3A_56 = arith.constant 0 : i32
    %dma_wait3A_57 = arith.constant 0 : i32
    %dma_wait3A_58 = tpu.memref_slice %arg7[%dma_wait3A_54, %dma_wait3A_56, %dma_wait3A_57] : memref<2x16x999xf32, #tpu.memory_space<vmem>> -> memref<1x16x999xf32, #tpu.memory_space<vmem>>
    %dma_wait3A_59 = tpu.memref_squeeze %dma_wait3A_58 : memref<1x16x999xf32, #tpu.memory_space<vmem>> -> memref<16x999xf32, #tpu.memory_space<vmem>>
    %dma_wait3A_60 = arith.constant 0 : i32
    %dma_wait3A_61 = tpu.memref_slice %arg4[%mul3A_2, %dma_wait3A_60] : memref<16384x999xf32, #tpu.memory_space<hbm>> -> memref<16x999xf32, #tpu.memory_space<hbm>>
    %dma_wait3A_62 = tpu.memref_slice %arg9[%dma_wait3A_55] : memref<2x!tpu.dma_semaphore, #tpu.memory_space<semaphore_mem>> -> memref<1x!tpu.dma_semaphore, #tpu.memory_space<semaphore_mem>>
    %dma_wait3A_63 = tpu.memref_squeeze %dma_wait3A_62 : memref<1x!tpu.dma_semaphore, #tpu.memory_space<semaphore_mem>> -> memref<!tpu.dma_semaphore, #tpu.memory_space<semaphore_mem>>
    %dma_wait3A_64 = arith.constant 0 : i32
    %dma_wait3A_65 = tpu.memref_slice %arg4[%mul3A_2, %dma_wait3A_64] : memref<16384x999xf32, #tpu.memory_space<hbm>> -> memref<16x999xf32, #tpu.memory_space<hbm>>
    %dma_wait3A_66 = arith.constant 0 : i32
    %dma_wait3A_67 = arith.constant 0 : i32
    %dma_wait3A_68 = tpu.memref_slice %arg7[%dma_wait3A_54, %dma_wait3A_66, %dma_wait3A_67] : memref<2x16x999xf32, #tpu.memory_space<vmem>> -> memref<1x16x999xf32, #tpu.memory_space<vmem>>
    %dma_wait3A_69 = tpu.memref_squeeze %dma_wait3A_68 : memref<1x16x999xf32, #tpu.memory_space<vmem>> -> memref<16x999xf32, #tpu.memory_space<vmem>>
    tpu.wait_dma2 semaphore(%dma_wait3A_63 : memref<!tpu.dma_semaphore, #tpu.memory_space<semaphore_mem>>) src(%dma_wait3A_69 : memref<16x999xf32, #tpu.memory_space<vmem>>) dst(%dma_wait3A_65 : memref<16x999xf32, #tpu.memory_space<hbm>>)
    return
  }
}

</mosaic_0001>

<sc_bundles>
// kernel: _lookup.3.cloned.1.call-start
scs
__scs_entry_jumppad:
0x0: {  	(pc) =	sbr.rel $0x88, $3  }
0x1: {  	(tag) =	ssettag $0x0;
	lr =	simm.s32 $0x1  }
0x2: {  	[smem:$0x3F9F] =	sst lr;
	_ =	strace $0xD0000000  }
0x3: {  	_ = 	snop  }
0x4: {  	_ = 	snop  }
0x5: {  	_ = 	snop  }
0x6: {  	_ = 	snop  }
0x7: {  	_ = 	snop  }
__scs_overlays_trampoline_lowered:
0x8: {  	[smem:$0x3FAE] =	sst s0  }
0x9: {  	[smem:$0x3FAF] =	sst s1  }
0xa: {  	[smem:$0x3FB0] =	sst s2  }
0xb: {  	[smem:$0x3FB1] =	sst s3  }
0xc: {  	[smem:$0x3FB2] =	sst s4  }
0xd: {  	[smem:$0x3FB3] =	sst s5  }
0xe: {  	[smem:$0x3FB4] =	sst s6  }
0xf: {  	[smem:$0x3FB5] =	sst s7  }
0x10: {  	[smem:$0x3FB6] =	sst s8  }
0x11: {  	[smem:$0x3FB7] =	sst s9;
	s0 =	simm.s32 @!p0 $0x0  }
0x12: {  	s1 =	sld [smem:$0x3F9D];
	s0 =	simm.s32 @p0 $0x1  }
0x13: {  	[smem:$0x3FB8] =	sst s0;
	s0 =	simm.s32 @!p1 $0x0  }
0x14: {  	s2 =	sld [smem:$0x3F9C];
	s0 =	simm.s32 @p1 $0x1  }
0x15: {  	[smem:$0x3FB9] =	sst s0;
	s0 =	simm.s32 @!p2 $0x0  }
0x16: {  	s3 =	sld [smem:$0x3FDB];
	s0 =	simm.s32 @p2 $0x1  }
0x17: {  	s4 =	simm.s32 $0x1BF5;
	[smem:$0x3FBB] =	sst s0  }
0x18: {  	s0 =	sld [smem:$0x3F9E];
	_ =	swait.ge [sflag:s4], $0x0  }
0x19: {  	s7 =	sld [smem:$0x3F9F]  }
0x1a: {  	s8 =	sadd.s32 $0xFFFFE003, lr  }
0x1b: {  	s9 =	sadd.s32 $0xFFFFFEF7, lr;
	s5 =	simm.s32 $0xFFFFFFFF;
	p2 =	slt.u32 s8, $0xFFFFF086  }
0x1c: {  	p1 =	slt.u32 s9, $0xF7A;
	s5 =	simm.s32 @!p2 $0x0  }
0x1d: {  	s5 =	simm.s32 @p1 $0x1;
	p0 =	seq.s32 s7, s2  }
0x1e: {  	s7 =	smul.u32 @!p0 $0xF7A, s2;
	p2 =	seq.s32 @!p0 s5, $0x0  }
0x1f: {  	s9 =	smul.u32 $0xF7A, s1;
	s8 =	simm.s32 @!p0 $0x1BF5;
	p2 =	por !p2, p0  }
0x20: {  	[sflag:s8] =	ssyncset.s32 @!p0 $0xFFFFF086;
	s6 =	sadd.s32 @!p0 s3, s7;
	s7 =	simm.s32 @!p0 $0x108  }
0x21: {  	s3 =	sadd.s32 s3, s9;
	s6 =	sadd.s32 @!p0 $0x88, s6;
	s7 =	simm.s32 @p2 $0x1082  }
0x22: {  	[simem:s7], [sflag:s8] =	dma.local @!p0 [hbm:s6], $0xF7A  }
0x23: {  	s9 =	sor.u32 $0xD0000000, s2;
	s6 =	simm.s32 $0x108;
	_ =	swait.ge @!p0 [sflag:s8], $0x0  }
0x24: {  	s3 =	sadd.s32 $0x88, s3;
	s6 =	simm.s32 @!p1 $0x1082;
	[sflag:s4] =	ssyncset.s32 $0xFFFFF086  }
0x25: {  	[simem:s6], [sflag:s4] =	dma.local [hbm:s3], $0xF7A  }
0x26: {  	[smem:$0x3F9F] =	sst s1;
	(tag) =	ssettag s2;
	_ =	strace s9  }
0x27: {  	s1 =	sld [smem:$0x3FAF]  }
0x28: {  	s2 =	sld [smem:$0x3FB0]  }
0x29: {  	s4 =	sld [smem:$0x3FB2]  }
0x2a: {  	p0 =	seq.s32 s5, $0x0;
	s5 =	sld [smem:$0x3FB3]  }
0x2b: {  	s6 =	sld [smem:$0x3FB4]  }
0x2c: {  	s7 =	sld [smem:$0x3FB5]  }
0x2d: {  	s3 =	simm.s32 $0x108;
	s8 =	sld [smem:$0x3FB6]  }
0x2e: {  	s3 =	simm.s32 @!p0 $0x1082;
	s9 =	sld [smem:$0x3FB7]  }
0x2f: {  	lr =	sadd.s32 s0, s3;
	s0 =	sld [smem:$0x3FAE]  }
0x30: {  	s3 =	sld [smem:$0x3FB1]  }
0x31: {  	[smem:$0x3FBA] =	sst s10  }
0x32: {  	s10 =	sld [smem:$0x3FB8];
	_ =	sdelay $0x3  }
0x33: {  	p0 =	seq.s32 s10, $0x1;
	s10 =	sld [smem:$0x3FBA];
	_ =	sdelay $0x3  }
0x34: {  	[smem:$0x3FBA] =	sst s10  }
0x35: {  	s10 =	sld [smem:$0x3FB9];
	_ =	sdelay $0x3  }
0x36: {  	p1 =	seq.s32 s10, $0x1;
	s10 =	sld [smem:$0x3FBA];
	_ =	sdelay $0x3  }
0x37: {  	[smem:$0x3FBA] =	sst s10  }
0x38: {  	s10 =	sld [smem:$0x3FBB]  }
0x39: {  	_ = 	snop;
	(pc) =	sbr.ind lr, $3  }
0x3a: {  	_ = 	snop  }
0x3b: {  	_ = 	snop  }
0x3c: {  	p2 =	seq.s32 s10, $0x1;
	s10 =	sld [smem:$0x3FBA]  }
0x3d: {  	_ =	shalt  }
0x3e: {  	_ =	shalt  }
0x3f: {  	_ =	shalt  }
0x40: {  	_ =	shalt  }
0x41: {  	_ =	shalt  }
0x42: {  	_ =	shalt  }
0x43: {  	_ =	shalt  }
0x44: {  	_ =	shalt  }
0x45: {  	_ =	shalt  }
0x46: {  	_ =	shalt  }
0x47: {  	_ =	shalt  }
0x48: {  	_ =	shalt  }
0x49: {  	_ =	shalt  }
0x4a: {  	_ =	shalt  }
0x4b: {  	_ =	shalt  }
0x4c: {  	_ =	shalt  }
0x4d: {  	_ =	shalt  }
0x4e: {  	_ =	shalt  }
0x4f: {  	_ =	shalt  }
0x50: {  	_ =	shalt  }
0x51: {  	_ =	shalt  }
0x52: {  	_ =	shalt  }
0x53: {  	_ =	shalt  }
0x54: {  	_ =	shalt  }
0x55: {  	_ =	shalt  }
0x56: {  	_ =	shalt  }
0x57: {  	_ =	shalt  }
0x58: {  	_ =	shalt  }
0x59: {  	_ =	shalt  }
0x5a: {  	_ =	shalt  }
0x5b: {  	_ =	shalt  }
0x5c: {  	_ =	shalt  }
0x5d: {  	_ =	shalt  }
0x5e: {  	_ =	shalt  }
0x5f: {  	_ =	shalt  }
0x60: {  	_ =	shalt  }
0x61: {  	_ =	shalt  }
0x62: {  	_ =	shalt  }
0x63: {  	_ =	shalt  }
0x64: {  	_ =	shalt  }
0x65: {  	_ =	shalt  }
0x66: {  	_ =	shalt  }
0x67: {  	_ =	shalt  }
0x68: {  	_ =	shalt  }
0x69: {  	_ =	shalt  }
0x6a: {  	_ =	shalt  }
0x6b: {  	_ =	shalt  }
0x6c: {  	_ =	shalt  }
0x6d: {  	_ =	shalt  }
0x6e: {  	_ =	shalt  }
0x6f: {  	_ =	shalt  }
0x70: {  	_ =	shalt  }
0x71: {  	_ =	shalt  }
0x72: {  	_ =	shalt  }
0x73: {  	_ =	shalt  }
0x74: {  	_ =	shalt  }
0x75: {  	_ =	shalt  }
0x76: {  	_ =	shalt  }
0x77: {  	_ =	shalt  }
0x78: {  	_ =	shalt  }
0x79: {  	_ =	shalt  }
0x7a: {  	_ =	shalt  }
0x7b: {  	_ =	shalt  }
0x7c: {  	_ =	shalt  }
0x7d: {  	_ =	shalt  }
0x7e: {  	_ =	shalt  }
0x7f: {  	_ =	shalt  }
0x80: {  	_ =	shalt  }
0x81: {  	_ =	shalt  }
0x82: {  	_ =	shalt  }
0x83: {  	_ =	shalt  }
0x84: {  	_ =	shalt  }
0x85: {  	_ =	shalt  }
0x86: {  	_ =	shalt  }
0x87: {  	_ =	shalt  }
.Lfunc_end0:
.L_simem_size_0:
called_computation_lowered:
.L_overlay_start_0:
0x88: {  	s2 =	sld [smem:$0x3FD9]  }
0x89: {  	s3 =	sld [smem:$0x3FFE];
	_ =	sdelay $0x1  }
0x8a: {  	s1 =	srdreg.scid  }
0x8b: {  	s0 =	sand.u32 $0x1, s1  }
0x8c: {  	s17 =	sshll.u32 s0, $0xA;
	s2 =	sadd.s32 s3, s2  }
0x8d: {  	s2 =	sadd.s32 s2, s17  }
0x8e: {  	[smem:$0x3FC6] =	sst s2  }
0x8f: {  	_ = 	snop  }
0x90: {  	s2 =	sld [smem:$0x3FC8]  }
0x91: {  	s18 =	sld [smem:$0x3FD0];
	(tm) =	ssettm $0x1  }
0x92: {  	s4 =	sld [smem:$0x3FFB];
	_ =	sdelay $0x3  }
0x93: {  	_ =	strace s4  }
0x94: {  	s4 =	sld [smem:$0x3FFC];
	_ =	sdelay $0x3  }
0x95: {  	_ =	strace s4  }
0x96: {  	s4 =	sld [smem:$0x3FFD];
	_ =	sdelay $0x3  }
0x97: {  	_ =	strace s4  }
0x98: {  	_ =	strace $0x8FFFFFFF  }
0x99: {  	s19 =	sld [smem:$0x3FDB];
	_ =	sdelay $0x1  }
0x9a: {  	s5 =	simm.s32 $_scs_section_size  }
0x9b: {  	s6 =	simm.s32 $_size__tile_overlayer_lowered;
	s7 =	simm.s32 $_tile_overlayer_lowered  }
0x9c: {  	s22 =	simm.s32 $0x1BFF;
	s21 =	sshll.u32 s7, $0x1;
	s4 =	sadd.s32 s5, s19  }
0x9d: {  	s8 =	simm.s32 $0x0;
	s20 =	sshll.u32 s6, $0x1;
	s6 =	sadd.s32 s21, s4  }
0x9e: {  	[timem:s8], [sflag:s22] =	dma.local [hbm:s6], s20  }
0x9f: {  	_ =	swait.ge [sflag:s22], s20  }
0xa0: {  	s5 =	ssub.s32 $0x0, s20;
	[sflag:s22] =	ssyncset.done $0x0  }
0xa1: {  	[sflag:s22] =	ssyncadd.s32 s5;
	_ =	sdelay $0x1  }
0xa2: {  	s23 =	simm.s32 $0x1B8B  }
0xa3: {  	_ =	swait.ge [sflag:s23], $0x1  }
0xa4: {  	[sflag:s23] =	ssyncset.done $0x0  }
0xa5: {  	s25 =	simm.s32 $0x1B8E;
	s24 =	sld [smem:$0x3FFE];
	[sflag:s23] =	ssyncadd.s32 $0xFFFFFFFF  }
0xa6: {  	s26 =	simm.s32 $execute0_lowered;
	[smem:$0x3FD2] =	sst s25  }
0xa7: {  	s6 =	sshll.u32 s26, $0x1;
	_ =	strace $0x80000046;
	[dreg:$0x1] =	wrdreg $0xFFFFFFFF  }
0xa8: {  	s28 =	simm.s32 $_size_execute0_lowered;
	s4 =	sadd.s32 s4, s6;
	[dreg:$0x0] =	wrdreg $0x0  }
0xa9: {  	s6 =	sshll.u32 s28, $0x1;
	[dreg:$0x2] =	wrdreg s4  }
0xaa: {  	[dreg:$0x3] =	wrdreg s6  }
0xab: {  	[dreg:$0x4] =	wrdreg $0xC0  }
0xac: {  	_ =	task [dreg:s8], $0x5FFFF  }
0xad: {  	[dreg:$0x1] =	wrdreg $0xFFFFFFFF  }
0xae: {  	[dreg:$0x0] =	wrdreg $0x60  }
0xaf: {  	[dreg:$0x2] =	wrdreg s18  }
0xb0: {  	[dreg:$0x3] =	wrdreg s2  }
0xb1: {  	[dreg:$0x4] =	wrdreg s24  }
0xb2: {  	[dreg:$0x5] =	wrdreg $0x9  }
0xb3: {  	_ =	task.clear_ibuf [dreg:s8], $0x6FFFF;
	_ =	strace $0x90000046  }
0xb4: {  	s29 =	simm.s32 $0x9;
	_ =	strace $0x80000048  }
0xb5: {  	_ =	swait.ge [sflag:s29], $0x1  }
0xb6: {  	[sflag:s29] =	ssyncadd.s32 $0xFFFFFFFF  }
0xb7: {  	_ =	strace $0x90000048  }
0xb8: {  	_ =	sfence  }
0xb9: {  	s30 =	sld [smem:$0x0];
	_ =	sdelay $0x2  }
0xba: {  	s31 =	sshll.u32 s1, $0xD;
	s1 =	sshrl.u32 s1, $0x2  }
0xbb: {  	s3 =	sand.u32 $0x4000, s31;
	s1 =	sadd.s32 s1, s30  }
0xbc: {  	s0 =	sor.u32 s3, s0;
	s1 =	sshll.u32 s1, $0x11  }
0xbd: {  	s0 =	sor.u32 s1, s0  }
0xbe: {  	s0 =	sadd.s32 $0x8F2B, s0  }
0xbf: {  	[sflag:s0] =	ssyncadd.remote.s32 $0x1  }
0xc0: {  	_ =	sfence.sel $0xFFFF  }
0xc1: {  	[dreg:$0x0] =	wrdreg $0xFFFFFFFF;
	(pc) =	sbr.abs _section_cstart, $3  }
0xc2: {  	[dreg:$0x1] =	wrdreg $0xFFFFFFFF  }
0xc3: {  	_ =	task.clear_ibuf [dreg:s8], $0x2FFFF;
	_ =	strace $0x9FFFFFFF  }
0xc4: {  	(tm) =	ssettm $0x7FFFFFFF  }
0xc5: {  	_ =	shalt  }
tec
execute0_lowered:
.L_overlay_start_1:
0x0: {  	(tag) =	ssettag $0x1  }
0x1: {  	s0 =	rddreg [dreg:$0x0]  }
0x2: {  	s2 =	rddreg [dreg:$0x1]  }
0x3: {  	s1 =	rddreg [dreg:$0x2];
	s4 =	srdreg.scid  }
0x4: {  	s5 =	stileid.u32;
	s3 =	simm.s32 $0x0;
	s28 =	simm.s32 $0x1  }
0x5: {  	s30 =	simm.s32 $0x2;
	s4 =	sand.u32 $0x1, s4;
	s5 =	sshll.u32 s5, $0x1  }
0x6: {  	s31 =	simm.s32 $0x4;
	[smem:$0x7FF] =	sst s3;
	s5 =	sor.u32 s4, s5  }
0x7: {  	s4 =	ssub.s32 $0x2, s4;
	_ =	strace $0x80000047;
	s6 =	sshll.u32 s5, $0x10  }
.Ltmp0:
0x8: {  	s7 =	sshrl.u32 s4, $0x1;
	s5 =	sshll.u32 s5, $0x9;
	(pc) =	sbr.rel .LBB2_1-.Ltmp0, $4  }
0x9: {  	s1 =	sadd.s32 s6, s1;
	s4 =	ssub.s32 s4, s7;
	s0 =	sadd.s32 s0, s5  }
0xa: {  	v2 =	vlaneseq.u32;
	s5 =	sadd.s32 $0x100, s2;
	s6 =	sadd.s32 $0x200, s2;
	s7 =	sadd.s32 $0x300, s2  }
0xb: {  	vm0 =	vmmov $0xffff;
	v1 =	vshrl.u32 v2, $0x3;
	[dreg:$0x4] =	wrdreg s0;
	s8 =	sadd.s32 $0x400, s1;
	s29 =	smax.u32 s4, $0x1  }
0xc: {  	v0 =	vand.u32 $0x7, v2;
	v2 =	vor.u32 $0x8, v2;
	v1 =	vmul.u32 $0x8, v1;
	s0 =	simm.s32 $0xD000;
	s4 =	simm.s32 $0x0;
	[dreg:$0x5] =	wrdreg s29  }
.LBB2_12:
0xd: {  	s1 =	simm.s32 $0x3  }
0xe: {  	_ =	swait.ge [sflag:s1], $0x4000  }
0xf: {  	[sflag:s1] =	ssyncset.done $0x0  }
0x10: {  	[sflag:s1] =	ssyncadd.s32 $0xFFFFC000  }
0x11: {  	_ =	swait.ge [sflag:s31], $0x4000  }
0x12: {  	s4 =	rddreg [dreg:$0x6]  }
0x13: {  	s29 =	rddreg [dreg:$0x5];
	s4 =	sadd.s32 $0x1, s4  }
0x14: {  	p0 =	sne.s32 s4, s29  }
.Ltmp1:
0x15: {  	_ = 	snop;
	(pc) =	sbr.rel @!p0 .LBB2_13-.Ltmp1, $3  }
0x16: {  	_ =	sdelay $0x1  }
0x17: {  	[sflag:s31] =	ssyncset.done $0x0  }
0x18: {  	[sflag:s31] =	ssyncadd.s32 $0xFFFFC000  }
.LBB2_1:
0x19: {  	[dreg:$0x6] =	wrdreg s4  }
0x1a: {  	s1 =	rddreg [dreg:$0x4];
	s11 =	simm.s32 $0x5  }
0x1b: {  	[tilespmem:s3], [sflag:$0x5] =	stream.linear.gather [hbm4b:s1+s3], $0x1000, $0x38;
	[tilespmem:$0x11000] =	vst v63  }
0x1c: {  	_ =	swait.ge [sflag:s11], $0x1000  }
0x1d: {  	[sflag:s11] =	ssyncset.done $0x0  }
0x1e: {  	[sflag:s11] =	ssyncadd.s32 $0xFFFFF000  }
0x1f: {  	v3 =	vld [tilespmem:$0x0];
	_ =	sdelay $0x4  }
0x20: {  	v4 =	vshll.u32 v3, $0x3  }
0x21: {  	v3 =	vand.u32 $0x7, v3;
	v4 =	vand.u32 $0xFFFFFFC0, v4  }
0x22: {  	v3 =	vor.u32 v3, v4  }
0x23: {  	v4 =	vperm.xlane v3, v0;
	_ =	sdelay $0x1  }
0x24: {  	v4 =	vadd.s32 v1, v4;
	_ =	sdelay $0x3  }
0x25: {  	s12 =	simm.s32 $0x1000  }
0x26: {  	[tilespmem:s12], [sflag:$0x1] =	stream.indirect_vreg.gather [hbm4b:s2+s3], $0x80, v4, vm0, $0xb8;
	[tilespmem:$0x11000] =	vst v63  }
0x27: {  	s13 =	simm.s32 $0x1800;
	v3 =	vperm.xlane v3, v2  }
0x28: {  	[tilespmem:s13], [sflag:$0x1] =	stream.indirect_vreg.gather [hbm4b:s5+s3], $0x80, v4, vm0, $0xb8;
	[tilespmem:$0x11000] =	vst v63  }
0x29: {  	s14 =	simm.s32 $0x2000;
	v3 =	vadd.s32 v1, v3  }
0x2a: {  	[tilespmem:s14], [sflag:$0x1] =	stream.indirect_vreg.gather [hbm4b:s6+s3], $0x80, v4, vm0, $0xb8;
	[tilespmem:$0x11000] =	vst v63  }
0x2b: {  	s15 =	simm.s32 $0x2800  }
0x2c: {  	[tilespmem:s15], [sflag:$0x1] =	stream.indirect_vreg.gather [hbm4b:s7+s3], $0x80, v4, vm0, $0xb8;
	[tilespmem:$0x11000] =	vst v63  }
0x2d: {  	s16 =	simm.s32 $0x3000  }
0x2e: {  	[tilespmem:s16], [sflag:$0x1] =	stream.indirect_vreg.gather [hbm4b:s2+s3], $0x80, v3, vm0, $0xb8;
	[tilespmem:$0x11000] =	vst v63  }
0x2f: {  	s17 =	simm.s32 $0x3800  }
0x30: {  	[tilespmem:s17], [sflag:$0x1] =	stream.indirect_vreg.gather [hbm4b:s5+s3], $0x80, v3, vm0, $0xb8;
	[tilespmem:$0x11000] =	vst v63  }
0x31: {  	s18 =	simm.s32 $0x4000  }
0x32: {  	[tilespmem:s18], [sflag:$0x1] =	stream.indirect_vreg.gather [hbm4b:s6+s3], $0x80, v3, vm0, $0xb8;
	[tilespmem:$0x11000] =	vst v63  }
0x33: {  	s19 =	simm.s32 $0x4800  }
0x34: {  	[tilespmem:s19], [sflag:$0x1] =	stream.indirect_vreg.gather [hbm4b:s7+s3], $0x80, v3, vm0, $0xb8;
	[tilespmem:$0x11000] =	vst v63  }
0x35: {  	v3 =	vld [tilespmem:$0x80];
	_ =	sdelay $0x4  }
0x36: {  	v63 =	vshll.u32 v3, $0x3  }
0x37: {  	v3 =	vand.u32 $0x7, v3;
	v4 =	vand.u32 $0xFFFFFFC0, v63  }
0x38: {  	v3 =	vor.u32 v3, v4  }
0x39: {  	v4 =	vperm.xlane v3, v0;
	_ =	sdelay $0x1  }
0x3a: {  	v4 =	vadd.s32 v1, v4;
	_ =	sdelay $0x3  }
0x3b: {  	s20 =	simm.s32 $0x5000  }
0x3c: {  	[tilespmem:s20], [sflag:$0x2] =	stream.indirect_vreg.gather [hbm4b:s2+s3], $0x80, v4, vm0, $0xb8;
	[tilespmem:$0x11000] =	vst v63  }
0x3d: {  	s21 =	simm.s32 $0x5800;
	v3 =	vperm.xlane v3, v2  }
0x3e: {  	[tilespmem:s21], [sflag:$0x2] =	stream.indirect_vreg.gather [hbm4b:s5+s3], $0x80, v4, vm0, $0xb8;
	[tilespmem:$0x11000] =	vst v63  }
0x3f: {  	s22 =	simm.s32 $0x6000;
	v3 =	vadd.s32 v1, v3  }
0x40: {  	[tilespmem:s22], [sflag:$0x2] =	stream.indirect_vreg.gather [hbm4b:s6+s3], $0x80, v4, vm0, $0xb8;
	[tilespmem:$0x11000] =	vst v63  }
0x41: {  	s23 =	simm.s32 $0x6800  }
0x42: {  	[tilespmem:s23], [sflag:$0x2] =	stream.indirect_vreg.gather [hbm4b:s7+s3], $0x80, v4, vm0, $0xb8;
	[tilespmem:$0x11000] =	vst v63  }
0x43: {  	s24 =	simm.s32 $0x7000  }
0x44: {  	[tilespmem:s24], [sflag:$0x2] =	stream.indirect_vreg.gather [hbm4b:s2+s3], $0x80, v3, vm0, $0xb8;
	[tilespmem:$0x11000] =	vst v63  }
0x45: {  	s25 =	simm.s32 $0x7800  }
0x46: {  	[tilespmem:s25], [sflag:$0x2] =	stream.indirect_vreg.gather [hbm4b:s5+s3], $0x80, v3, vm0, $0xb8;
	[tilespmem:$0x11000] =	vst v63  }
0x47: {  	s26 =	simm.s32 $0x8000  }
0x48: {  	[tilespmem:s26], [sflag:$0x2] =	stream.indirect_vreg.gather [hbm4b:s6+s3], $0x80, v3, vm0, $0xb8;
	[tilespmem:$0x11000] =	vst v63  }
0x49: {  	s29 =	simm.s32 $0x8800;
	s9 =	simm.s32 $0x0  }
0x4a: {  	[tilespmem:s29], [sflag:$0x2] =	stream.indirect_vreg.gather [hbm4b:s7+s3], $0x80, v3, vm0, $0xb8;
	[tilespmem:$0x11000] =	vst v63  }
.LBB2_2:
0x4b: {  	_ =	swait.ge [sflag:s28], $0x4000  }
0x4c: {  	p0 =	seq.s32 s9, $0x0;
	[sflag:s28] =	ssyncset.done $0x0  }
0x4d: {  	s4 =	simm.s32 @!p0 $0x3;
	[sflag:s28] =	ssyncadd.s32 $0xFFFFC000  }
0x4e: {  	s1 =	simm.s32 $0x0;
	s10 =	simm.s32 $0x0;
	_ =	swait.ge @!p0 [sflag:s4], $0x4000  }
0x4f: {  	s10 =	sand.u32 $0x2000, s10;
	s11 =	sand.u32 $0x380, s1;
	[sflag:s4] =	ssyncset.done @!p0 $0x0  }
0x50: {  	s10 =	sor.u32 s11, s10;
	[sflag:s4] =	ssyncadd.s32 @!p0 $0xFFFFC000  }
0x51: {  	v3 =	vld [tilespmem:s10+$0x1000]  }
0x52: {  	v4 =	vld [tilespmem:s10+$0x1010]  }
0x53: {  	v5 =	vld [tilespmem:s10+$0x1020]  }
0x54: {  	v6 =	vld [tilespmem:s10+$0x1030]  }
0x55: {  	v7 =	vld [tilespmem:s10+$0x1040]  }
0x56: {  	v8 =	vld [tilespmem:s10+$0x1050];
	[tilespmem:s10+$0x9000] =	vst v3  }
0x57: {  	v9 =	vld [tilespmem:s10+$0x1060];
	[tilespmem:s10+$0x9010] =	vst v4  }
0x58: {  	v52 =	vld [tilespmem:s10+$0x1450];
	[tilespmem:s10+$0x9020] =	vst v5  }
0x59: {  	v53 =	vld [tilespmem:s10+$0x1840];
	[tilespmem:s10+$0x9030] =	vst v6  }
0x5a: {  	v54 =	vld [tilespmem:s10+$0x1C30];
	[tilespmem:s10+$0x9040] =	vst v7  }
0x5b: {  	v56 =	vld [tilespmem:s10+$0x2020];
	[tilespmem:s10+$0x9050] =	vst v8  }
0x5c: {  	v58 =	vld [tilespmem:s10+$0x2410];
	[tilespmem:s10+$0x9060] =	vst v9  }
0x5d: {  	v60 =	vld [tilespmem:s10+$0x2800];
	[tilespmem:s10+$0x9450] =	vst v52  }
0x5e: {  	v62 =	vld [tilespmem:s10+$0x2870];
	[tilespmem:s10+$0x9840] =	vst v53  }
0x5f: {  	v3 =	vld [tilespmem:s10+$0x1070];
	[tilespmem:s10+$0x9C30] =	vst v54  }
0x60: {  	v4 =	vld [tilespmem:s10+$0x1400];
	[tilespmem:s10+$0xA020] =	vst v56  }
0x61: {  	v5 =	vld [tilespmem:s10+$0x1410];
	[tilespmem:s10+$0xA410] =	vst v58  }
0x62: {  	v6 =	vld [tilespmem:s10+$0x1420];
	[tilespmem:s10+$0xA800] =	vst v60  }
0x63: {  	v7 =	vld [tilespmem:s10+$0x1430];
	[tilespmem:s10+$0xA870] =	vst v62  }
0x64: {  	v8 =	vld [tilespmem:s10+$0x1440];
	[tilespmem:s10+$0x9070] =	vst v3  }
0x65: {  	v3 =	vld [tilespmem:s10+$0x1460];
	[tilespmem:s10+$0x9400] =	vst v4  }
0x66: {  	v4 =	vld [tilespmem:s10+$0x1470];
	[tilespmem:s10+$0x9410] =	vst v5  }
0x67: {  	v5 =	vld [tilespmem:s10+$0x1800];
	[tilespmem:s10+$0x9420] =	vst v6  }
0x68: {  	v6 =	vld [tilespmem:s10+$0x1810];
	[tilespmem:s10+$0x9430] =	vst v7  }
0x69: {  	v7 =	vld [tilespmem:s10+$0x1820];
	[tilespmem:s10+$0x9440] =	vst v8  }
0x6a: {  	v8 =	vld [tilespmem:s10+$0x1830];
	[tilespmem:s10+$0x9460] =	vst v3  }
0x6b: {  	v3 =	vld [tilespmem:s10+$0x1850];
	[tilespmem:s10+$0x9470] =	vst v4  }
0x6c: {  	v4 =	vld [tilespmem:s10+$0x1860];
	[tilespmem:s10+$0x9800] =	vst v5  }
0x6d: {  	v5 =	vld [tilespmem:s10+$0x1870];
	[tilespmem:s10+$0x9810] =	vst v6  }
0x6e: {  	v6 =	vld [tilespmem:s10+$0x1C00];
	[tilespmem:s10+$0x9820] =	vst v7  }
0x6f: {  	[tilespmem:s10+$0x9830] =	vst v8;
	v8 =	vld [tilespmem:s10+$0x1C20]  }
0x70: {  	v7 =	vld [tilespmem:s10+$0x1C10];
	[tilespmem:s10+$0x9850] =	vst v3  }
0x71: {  	s18 =	simm.s32 $0x80;
	s19 =	simm.s32 $0x400;
	v3 =	vld [tilespmem:s10+$0x1C40];
	[tilespmem:s10+$0x9860] =	vst v4  }
0x72: {  	s11 =	sand.u32 $0x2000, s19;
	s4 =	sand.u32 $0x380, s18;
	v4 =	vld [tilespmem:s10+$0x1C50];
	[tilespmem:s10+$0x9870] =	vst v5  }
0x73: {  	s4 =	sor.u32 s4, s11;
	v5 =	vld [tilespmem:s10+$0x1C60];
	[tilespmem:s10+$0x9C00] =	vst v6  }
0x74: {  	[tilespmem:s10+$0x9C20] =	vst v8;
	v8 =	vld [tilespmem:s4+$0x1000]  }
0x75: {  	v6 =	vld [tilespmem:s10+$0x1C70];
	[tilespmem:s10+$0x9C10] =	vst v7  }
0x76: {  	v7 =	vld [tilespmem:s10+$0x2000];
	[tilespmem:s10+$0x9C40] =	vst v3  }
0x77: {  	v3 =	vld [tilespmem:s4+$0x1020];
	[tilespmem:s10+$0x9C50] =	vst v4  }
0x78: {  	v4 =	vld [tilespmem:s4+$0x1030];
	[tilespmem:s10+$0x9C60] =	vst v5  }
0x79: {  	[tilespmem:s4+$0x9000] =	vst v8;
	v8 =	vld [tilespmem:s10+$0x2010]  }
0x7a: {  	v5 =	vld [tilespmem:s4+$0x1040];
	[tilespmem:s10+$0x9C70] =	vst v6  }
0x7b: {  	v6 =	vld [tilespmem:s4+$0x1050];
	[tilespmem:s10+$0xA000] =	vst v7  }
0x7c: {  	v7 =	vld [tilespmem:s4+$0x1060];
	[tilespmem:s4+$0x9020] =	vst v3  }
0x7d: {  	v3 =	vld [tilespmem:s10+$0x2030];
	[tilespmem:s4+$0x9030] =	vst v4  }
0x7e: {  	v4 =	vld [tilespmem:s10+$0x2040];
	[tilespmem:s10+$0xA010] =	vst v8  }
0x7f: {  	v8 =	vld [tilespmem:s4+$0x1070];
	[tilespmem:s4+$0x9040] =	vst v5  }
0x80: {  	v5 =	vld [tilespmem:s10+$0x2050];
	[tilespmem:s4+$0x9050] =	vst v6  }
0x81: {  	v6 =	vld [tilespmem:s10+$0x2060];
	[tilespmem:s4+$0x9060] =	vst v7  }
0x82: {  	v7 =	vld [tilespmem:s10+$0x2070];
	[tilespmem:s10+$0xA030] =	vst v3  }
0x83: {  	v3 =	vld [tilespmem:s4+$0x1410];
	[tilespmem:s10+$0xA040] =	vst v4  }
0x84: {  	[tilespmem:s4+$0x9070] =	vst v8;
	v8 =	vld [tilespmem:s10+$0x2400]  }
0x85: {  	v4 =	vld [tilespmem:s4+$0x1420];
	[tilespmem:s10+$0xA050] =	vst v5  }
0x86: {  	v5 =	vld [tilespmem:s4+$0x1430];
	[tilespmem:s10+$0xA060] =	vst v6  }
0x87: {  	v6 =	vld [tilespmem:s4+$0x1440];
	[tilespmem:s10+$0xA070] =	vst v7  }
0x88: {  	v7 =	vld [tilespmem:s4+$0x1450];
	[tilespmem:s4+$0x9410] =	vst v3  }
0x89: {  	v3 =	vld [tilespmem:s10+$0x2420];
	[tilespmem:s10+$0xA400] =	vst v8  }
0x8a: {  	[tilespmem:s4+$0x9420] =	vst v4;
	v4 =	vld [tilespmem:s10+$0x2430]  }
0x8b: {  	v8 =	vld [tilespmem:s4+$0x1460];
	[tilespmem:s4+$0x9430] =	vst v5  }
0x8c: {  	v5 =	vld [tilespmem:s10+$0x2440];
	[tilespmem:s4+$0x9440] =	vst v6  }
0x8d: {  	v6 =	vld [tilespmem:s10+$0x2450];
	[tilespmem:s4+$0x9450] =	vst v7  }
0x8e: {  	v7 =	vld [tilespmem:s10+$0x2460];
	[tilespmem:s10+$0xA420] =	vst v3  }
0x8f: {  	v3 =	vld [tilespmem:s4+$0x1800];
	[tilespmem:s10+$0xA430] =	vst v4  }
0x90: {  	v4 =	vld [tilespmem:s4+$0x1810];
	[tilespmem:s4+$0x9460] =	vst v8  }
0x91: {  	v8 =	vld [tilespmem:s10+$0x2470];
	[tilespmem:s10+$0xA440] =	vst v5  }
0x92: {  	v5 =	vld [tilespmem:s4+$0x1820];
	[tilespmem:s10+$0xA450] =	vst v6  }
0x93: {  	v6 =	vld [tilespmem:s4+$0x1830];
	[tilespmem:s10+$0xA460] =	vst v7  }
0x94: {  	v7 =	vld [tilespmem:s4+$0x1840];
	[tilespmem:s4+$0x9800] =	vst v3  }
0x95: {  	v3 =	vld [tilespmem:s10+$0x2810];
	[tilespmem:s4+$0x9810] =	vst v4  }
0x96: {  	[tilespmem:s10+$0xA470] =	vst v8;
	v8 =	vld [tilespmem:s4+$0x1850]  }
0x97: {  	[tilespmem:s4+$0x9820] =	vst v5;
	v5 =	vld [tilespmem:s10+$0x2830]  }
0x98: {  	v4 =	vld [tilespmem:s10+$0x2820];
	[tilespmem:s4+$0x9830] =	vst v6  }
0x99: {  	v6 =	vld [tilespmem:s10+$0x2840];
	[tilespmem:s4+$0x9840] =	vst v7  }
0x9a: {  	v7 =	vld [tilespmem:s10+$0x2850];
	[tilespmem:s10+$0xA810] =	vst v3  }
0x9b: {  	[tilespmem:s4+$0x9850] =	vst v8;
	v8 =	vld [tilespmem:s10+$0x2860]  }
0x9c: {  	[tilespmem:s10+$0xA830] =	vst v5;
	v5 =	vld [tilespmem:s4+$0x1C10]  }
0x9d: {  	s20 =	sand.u32 $0x7, s1;
	[tilespmem:s10+$0xA820] =	vst v4  }
0x9e: {  	s11 =	sshll.u32 s20, $0x7;
	[tilespmem:s10+$0xA840] =	vst v6  }
0x9f: {  	s11 =	sadd.s32 $0x0, s11;
	[tilespmem:s10+$0xA850] =	vst v7  }
0xa0: {  	s21 =	sor.u32 $0x1C00, s11;
	[tilespmem:s10+$0xA860] =	vst v8  }
0xa1: {  	[tilespmem:s4+$0x9C10] =	vst v5;
	v5 =	vld [tilespmem:s21+$0x1000];
	_ =	sdelay $0x2  }
0xa2: {  	v55 =	vld [tilespmem:s4+$0x1010]  }
0xa3: {  	v3 =	vld [tilespmem:s4+$0x1870]  }
0xa4: {  	s22 =	sor.u32 $0x1C10, s11;
	v4 =	vld [tilespmem:s4+$0x1C00];
	[tilespmem:s21+$0x9000] =	vst v5  }
0xa5: {  	v5 =	vld [tilespmem:s22+$0x1000]  }
0xa6: {  	v57 =	vld [tilespmem:s4+$0x1400]  }
0xa7: {  	v59 =	vld [tilespmem:s4+$0x1470];
	[tilespmem:s4+$0x9010] =	vst v55  }
0xa8: {  	v7 =	vld [tilespmem:s4+$0x1C50];
	[tilespmem:s4+$0x9870] =	vst v3  }
0xa9: {  	v3 =	vld [tilespmem:s4+$0x1C30];
	[tilespmem:s4+$0x9C00] =	vst v4  }
0xaa: {  	s23 =	sor.u32 $0x1C20, s11;
	v4 =	vld [tilespmem:s4+$0x1C40];
	[tilespmem:s22+$0x9000] =	vst v5  }
0xab: {  	[tilespmem:s4+$0x9400] =	vst v57;
	v5 =	vld [tilespmem:s23+$0x1000]  }
0xac: {  	v61 =	vld [tilespmem:s4+$0x1860];
	[tilespmem:s4+$0x9470] =	vst v59  }
0xad: {  	[tilespmem:s4+$0x9C50] =	vst v7;
	v7 =	vld [tilespmem:s4+$0x2010]  }
0xae: {  	v6 =	vld [tilespmem:s4+$0x1C20];
	[tilespmem:s4+$0x9C30] =	vst v3  }
0xaf: {  	v3 =	vld [tilespmem:s4+$0x1C70];
	[tilespmem:s4+$0x9C40] =	vst v4  }
0xb0: {  	s24 =	sor.u32 $0x1C30, s11;
	v4 =	vld [tilespmem:s4+$0x2000];
	[tilespmem:s23+$0x9000] =	vst v5  }
0xb1: {  	[tilespmem:s4+$0x9860] =	vst v61;
	v5 =	vld [tilespmem:s24+$0x1000]  }
0xb2: {  	[tilespmem:s4+$0xA010] =	vst v7;
	v7 =	vld [tilespmem:s4+$0x2060]  }
0xb3: {  	[tilespmem:s4+$0x9C20] =	vst v6;
	v6 =	vld [tilespmem:s4+$0x1C60]  }
0xb4: {  	v8 =	vld [tilespmem:s4+$0x2020];
	[tilespmem:s4+$0x9C70] =	vst v3  }
0xb5: {  	v3 =	vld [tilespmem:s4+$0x2030];
	[tilespmem:s4+$0xA000] =	vst v4  }
0xb6: {  	s25 =	sor.u32 $0x1C40, s11;
	v4 =	vld [tilespmem:s4+$0x2040];
	[tilespmem:s24+$0x9000] =	vst v5  }
0xb7: {  	[tilespmem:s4+$0xA060] =	vst v7;
	v7 =	vld [tilespmem:s25+$0x1000]  }
0xb8: {  	v63 =	vld [tilespmem:s4+$0x2470];
	[tilespmem:s4+$0x9C60] =	vst v6  }
0xb9: {  	[tilespmem:s4+$0xA020] =	vst v8;
	v8 =	vld [tilespmem:s4+$0x2070]  }
0xba: {  	v6 =	vld [tilespmem:s4+$0x2050];
	[tilespmem:s4+$0xA030] =	vst v3  }
0xbb: {  	v3 =	vld [tilespmem:s4+$0x2400];
	[tilespmem:s4+$0xA040] =	vst v4  }
0xbc: {  	s26 =	sor.u32 $0x1C50, s11;
	v4 =	vld [tilespmem:s4+$0x2410];
	[tilespmem:s25+$0x9000] =	vst v7  }
0xbd: {  	[tilespmem:s4+$0xA470] =	vst v63;
	v7 =	vld [tilespmem:s26+$0x1000]  }
0xbe: {  	[tilespmem:s4+$0xA070] =	vst v8;
	v8 =	vld [tilespmem:s4+$0x2440]  }
0xbf: {  	[tilespmem:s4+$0xA050] =	vst v6;
	v5 =	vld [tilespmem:s4+$0x2430]  }
0xc0: {  	v6 =	vld [tilespmem:s4+$0x2420];
	[tilespmem:s4+$0xA400] =	vst v3  }
0xc1: {  	v3 =	vld [tilespmem:s4+$0x2450];
	[tilespmem:s4+$0xA410] =	vst v4  }
0xc2: {  	s29 =	sor.u32 $0x1C60, s11;
	v4 =	vld [tilespmem:s4+$0x2460];
	[tilespmem:s26+$0x9000] =	vst v7  }
0xc3: {  	[tilespmem:s4+$0xA440] =	vst v8;
	v8 =	vld.msk [tilespmem:s29+$0x1000], $0x7f  }
0xc4: {  	[tilespmem:s4+$0xA430] =	vst v5;
	v5 =	vld [tilespmem:s4+$0x2800]  }
0xc5: {  	[tilespmem:s4+$0xA420] =	vst v6;
	v6 =	vld [tilespmem:s4+$0x2810]  }
0xc6: {  	[tilespmem:s4+$0xA450] =	vst v3;
	v7 =	vld [tilespmem:s4+$0x2820]  }
0xc7: {  	[tilespmem:s4+$0xA460] =	vst v4;
	v4 =	vld [tilespmem:s4+$0x2830]  }
0xc8: {  	s12 =	simm.s32 $0x100;
	s11 =	simm.s32 $0xFFFFC800;
	s10 =	simm.s32 $0x0;
	v3 =	vld [tilespmem:s4+$0x2840];
	[tilespmem:s29+$0x9000] =	vst.msk $0x7f, v8  }
.LBB2_3:
0xc9: {  	s13 =	sadd.s32 $0x4000, s11;
	p1 =	sne.s32 s12, $0x780;
	[tilespmem:s4+$0xA800] =	vst v5;
	v5 =	vld [tilespmem:s4+$0x2850]  }
0xca: {  	s14 =	sand.u32 $0x380, s12;
	s13 =	sand.u32 $0x2000, s13;
	[tilespmem:s4+$0xA810] =	vst v6;
	v6 =	vld [tilespmem:s4+$0x2860]  }
0xcb: {  	s14 =	sor.u32 s14, s13;
	[tilespmem:s4+$0xA820] =	vst v7;
	v7 =	vld [tilespmem:s4+$0x2870]  }
0xcc: {  	s1 =	sadd.s32 $0x1, s1;
	v8 =	vld [tilespmem:s14+$0x1000];
	[tilespmem:s4+$0xA830] =	vst v4  }
0xcd: {  	s13 =	sand.u32 $0x7, s1;
	v4 =	vld [tilespmem:s14+$0x1010];
	[tilespmem:s4+$0xA840] =	vst v3  }
0xce: {  	s10 =	sadd.s32 $0x400, s10;
	s13 =	sshll.u32 s13, $0x7;
	v3 =	vld [tilespmem:s14+$0x1020];
	[tilespmem:s4+$0xA850] =	vst v5  }
0xcf: {  	s13 =	sadd.s32 s13, s10;
	v5 =	vld [tilespmem:s14+$0x1030];
	[tilespmem:s4+$0xA860] =	vst v6  }
0xd0: {  	s15 =	sor.u32 $0x1C00, s13;
	v6 =	vld [tilespmem:s14+$0x1040];
	[tilespmem:s4+$0xA870] =	vst v7;
	s4 =	smov.u32 s14  }
0xd1: {  	[tilespmem:s4+$0x9000] =	vst v8;
	v7 =	vld [tilespmem:s15+$0x1000]  }
0xd2: {  	[tilespmem:s4+$0x9010] =	vst v4;
	v4 =	vld [tilespmem:s4+$0x1050]  }
0xd3: {  	[tilespmem:s4+$0x9020] =	vst v3;
	v3 =	vld [tilespmem:s4+$0x1060]  }
0xd4: {  	[tilespmem:s4+$0x9030] =	vst v5;
	v5 =	vld [tilespmem:s4+$0x1070]  }
0xd5: {  	[tilespmem:s4+$0x9040] =	vst v6;
	v6 =	vld [tilespmem:s4+$0x1400]  }
0xd6: {  	s14 =	sor.u32 $0x1C10, s13;
	v8 =	vld [tilespmem:s4+$0x1410];
	[tilespmem:s15+$0x9000] =	vst v7  }
0xd7: {  	[tilespmem:s4+$0x9050] =	vst v4;
	v4 =	vld [tilespmem:s14+$0x1000]  }
0xd8: {  	[tilespmem:s4+$0x9060] =	vst v3;
	v3 =	vld [tilespmem:s4+$0x1420]  }
0xd9: {  	[tilespmem:s4+$0x9070] =	vst v5;
	v5 =	vld [tilespmem:s4+$0x1430]  }
0xda: {  	[tilespmem:s4+$0x9400] =	vst v6;
	v6 =	vld [tilespmem:s4+$0x1440]  }
0xdb: {  	[tilespmem:s4+$0x9410] =	vst v8;
	v7 =	vld [tilespmem:s4+$0x1450]  }
0xdc: {  	v8 =	vld [tilespmem:s4+$0x1460];
	[tilespmem:s14+$0x9000] =	vst v4;
	s14 =	sor.u32 $0x1C20, s13  }
0xdd: {  	[tilespmem:s4+$0x9420] =	vst v3;
	v3 =	vld [tilespmem:s14+$0x1000]  }
0xde: {  	[tilespmem:s4+$0x9430] =	vst v5;
	v4 =	vld [tilespmem:s4+$0x1470]  }
0xdf: {  	[tilespmem:s4+$0x9440] =	vst v6;
	v5 =	vld [tilespmem:s4+$0x1800]  }
0xe0: {  	[tilespmem:s4+$0x9450] =	vst v7;
	v6 =	vld [tilespmem:s4+$0x1810]  }
0xe1: {  	[tilespmem:s4+$0x9460] =	vst v8;
	v7 =	vld [tilespmem:s4+$0x1820]  }
0xe2: {  	v8 =	vld [tilespmem:s4+$0x1830];
	[tilespmem:s14+$0x9000] =	vst v3;
	s14 =	sor.u32 $0x1C30, s13  }
0xe3: {  	[tilespmem:s4+$0x9470] =	vst v4;
	v3 =	vld [tilespmem:s14+$0x1000]  }
0xe4: {  	[tilespmem:s4+$0x9800] =	vst v5;
	v4 =	vld [tilespmem:s4+$0x1840]  }
0xe5: {  	[tilespmem:s4+$0x9810] =	vst v6;
	v5 =	vld [tilespmem:s4+$0x1850]  }
0xe6: {  	[tilespmem:s4+$0x9820] =	vst v7;
	v6 =	vld [tilespmem:s4+$0x1860]  }
0xe7: {  	[tilespmem:s4+$0x9830] =	vst v8;
	v7 =	vld [tilespmem:s4+$0x1870]  }
0xe8: {  	v8 =	vld [tilespmem:s4+$0x1C00];
	[tilespmem:s14+$0x9000] =	vst v3;
	s14 =	sor.u32 $0x1C40, s13  }
0xe9: {  	[tilespmem:s4+$0x9840] =	vst v4;
	v3 =	vld [tilespmem:s14+$0x1000]  }
0xea: {  	[tilespmem:s4+$0x9850] =	vst v5;
	v4 =	vld [tilespmem:s4+$0x1C10]  }
0xeb: {  	[tilespmem:s4+$0x9860] =	vst v6;
	v5 =	vld [tilespmem:s4+$0x1C20]  }
0xec: {  	[tilespmem:s4+$0x9870] =	vst v7;
	v6 =	vld [tilespmem:s4+$0x1C30]  }
0xed: {  	[tilespmem:s4+$0x9C00] =	vst v8;
	v7 =	vld [tilespmem:s4+$0x1C40]  }
0xee: {  	v8 =	vld [tilespmem:s4+$0x1C50];
	[tilespmem:s14+$0x9000] =	vst v3;
	s14 =	sor.u32 $0x1C50, s13  }
0xef: {  	[tilespmem:s4+$0x9C10] =	vst v4;
	v3 =	vld [tilespmem:s14+$0x1000]  }
0xf0: {  	[tilespmem:s4+$0x9C20] =	vst v5;
	v4 =	vld [tilespmem:s4+$0x1C60]  }
0xf1: {  	[tilespmem:s4+$0x9C30] =	vst v6;
	v5 =	vld [tilespmem:s4+$0x1C70]  }
0xf2: {  	[tilespmem:s4+$0x9C40] =	vst v7;
	v6 =	vld [tilespmem:s4+$0x2000]  }
0xf3: {  	[tilespmem:s4+$0x9C50] =	vst v8;
	v7 =	vld [tilespmem:s4+$0x2010]  }
0xf4: {  	s13 =	sor.u32 $0x1C60, s13;
	v8 =	vld [tilespmem:s4+$0x2020];
	[tilespmem:s14+$0x9000] =	vst v3  }
0xf5: {  	[tilespmem:s4+$0x9C60] =	vst v4;
	v3 =	vld.msk [tilespmem:s13+$0x1000], $0x7f  }
0xf6: {  	[tilespmem:s4+$0x9C70] =	vst v5;
	v4 =	vld [tilespmem:s4+$0x2030]  }
0xf7: {  	[tilespmem:s4+$0xA000] =	vst v6;
	v5 =	vld [tilespmem:s4+$0x2040]  }
0xf8: {  	[tilespmem:s4+$0xA010] =	vst v7;
	v6 =	vld [tilespmem:s4+$0x2050]  }
0xf9: {  	[tilespmem:s4+$0xA020] =	vst v8;
	v7 =	vld [tilespmem:s4+$0x2060]  }
0xfa: {  	v8 =	vld [tilespmem:s4+$0x2070];
	[tilespmem:s13+$0x9000] =	vst.msk $0x7f, v3  }
0xfb: {  	[tilespmem:s4+$0xA030] =	vst v4;
	v3 =	vld [tilespmem:s4+$0x2400]  }
0xfc: {  	[tilespmem:s4+$0xA040] =	vst v5;
	v4 =	vld [tilespmem:s4+$0x2410]  }
0xfd: {  	[tilespmem:s4+$0xA050] =	vst v6;
	v5 =	vld [tilespmem:s4+$0x2420]  }
0xfe: {  	[tilespmem:s4+$0xA060] =	vst v7;
	v6 =	vld [tilespmem:s4+$0x2430]  }
0xff: {  	[tilespmem:s4+$0xA070] =	vst v8;
	v7 =	vld [tilespmem:s4+$0x2440]  }
0x100: {  	[tilespmem:s4+$0xA400] =	vst v3;
	v3 =	vld [tilespmem:s4+$0x2450]  }
0x101: {  	[tilespmem:s4+$0xA410] =	vst v4;
	v4 =	vld [tilespmem:s4+$0x2460]  }
0x102: {  	[tilespmem:s4+$0xA420] =	vst v5;
	v8 =	vld [tilespmem:s4+$0x2470]  }
.Ltmp2:
0x103: {  	[tilespmem:s4+$0xA430] =	vst v6;
	v5 =	vld [tilespmem:s4+$0x2800];
	(pc) =	sbr.rel @p1 .LBB2_3-.Ltmp2, $4  }
0x104: {  	[tilespmem:s4+$0xA440] =	vst v7;
	v6 =	vld [tilespmem:s4+$0x2810]  }
0x105: {  	[tilespmem:s4+$0xA450] =	vst v3;
	v7 =	vld [tilespmem:s4+$0x2820]  }
0x106: {  	[tilespmem:s4+$0xA460] =	vst v4;
	v4 =	vld [tilespmem:s4+$0x2830]  }
0x107: {  	s11 =	sadd.s32 $0x400, s11;
	s12 =	sadd.s32 $0x80, s12;
	[tilespmem:s4+$0xA470] =	vst v8;
	v3 =	vld [tilespmem:s4+$0x2840]  }
0x108: {  	[tilespmem:s4+$0xA800] =	vst v5;
	v61 =	vld [tilespmem:s4+$0x2850]  }
0x109: {  	v62 =	vld [tilespmem:s4+$0x2860];
	[tilespmem:s4+$0xA810] =	vst v6  }
0x10a: {  	v63 =	vld [tilespmem:s4+$0x2870];
	[tilespmem:s4+$0xA820] =	vst v7  }
0x10b: {  	s1 =	sadd.s32 $0x1, s1;
	[tilespmem:s4+$0xA830] =	vst v4  }
0x10c: {  	s1 =	sand.u32 $0x7, s1;
	[tilespmem:s4+$0xA840] =	vst v3  }
0x10d: {  	s10 =	sadd.s32 $0x400, s10;
	s1 =	sshll.u32 s1, $0x7;
	[tilespmem:s4+$0xA850] =	vst v61  }
0x10e: {  	s1 =	sadd.s32 s1, s10;
	[tilespmem:s4+$0xA860] =	vst v62  }
0x10f: {  	s20 =	sor.u32 $0x1C00, s1;
	[tilespmem:s4+$0xA870] =	vst v63  }
0x110: {  	v3 =	vld [tilespmem:s20+$0x1000];
	_ =	sdelay $0x4  }
0x111: {  	s21 =	sor.u32 $0x1C10, s1;
	[tilespmem:s20+$0x9000] =	vst v3  }
0x112: {  	v3 =	vld [tilespmem:s21+$0x1000];
	_ =	sdelay $0x4  }
0x113: {  	s22 =	sor.u32 $0x1C20, s1;
	[tilespmem:s21+$0x9000] =	vst v3  }
0x114: {  	v3 =	vld [tilespmem:s22+$0x1000];
	_ =	sdelay $0x4  }
0x115: {  	s23 =	sor.u32 $0x1C30, s1;
	[tilespmem:s22+$0x9000] =	vst v3  }
0x116: {  	v3 =	vld [tilespmem:s23+$0x1000];
	_ =	sdelay $0x4  }
0x117: {  	s24 =	sor.u32 $0x1C40, s1;
	[tilespmem:s23+$0x9000] =	vst v3  }
0x118: {  	v3 =	vld [tilespmem:s24+$0x1000];
	_ =	sdelay $0x4  }
0x119: {  	s25 =	sor.u32 $0x1C50, s1;
	[tilespmem:s24+$0x9000] =	vst v3  }
0x11a: {  	v3 =	vld [tilespmem:s25+$0x1000];
	_ =	sdelay $0x4  }
0x11b: {  	s1 =	sor.u32 $0x1C60, s1;
	[tilespmem:s25+$0x9000] =	vst v3  }
0x11c: {  	v3 =	vld.msk [tilespmem:s1+$0x1000], $0x7f  }
0x11d: {  	p1 =	sne.s32 s9, $0xF  }
.Ltmp3:
0x11e: {  	_ = 	snop;
	(pc) =	sbr.rel @p1 .LBB2_6-.Ltmp3, $4  }
0x11f: {  	_ = 	snop  }
0x120: {  	s26 =	sshll.u32 s9, $0xC  }
0x121: {  	s29 =	simm.s32 $0x9000;
	s10 =	sadd.s32 s26, s8;
	[tilespmem:s1+$0x9000] =	vst.msk $0x7f, v3  }
0x122: {  	[hbm4b:s10+s3] =	stream.linear.scatter [tilespmem:s29], [sflag:$0x3], $0x4000, $0x38;
	[tilespmem:$0x11000] =	vst v63  }
.Ltmp4:
0x123: {  	(pc) =	sbr.rel .LBB2_7-.Ltmp4, $4  }
0x124: {  	_ = 	snop  }
0x125: {  	_ =	swait.ge [sflag:s30], $0x4000  }
0x126: {  	[sflag:s30] =	ssyncset.done $0x0  }
0x127: {  	[sflag:s30] =	ssyncadd.s32 $0xFFFFC000  }
.LBB2_6:
0x128: {  	s1 =	sshll.u32 s9, $0x8  }
0x129: {  	s1 =	sand.u32 $0x3FFFFF00, s1  }
0x12a: {  	v3 =	vld [tilespmem:s1+$0x100];
	_ =	sdelay $0x4  }
0x12b: {  	v4 =	vshll.u32 v3, $0x3  }
0x12c: {  	v3 =	vand.u32 $0x7, v3;
	v4 =	vand.u32 $0xFFFFFFC0, v4  }
0x12d: {  	v3 =	vor.u32 v3, v4  }
0x12e: {  	v4 =	vperm.xlane v3, v0;
	_ =	sdelay $0x1  }
0x12f: {  	v4 =	vadd.s32 v1, v4;
	_ =	sdelay $0x3  }
0x130: {  	s20 =	simm.s32 $0x1000  }
0x131: {  	[tilespmem:s20], [sflag:$0x1] =	stream.indirect_vreg.gather [hbm4b:s2+s3], $0x80, v4, vm0, $0xb8;
	[tilespmem:$0x11000] =	vst v63  }
0x132: {  	s21 =	simm.s32 $0x1800;
	v3 =	vperm.xlane v3, v2  }
0x133: {  	[tilespmem:s21], [sflag:$0x1] =	stream.indirect_vreg.gather [hbm4b:s5+s3], $0x80, v4, vm0, $0xb8;
	[tilespmem:$0x11000] =	vst v63  }
0x134: {  	s22 =	simm.s32 $0x2000;
	v3 =	vadd.s32 v1, v3  }
0x135: {  	[tilespmem:s22], [sflag:$0x1] =	stream.indirect_vreg.gather [hbm4b:s6+s3], $0x80, v4, vm0, $0xb8;
	[tilespmem:$0x11000] =	vst v63  }
0x136: {  	s23 =	simm.s32 $0x2800  }
0x137: {  	[tilespmem:s23], [sflag:$0x1] =	stream.indirect_vreg.gather [hbm4b:s7+s3], $0x80, v4, vm0, $0xb8;
	[tilespmem:$0x11000] =	vst v63  }
0x138: {  	s24 =	simm.s32 $0x3000  }
0x139: {  	[tilespmem:s24], [sflag:$0x1] =	stream.indirect_vreg.gather [hbm4b:s2+s3], $0x80, v3, vm0, $0xb8;
	[tilespmem:$0x11000] =	vst v63  }
0x13a: {  	s25 =	simm.s32 $0x3800  }
0x13b: {  	[tilespmem:s25], [sflag:$0x1] =	stream.indirect_vreg.gather [hbm4b:s5+s3], $0x80, v3, vm0, $0xb8;
	[tilespmem:$0x11000] =	vst v63  }
0x13c: {  	s26 =	simm.s32 $0x4000  }
0x13d: {  	[tilespmem:s26], [sflag:$0x1] =	stream.indirect_vreg.gather [hbm4b:s6+s3], $0x80, v3, vm0, $0xb8;
	[tilespmem:$0x11000] =	vst v63  }
.Ltmp5:
0x13e: {  	s29 =	simm.s32 $0x4800;
	(pc) =	sbr.rel @p0 .LBB2_8-.Ltmp5, $4  }
0x13f: {  	[tilespmem:s29], [sflag:$0x1] =	stream.indirect_vreg.gather [hbm4b:s7+s3], $0x80, v3, vm0, $0xb8;
	[tilespmem:$0x11000] =	vst v63  }
0x140: {  	_ =	swait.ge [sflag:s30], $0x4000  }
0x141: {  	[sflag:s30] =	ssyncset.done $0x0  }
0x142: {  	[sflag:s30] =	ssyncadd.s32 $0xFFFFC000  }
.LBB2_7:
0x143: {  	_ =	swait.ge [sflag:s31], $0x4000  }
0x144: {  	[sflag:s31] =	ssyncset.done $0x0  }
0x145: {  	[sflag:s31] =	ssyncadd.s32 $0xFFFFC000  }
.LBB2_8:
0x146: {  	s1 =	simm.s32 $0x0  }
0x147: {  	s4 =	sand.u32 $0x2000, s1;
	s11 =	sand.u32 $0x380, s1  }
0x148: {  	s4 =	sor.u32 s11, s4  }
0x149: {  	v3 =	vld [tilespmem:s4+$0x5000]  }
0x14a: {  	v4 =	vld [tilespmem:s4+$0x5010];
	_ =	sdelay $0x2  }
0x14b: {  	v5 =	vld [tilespmem:s4+$0x5020]  }
0x14c: {  	[tilespmem:s4+$0xD000] =	vst v3;
	v3 =	vld [tilespmem:s4+$0x5030]  }
0x14d: {  	[tilespmem:s4+$0xD010] =	vst v4;
	v4 =	vld [tilespmem:s4+$0x5040];
	_ =	sdelay $0x2  }
0x14e: {  	[tilespmem:s4+$0xD020] =	vst v5;
	v5 =	vld [tilespmem:s4+$0x5070]  }
0x14f: {  	[tilespmem:s4+$0xD030] =	vst v3;
	v3 =	vld [tilespmem:s4+$0x5050]  }
0x150: {  	[tilespmem:s4+$0xD040] =	vst v4;
	v4 =	vld [tilespmem:s4+$0x5060];
	_ =	sdelay $0x2  }
0x151: {  	s18 =	sand.u32 $0xFFFFE000, s1;
	[tilespmem:s4+$0xD070] =	vst v5  }
0x152: {  	s18 =	sadd.s32 $0x0, s18;
	[tilespmem:s4+$0xD050] =	vst v3  }
0x153: {  	s11 =	sor.u32 $0x4400, s18;
	[tilespmem:s4+$0xD060] =	vst v4  }
0x154: {  	v3 =	vld [tilespmem:s11+$0x1000];
	_ =	sdelay $0x4  }
0x155: {  	s19 =	sor.u32 $0x4410, s18;
	[tilespmem:s11+$0x9000] =	vst v3  }
0x156: {  	v3 =	vld [tilespmem:s19+$0x1000];
	_ =	sdelay $0x4  }
0x157: {  	s20 =	sor.u32 $0x4420, s18;
	[tilespmem:s19+$0x9000] =	vst v3  }
0x158: {  	v3 =	vld [tilespmem:s20+$0x1000];
	_ =	sdelay $0x4  }
0x159: {  	s21 =	sor.u32 $0x4430, s18;
	[tilespmem:s20+$0x9000] =	vst v3  }
0x15a: {  	v3 =	vld [tilespmem:s21+$0x1000];
	_ =	sdelay $0x4  }
0x15b: {  	s22 =	sor.u32 $0x4440, s18;
	[tilespmem:s21+$0x9000] =	vst v3  }
0x15c: {  	v3 =	vld [tilespmem:s22+$0x1000];
	_ =	sdelay $0x4  }
0x15d: {  	s23 =	sor.u32 $0x4450, s18;
	[tilespmem:s22+$0x9000] =	vst v3  }
0x15e: {  	v3 =	vld [tilespmem:s23+$0x1000];
	_ =	sdelay $0x4  }
0x15f: {  	s24 =	sor.u32 $0x4460, s18;
	[tilespmem:s23+$0x9000] =	vst v3  }
0x160: {  	v3 =	vld [tilespmem:s24+$0x1000];
	_ =	sdelay $0x4  }
0x161: {  	s25 =	sor.u32 $0x4470, s18;
	[tilespmem:s24+$0x9000] =	vst v3  }
0x162: {  	v3 =	vld [tilespmem:s25+$0x1000];
	_ =	sdelay $0x4  }
0x163: {  	[tilespmem:s25+$0x9000] =	vst v3  }
0x164: {  	v3 =	vld [tilespmem:s4+$0x5800]  }
0x165: {  	v4 =	vld [tilespmem:s4+$0x5810]  }
0x166: {  	s12 =	simm.s32 $0x400;
	s11 =	simm.s32 $0x80;
	v5 =	vld [tilespmem:s4+$0x5820]  }
0x167: {  	s13 =	sand.u32 $0x2000, s12;
	s14 =	sand.u32 $0x380, s11  }
0x168: {  	s13 =	sor.u32 s14, s13;
	v6 =	vld [tilespmem:s4+$0x5830]  }
0x169: {  	[tilespmem:s4+$0xD800] =	vst v3;
	v3 =	vld [tilespmem:s13+$0x5000]  }
0x16a: {  	[tilespmem:s4+$0xD810] =	vst v4;
	v4 =	vld [tilespmem:s4+$0x5840]  }
0x16b: {  	[tilespmem:s4+$0xD820] =	vst v5;
	v5 =	vld [tilespmem:s4+$0x5850];
	_ =	sdelay $0x1  }
0x16c: {  	[tilespmem:s4+$0xD830] =	vst v6;
	v6 =	vld [tilespmem:s4+$0x5860]  }
0x16d: {  	[tilespmem:s13+$0xD000] =	vst v3;
	v3 =	vld [tilespmem:s4+$0x5870]  }
0x16e: {  	[tilespmem:s4+$0xD840] =	vst v4;
	v4 =	vld [tilespmem:s13+$0x5030]  }
0x16f: {  	[tilespmem:s4+$0xD850] =	vst v5;
	v5 =	vld [tilespmem:s13+$0x5040]  }
0x170: {  	v7 =	vld [tilespmem:s13+$0x5010]  }
0x171: {  	v8 =	vld [tilespmem:s13+$0x5020];
	[tilespmem:s4+$0xD860] =	vst v6  }
0x172: {  	v6 =	vld [tilespmem:s13+$0x5070];
	[tilespmem:s4+$0xD870] =	vst v3  }
0x173: {  	[tilespmem:s13+$0xD030] =	vst v4;
	v4 =	vld [tilespmem:s13+$0x5050]  }
0x174: {  	s26 =	sor.u32 $0x4C00, s18;
	[tilespmem:s13+$0xD040] =	vst v5;
	v5 =	vld [tilespmem:s13+$0x5060]  }
0x175: {  	[tilespmem:s13+$0xD010] =	vst v7;
	v3 =	vld [tilespmem:s26+$0x1000]  }
0x176: {  	[tilespmem:s13+$0xD020] =	vst v8  }
0x177: {  	s15 =	sand.u32 $0xFFFFE000, s12;
	[tilespmem:s13+$0xD070] =	vst v6  }
0x178: {  	s16 =	sadd.s32 $0x80, s15;
	[tilespmem:s13+$0xD050] =	vst v4  }
0x179: {  	s15 =	sor.u32 $0x4400, s16;
	[tilespmem:s13+$0xD060] =	vst v5  }
0x17a: {  	s29 =	sor.u32 $0x4C10, s18;
	[tilespmem:s26+$0x9000] =	vst v3;
	v4 =	vld [tilespmem:s15+$0x1000]  }
0x17b: {  	v3 =	vld [tilespmem:s29+$0x1000];
	_ =	sdelay $0x3  }
0x17c: {  	s20 =	sor.u32 $0x4410, s16;
	[tilespmem:s15+$0x9000] =	vst v4  }
0x17d: {  	s17 =	sor.u32 $0x4C20, s18;
	[tilespmem:s29+$0x9000] =	vst v3;
	v4 =	vld [tilespmem:s20+$0x1000]  }
0x17e: {  	v3 =	vld [tilespmem:s17+$0x1000];
	_ =	sdelay $0x3  }
0x17f: {  	s22 =	sor.u32 $0x4420, s16;
	[tilespmem:s20+$0x9000] =	vst v4  }
0x180: {  	s19 =	sor.u32 $0x4C30, s18;
	[tilespmem:s17+$0x9000] =	vst v3;
	v4 =	vld [tilespmem:s22+$0x1000]  }
0x181: {  	v3 =	vld [tilespmem:s19+$0x1000];
	_ =	sdelay $0x3  }
0x182: {  	s24 =	sor.u32 $0x4430, s16;
	[tilespmem:s22+$0x9000] =	vst v4  }
0x183: {  	s21 =	sor.u32 $0x4C40, s18;
	[tilespmem:s19+$0x9000] =	vst v3;
	v4 =	vld [tilespmem:s24+$0x1000]  }
0x184: {  	v3 =	vld [tilespmem:s21+$0x1000];
	_ =	sdelay $0x3  }
0x185: {  	s26 =	sor.u32 $0x4440, s16;
	[tilespmem:s24+$0x9000] =	vst v4  }
0x186: {  	s23 =	sor.u32 $0x4C50, s18;
	[tilespmem:s21+$0x9000] =	vst v3;
	v4 =	vld [tilespmem:s26+$0x1000]  }
0x187: {  	v3 =	vld [tilespmem:s23+$0x1000];
	_ =	sdelay $0x3  }
0x188: {  	s19 =	sor.u32 $0x4450, s16;
	[tilespmem:s26+$0x9000] =	vst v4  }
0x189: {  	s25 =	sor.u32 $0x4C60, s18;
	[tilespmem:s23+$0x9000] =	vst v3;
	v4 =	vld [tilespmem:s19+$0x1000]  }
0x18a: {  	v3 =	vld [tilespmem:s25+$0x1000];
	_ =	sdelay $0x3  }
0x18b: {  	s22 =	sor.u32 $0x4460, s16;
	[tilespmem:s19+$0x9000] =	vst v4  }
0x18c: {  	s17 =	sor.u32 $0x4C70, s18;
	[tilespmem:s25+$0x9000] =	vst v3;
	v4 =	vld [tilespmem:s22+$0x1000]  }
0x18d: {  	s14 =	simm.s32 $0x800;
	s20 =	simm.s32 $0x100;
	v3 =	vld [tilespmem:s17+$0x1000]  }
0x18e: {  	s29 =	sand.u32 $0x2000, s14;
	s21 =	sand.u32 $0x380, s20  }
0x18f: {  	s15 =	sor.u32 s21, s29  }
0x190: {  	v5 =	vld [tilespmem:s15+$0x5000]  }
0x191: {  	v6 =	vld [tilespmem:s15+$0x5010];
	s23 =	sor.u32 $0x4470, s16;
	[tilespmem:s22+$0x9000] =	vst v4  }
0x192: {  	[tilespmem:s17+$0x9000] =	vst v3;
	v4 =	vld [tilespmem:s23+$0x1000]  }
0x193: {  	v3 =	vld [tilespmem:s4+$0x6000]  }
0x194: {  	v7 =	vld [tilespmem:s4+$0x6010]  }
0x195: {  	[tilespmem:s15+$0xD000] =	vst v5;
	v8 =	vld [tilespmem:s4+$0x6020]  }
0x196: {  	[tilespmem:s15+$0xD010] =	vst v6;
	v9 =	vld [tilespmem:s4+$0x6030]  }
0x197: {  	v5 =	vld [tilespmem:s4+$0x6060];
	[tilespmem:s23+$0x9000] =	vst v4  }
0x198: {  	v4 =	vld [tilespmem:s4+$0x6070];
	[tilespmem:s4+$0xE000] =	vst v3  }
0x199: {  	v3 =	vld [tilespmem:s4+$0x6040];
	[tilespmem:s4+$0xE010] =	vst v7  }
0x19a: {  	v7 =	vld [tilespmem:s4+$0x6050];
	[tilespmem:s4+$0xE020] =	vst v8  }
0x19b: {  	[tilespmem:s4+$0xE030] =	vst v9;
	v6 =	vld [tilespmem:s13+$0x5800]  }
0x19c: {  	[tilespmem:s4+$0xE060] =	vst v5;
	v5 =	vld [tilespmem:s13+$0x5830]  }
0x19d: {  	[tilespmem:s4+$0xE070] =	vst v4;
	v4 =	vld [tilespmem:s15+$0x5030]  }
0x19e: {  	[tilespmem:s4+$0xE040] =	vst v3;
	v3 =	vld [tilespmem:s13+$0x5810]  }
0x19f: {  	s24 =	sor.u32 $0x5400, s18;
	[tilespmem:s4+$0xE050] =	vst v7;
	v7 =	vld [tilespmem:s13+$0x5820]  }
0x1a0: {  	[tilespmem:s13+$0xD800] =	vst v6;
	v6 =	vld [tilespmem:s24+$0x1000]  }
0x1a1: {  	v8 =	vld [tilespmem:s13+$0x5850];
	[tilespmem:s13+$0xD830] =	vst v5  }
0x1a2: {  	v5 =	vld [tilespmem:s13+$0x5870];
	[tilespmem:s15+$0xD030] =	vst v4  }
0x1a3: {  	v4 =	vld [tilespmem:s13+$0x5860];
	[tilespmem:s13+$0xD810] =	vst v3  }
0x1a4: {  	v3 =	vld [tilespmem:s13+$0x5840];
	[tilespmem:s13+$0xD820] =	vst v7  }
0x1a5: {  	s25 =	sor.u32 $0x5410, s18;
	v7 =	vld [tilespmem:s15+$0x5040];
	[tilespmem:s24+$0x9000] =	vst v6  }
0x1a6: {  	[tilespmem:s13+$0xD850] =	vst v8;
	v6 =	vld [tilespmem:s25+$0x1000]  }
0x1a7: {  	v10 =	vld [tilespmem:s15+$0x5020];
	[tilespmem:s13+$0xD870] =	vst v5  }
0x1a8: {  	[tilespmem:s13+$0xD860] =	vst v4;
	v4 =	vld [tilespmem:s15+$0x5070]  }
0x1a9: {  	[tilespmem:s13+$0xD840] =	vst v3;
	v3 =	vld [tilespmem:s15+$0x5050]  }
0x1aa: {  	s26 =	sor.u32 $0x4C00, s16;
	[tilespmem:s15+$0xD040] =	vst v7;
	v7 =	vld [tilespmem:s15+$0x5060]  }
0x1ab: {  	s29 =	sor.u32 $0x5420, s18;
	v5 =	vld [tilespmem:s26+$0x1000];
	[tilespmem:s25+$0x9000] =	vst v6  }
0x1ac: {  	[tilespmem:s15+$0xD020] =	vst v10;
	v6 =	vld [tilespmem:s29+$0x1000]  }
0x1ad: {  	s23 =	sand.u32 $0xFFFFE000, s14;
	[tilespmem:s15+$0xD070] =	vst v4  }
0x1ae: {  	s17 =	sadd.s32 $0x100, s23;
	[tilespmem:s15+$0xD050] =	vst v3  }
0x1af: {  	s22 =	sor.u32 $0x4400, s17;
	[tilespmem:s15+$0xD060] =	vst v7  }
0x1b0: {  	s24 =	sor.u32 $0x4C10, s16;
	v3 =	vld [tilespmem:s22+$0x1000];
	[tilespmem:s26+$0x9000] =	vst v5  }
0x1b1: {  	s25 =	sor.u32 $0x5430, s18;
	v4 =	vld [tilespmem:s24+$0x1000];
	[tilespmem:s29+$0x9000] =	vst v6  }
0x1b2: {  	v5 =	vld [tilespmem:s25+$0x1000];
	_ =	sdelay $0x2  }
0x1b3: {  	s26 =	sor.u32 $0x4410, s17;
	[tilespmem:s22+$0x9000] =	vst v3  }
0x1b4: {  	s29 =	sor.u32 $0x4C20, s16;
	[tilespmem:s24+$0x9000] =	vst v4;
	v3 =	vld [tilespmem:s26+$0x1000]  }
0x1b5: {  	s23 =	sor.u32 $0x5440, s18;
	v4 =	vld [tilespmem:s29+$0x1000];
	[tilespmem:s25+$0x9000] =	vst v5  }
0x1b6: {  	v5 =	vld [tilespmem:s23+$0x1000];
	_ =	sdelay $0x2  }
0x1b7: {  	s24 =	sor.u32 $0x4420, s17;
	[tilespmem:s26+$0x9000] =	vst v3  }
0x1b8: {  	s25 =	sor.u32 $0x4C30, s16;
	v3 =	vld [tilespmem:s24+$0x1000];
	[tilespmem:s29+$0x9000] =	vst v4  }
0x1b9: {  	s26 =	sor.u32 $0x5450, s18;
	v4 =	vld [tilespmem:s25+$0x1000];
	[tilespmem:s23+$0x9000] =	vst v5  }
0x1ba: {  	v5 =	vld [tilespmem:s26+$0x1000];
	_ =	sdelay $0x2  }
0x1bb: {  	s29 =	sor.u32 $0x4430, s17;
	[tilespmem:s24+$0x9000] =	vst v3  }
0x1bc: {  	s23 =	sor.u32 $0x4C40, s16;
	v3 =	vld [tilespmem:s29+$0x1000];
	[tilespmem:s25+$0x9000] =	vst v4  }
0x1bd: {  	s24 =	sor.u32 $0x5460, s18;
	v4 =	vld [tilespmem:s23+$0x1000];
	[tilespmem:s26+$0x9000] =	vst v5  }
0x1be: {  	v5 =	vld [tilespmem:s24+$0x1000];
	_ =	sdelay $0x2  }
0x1bf: {  	s25 =	sor.u32 $0x4440, s17;
	[tilespmem:s29+$0x9000] =	vst v3  }
0x1c0: {  	s26 =	sor.u32 $0x4C50, s16;
	v3 =	vld [tilespmem:s25+$0x1000];
	[tilespmem:s23+$0x9000] =	vst v4  }
0x1c1: {  	s18 =	sor.u32 $0x5470, s18;
	v4 =	vld [tilespmem:s26+$0x1000];
	[tilespmem:s24+$0x9000] =	vst v5  }
0x1c2: {  	v5 =	vld [tilespmem:s18+$0x1000];
	_ =	sdelay $0x2  }
0x1c3: {  	s29 =	sor.u32 $0x4450, s17;
	[tilespmem:s25+$0x9000] =	vst v3  }
0x1c4: {  	s22 =	sor.u32 $0x4C60, s16;
	v3 =	vld [tilespmem:s29+$0x1000];
	[tilespmem:s26+$0x9000] =	vst v4  }
0x1c5: {  	v7 =	vld [tilespmem:s22+$0x1000];
	[tilespmem:s18+$0x9000] =	vst v5  }
0x1c6: {  	v6 =	vld [tilespmem:s4+$0x6800]  }
0x1c7: {  	v5 =	vld [tilespmem:s4+$0x6810]  }
0x1c8: {  	v4 =	vld [tilespmem:s4+$0x6820]  }
0x1c9: {  	s21 =	simm.s32 $0xC00;
	s19 =	simm.s32 $0x0;
	s18 =	simm.s32 $0x100;
	[tilespmem:s29+$0x9000] =	vst v3;
	v3 =	vld [tilespmem:s4+$0x6830]  }
.LBB2_9:
0x1ca: {  	p0 =	sne.s32 s21, $0x3C00;
	[tilespmem:s22+$0x9000] =	vst v7;
	v7 =	vld [tilespmem:s4+$0x6840]  }
0x1cb: {  	s20 =	sadd.s32 $0x80, s20;
	[tilespmem:s4+$0xE800] =	vst v6;
	v6 =	vld [tilespmem:s4+$0x6850]  }
0x1cc: {  	s22 =	sand.u32 $0x2000, s21;
	s23 =	sand.u32 $0x380, s20;
	[tilespmem:s4+$0xE810] =	vst v5;
	v5 =	vld [tilespmem:s4+$0x6860]  }
0x1cd: {  	s23 =	sor.u32 s23, s22;
	[tilespmem:s4+$0xE820] =	vst v4;
	v4 =	vld [tilespmem:s4+$0x6870]  }
0x1ce: {  	v8 =	vld [tilespmem:s23+$0x5000];
	[tilespmem:s4+$0xE830] =	vst v3  }
0x1cf: {  	s24 =	sor.u32 $0x4460, s17;
	v3 =	vld [tilespmem:s23+$0x5010];
	[tilespmem:s4+$0xE840] =	vst v7  }
0x1d0: {  	s25 =	sor.u32 $0x4C70, s16;
	v7 =	vld [tilespmem:s24+$0x1000];
	[tilespmem:s4+$0xE850] =	vst v6  }
0x1d1: {  	s22 =	sor.u32 s19, s1;
	s19 =	smov.u32 s11;
	s11 =	smov.u32 s18;
	v6 =	vld [tilespmem:s25+$0x1000];
	[tilespmem:s4+$0xE860] =	vst v5  }
0x1d2: {  	s18 =	smov.u32 s20;
	s26 =	sor.u32 $0x5C00, s22;
	v5 =	vld [tilespmem:s23+$0x5020];
	[tilespmem:s4+$0xE870] =	vst v4;
	s4 =	smov.u32 s13  }
0x1d3: {  	s1 =	smov.u32 s12;
	s13 =	smov.u32 s15;
	s15 =	smov.u32 s23;
	[tilespmem:s23+$0xD000] =	vst v8;
	v4 =	vld [tilespmem:s26+$0x1000]  }
0x1d4: {  	s12 =	smov.u32 s14;
	s14 =	smov.u32 s21;
	[tilespmem:s15+$0xD010] =	vst v3;
	v3 =	vld [tilespmem:s15+$0x5030]  }
0x1d5: {  	s23 =	sor.u32 $0x4470, s17;
	v8 =	vld [tilespmem:s15+$0x5040];
	[tilespmem:s24+$0x9000] =	vst v7  }
0x1d6: {  	v7 =	vld [tilespmem:s23+$0x1000];
	[tilespmem:s25+$0x9000] =	vst v6  }
0x1d7: {  	[tilespmem:s15+$0xD020] =	vst v5;
	v5 =	vld [tilespmem:s4+$0x6000]  }
0x1d8: {  	s24 =	sor.u32 $0x5C10, s22;
	v6 =	vld [tilespmem:s4+$0x6010];
	[tilespmem:s26+$0x9000] =	vst v4  }
0x1d9: {  	[tilespmem:s15+$0xD030] =	vst v3;
	v3 =	vld [tilespmem:s24+$0x1000]  }
0x1da: {  	[tilespmem:s15+$0xD040] =	vst v8;
	v4 =	vld [tilespmem:s4+$0x6020]  }
0x1db: {  	[tilespmem:s23+$0x9000] =	vst v7;
	v7 =	vld [tilespmem:s4+$0x6030]  }
0x1dc: {  	[tilespmem:s4+$0xE000] =	vst v5;
	v5 =	vld [tilespmem:s4+$0x6040]  }
0x1dd: {  	[tilespmem:s4+$0xE010] =	vst v6;
	v6 =	vld [tilespmem:s4+$0x6050]  }
0x1de: {  	s23 =	sor.u32 $0x5C20, s22;
	v8 =	vld [tilespmem:s4+$0x6060];
	[tilespmem:s24+$0x9000] =	vst v3  }
0x1df: {  	[tilespmem:s4+$0xE020] =	vst v4;
	v3 =	vld [tilespmem:s23+$0x1000]  }
0x1e0: {  	[tilespmem:s4+$0xE030] =	vst v7;
	v4 =	vld [tilespmem:s4+$0x6070]  }
0x1e1: {  	v7 =	vld [tilespmem:s13+$0x5800];
	[tilespmem:s4+$0xE040] =	vst v5  }
0x1e2: {  	v5 =	vld [tilespmem:s13+$0x5810];
	[tilespmem:s4+$0xE050] =	vst v6  }
0x1e3: {  	v6 =	vld [tilespmem:s13+$0x5820];
	[tilespmem:s4+$0xE060] =	vst v8  }
0x1e4: {  	v8 =	vld [tilespmem:s13+$0x5830];
	[tilespmem:s23+$0x9000] =	vst v3;
	s23 =	sor.u32 $0x5C30, s22  }
0x1e5: {  	s24 =	sor.u32 $0x5400, s16;
	[tilespmem:s4+$0xE070] =	vst v4;
	v3 =	vld [tilespmem:s23+$0x1000]  }
0x1e6: {  	[tilespmem:s13+$0xD800] =	vst v7;
	v4 =	vld [tilespmem:s24+$0x1000]  }
0x1e7: {  	[tilespmem:s13+$0xD810] =	vst v5;
	v5 =	vld [tilespmem:s13+$0x5840]  }
0x1e8: {  	[tilespmem:s13+$0xD820] =	vst v6;
	v6 =	vld [tilespmem:s13+$0x5850]  }
0x1e9: {  	[tilespmem:s13+$0xD830] =	vst v8;
	v7 =	vld [tilespmem:s13+$0x5860]  }
0x1ea: {  	v8 =	vld [tilespmem:s13+$0x5870];
	[tilespmem:s23+$0x9000] =	vst v3;
	s23 =	sor.u32 $0x5C40, s22  }
0x1eb: {  	[tilespmem:s24+$0x9000] =	vst v4;
	s24 =	sor.u32 $0x5410, s16;
	v3 =	vld [tilespmem:s23+$0x1000]  }
0x1ec: {  	[tilespmem:s13+$0xD840] =	vst v5;
	v4 =	vld [tilespmem:s24+$0x1000]  }
0x1ed: {  	v5 =	vld [tilespmem:s15+$0x5050];
	[tilespmem:s13+$0xD850] =	vst v6  }
0x1ee: {  	v6 =	vld [tilespmem:s15+$0x5060];
	[tilespmem:s13+$0xD860] =	vst v7  }
0x1ef: {  	s25 =	sor.u32 $0x4C00, s17;
	v7 =	vld [tilespmem:s15+$0x5070];
	[tilespmem:s13+$0xD870] =	vst v8  }
0x1f0: {  	s26 =	sor.u32 $0x5C50, s22;
	v8 =	vld [tilespmem:s25+$0x1000];
	[tilespmem:s23+$0x9000] =	vst v3  }
0x1f1: {  	[tilespmem:s24+$0x9000] =	vst v4;
	s24 =	sor.u32 $0x5420, s16;
	v3 =	vld [tilespmem:s26+$0x1000]  }
0x1f2: {  	s23 =	sand.u32 $0xFFFFE000, s21;
	[tilespmem:s15+$0xD050] =	vst v5;
	v4 =	vld [tilespmem:s24+$0x1000]  }
0x1f3: {  	s23 =	sadd.s32 s23, s20;
	[tilespmem:s15+$0xD060] =	vst v6  }
0x1f4: {  	s29 =	sor.u32 $0x4400, s23;
	[tilespmem:s15+$0xD070] =	vst v7  }
0x1f5: {  	v5 =	vld [tilespmem:s29+$0x1000];
	[tilespmem:s25+$0x9000] =	vst v8;
	s25 =	sor.u32 $0x4C10, s17  }
0x1f6: {  	s22 =	sor.u32 $0x5C60, s22;
	v6 =	vld [tilespmem:s25+$0x1000];
	[tilespmem:s26+$0x9000] =	vst v3  }
0x1f7: {  	[tilespmem:s24+$0x9000] =	vst v4;
	s24 =	sor.u32 $0x5430, s16;
	v3 =	vld.msk [tilespmem:s22+$0x1000], $0x7f  }
0x1f8: {  	v4 =	vld [tilespmem:s24+$0x1000];
	_ =	sdelay $0x1  }
0x1f9: {  	[tilespmem:s29+$0x9000] =	vst v5  }
0x1fa: {  	s26 =	sor.u32 $0x4410, s23;
	[tilespmem:s25+$0x9000] =	vst v6  }
0x1fb: {  	s25 =	sor.u32 $0x4C20, s17;
	v5 =	vld [tilespmem:s26+$0x1000];
	[tilespmem:s22+$0x9000] =	vst.msk $0x7f, v3  }
0x1fc: {  	s22 =	sor.u32 $0x5440, s16;
	v3 =	vld [tilespmem:s25+$0x1000];
	[tilespmem:s24+$0x9000] =	vst v4  }
0x1fd: {  	v4 =	vld [tilespmem:s22+$0x1000];
	_ =	sdelay $0x2  }
0x1fe: {  	s24 =	sor.u32 $0x4420, s23;
	[tilespmem:s26+$0x9000] =	vst v5  }
0x1ff: {  	v5 =	vld [tilespmem:s24+$0x1000];
	[tilespmem:s25+$0x9000] =	vst v3;
	s25 =	sor.u32 $0x4C30, s17  }
0x200: {  	v3 =	vld [tilespmem:s25+$0x1000];
	[tilespmem:s22+$0x9000] =	vst v4;
	s22 =	sor.u32 $0x5450, s16  }
0x201: {  	v4 =	vld [tilespmem:s22+$0x1000];
	_ =	sdelay $0x2  }
0x202: {  	[tilespmem:s24+$0x9000] =	vst v5;
	s24 =	sor.u32 $0x4430, s23  }
0x203: {  	v5 =	vld [tilespmem:s24+$0x1000];
	[tilespmem:s25+$0x9000] =	vst v3;
	s25 =	sor.u32 $0x4C40, s17  }
0x204: {  	v3 =	vld [tilespmem:s25+$0x1000];
	[tilespmem:s22+$0x9000] =	vst v4;
	s22 =	sor.u32 $0x5460, s16  }
0x205: {  	v4 =	vld [tilespmem:s22+$0x1000];
	_ =	sdelay $0x2  }
0x206: {  	[tilespmem:s24+$0x9000] =	vst v5;
	s24 =	sor.u32 $0x4440, s23  }
0x207: {  	v5 =	vld [tilespmem:s24+$0x1000];
	[tilespmem:s25+$0x9000] =	vst v3;
	s25 =	sor.u32 $0x4C50, s17  }
0x208: {  	s26 =	sor.u32 $0x5470, s16;
	s16 =	smov.u32 s17;
	s17 =	smov.u32 s23;
	v3 =	vld [tilespmem:s25+$0x1000];
	[tilespmem:s22+$0x9000] =	vst v4  }
0x209: {  	v4 =	vld [tilespmem:s26+$0x1000];
	_ =	sdelay $0x2  }
0x20a: {  	s23 =	sor.u32 $0x4450, s17;
	[tilespmem:s24+$0x9000] =	vst v5  }
0x20b: {  	s22 =	sor.u32 $0x4C60, s16;
	v8 =	vld [tilespmem:s23+$0x1000];
	[tilespmem:s25+$0x9000] =	vst v3  }
.Ltmp6:
0x20c: {  	v7 =	vld [tilespmem:s22+$0x1000];
	[tilespmem:s26+$0x9000] =	vst v4;
	(pc) =	sbr.rel @p0 .LBB2_9-.Ltmp6, $4  }
0x20d: {  	v6 =	vld [tilespmem:s4+$0x6800]  }
0x20e: {  	v5 =	vld [tilespmem:s4+$0x6810]  }
0x20f: {  	v4 =	vld [tilespmem:s4+$0x6820]  }
0x210: {  	s21 =	sadd.s32 $0x400, s21;
	[tilespmem:s23+$0x9000] =	vst v8;
	v3 =	vld [tilespmem:s4+$0x6830]  }
0x211: {  	s20 =	sor.u32 $0x4460, s17  }
0x212: {  	v8 =	vld [tilespmem:s20+$0x1000];
	_ =	sdelay $0x4  }
0x213: {  	s21 =	sor.u32 $0x4470, s17;
	[tilespmem:s20+$0x9000] =	vst v8  }
0x214: {  	v8 =	vld [tilespmem:s21+$0x1000];
	_ =	sdelay $0x4  }
0x215: {  	[tilespmem:s21+$0x9000] =	vst v8  }
0x216: {  	v8 =	vld [tilespmem:s15+$0x5800]  }
0x217: {  	v9 =	vld [tilespmem:s15+$0x5810]  }
0x218: {  	v10 =	vld [tilespmem:s15+$0x5820]  }
0x219: {  	v11 =	vld [tilespmem:s15+$0x5830]  }
0x21a: {  	v28 =	vld [tilespmem:s15+$0x5840]  }
0x21b: {  	v29 =	vld [tilespmem:s15+$0x5850];
	[tilespmem:s15+$0xD800] =	vst v8  }
0x21c: {  	v30 =	vld [tilespmem:s15+$0x5860];
	[tilespmem:s15+$0xD810] =	vst v9  }
0x21d: {  	v31 =	vld [tilespmem:s15+$0x5870];
	[tilespmem:s15+$0xD820] =	vst v10  }
0x21e: {  	[tilespmem:s15+$0xD830] =	vst v11  }
0x21f: {  	[tilespmem:s15+$0xD840] =	vst v28  }
0x220: {  	[tilespmem:s15+$0xD850] =	vst v29  }
0x221: {  	[tilespmem:s15+$0xD860] =	vst v30  }
0x222: {  	s23 =	sor.u32 $0x4C00, s17;
	[tilespmem:s15+$0xD870] =	vst v31  }
0x223: {  	v8 =	vld [tilespmem:s23+$0x1000];
	_ =	sdelay $0x4  }
0x224: {  	s24 =	sor.u32 $0x4C10, s17;
	[tilespmem:s23+$0x9000] =	vst v8  }
0x225: {  	v8 =	vld [tilespmem:s24+$0x1000];
	_ =	sdelay $0x4  }
0x226: {  	s25 =	sor.u32 $0x4C20, s17;
	[tilespmem:s24+$0x9000] =	vst v8  }
0x227: {  	v8 =	vld [tilespmem:s25+$0x1000];
	_ =	sdelay $0x4  }
0x228: {  	s26 =	sor.u32 $0x4C30, s17;
	[tilespmem:s25+$0x9000] =	vst v8  }
0x229: {  	v8 =	vld [tilespmem:s26+$0x1000];
	_ =	sdelay $0x4  }
0x22a: {  	s29 =	sor.u32 $0x4C40, s17;
	[tilespmem:s26+$0x9000] =	vst v8  }
0x22b: {  	v8 =	vld [tilespmem:s29+$0x1000];
	_ =	sdelay $0x1  }
0x22c: {  	[tilespmem:s22+$0x9000] =	vst v7;
	s21 =	sor.u32 $0x4C70, s16  }
0x22d: {  	v7 =	vld [tilespmem:s21+$0x1000];
	_ =	sdelay $0x1  }
0x22e: {  	s22 =	sor.u32 $0x4C50, s17;
	[tilespmem:s29+$0x9000] =	vst v8  }
0x22f: {  	v8 =	vld [tilespmem:s22+$0x1000];
	_ =	sdelay $0x1  }
0x230: {  	[tilespmem:s21+$0x9000] =	vst v7  }
0x231: {  	v7 =	vld [tilespmem:s13+$0x6000]  }
0x232: {  	v32 =	vld [tilespmem:s13+$0x6010]  }
0x233: {  	v33 =	vld [tilespmem:s13+$0x6020];
	s23 =	sor.u32 $0x4C60, s17;
	[tilespmem:s22+$0x9000] =	vst v8  }
0x234: {  	v8 =	vld [tilespmem:s23+$0x1000]  }
0x235: {  	v34 =	vld [tilespmem:s13+$0x6030]  }
0x236: {  	v35 =	vld [tilespmem:s13+$0x6040];
	[tilespmem:s13+$0xE000] =	vst v7  }
0x237: {  	v36 =	vld [tilespmem:s13+$0x6050];
	[tilespmem:s13+$0xE010] =	vst v32  }
0x238: {  	v12 =	vld [tilespmem:s13+$0x6060];
	[tilespmem:s13+$0xE020] =	vst v33  }
0x239: {  	v37 =	vld [tilespmem:s13+$0x6070];
	s24 =	sor.u32 $0x4C70, s17;
	[tilespmem:s23+$0x9000] =	vst v8  }
0x23a: {  	[tilespmem:s13+$0xE030] =	vst v34;
	v8 =	vld [tilespmem:s24+$0x1000]  }
0x23b: {  	[tilespmem:s13+$0xE040] =	vst v35  }
0x23c: {  	[tilespmem:s13+$0xE050] =	vst v36  }
0x23d: {  	[tilespmem:s13+$0xE060] =	vst v12  }
0x23e: {  	[tilespmem:s13+$0xE070] =	vst v37;
	s25 =	sor.u32 $0x5400, s16  }
0x23f: {  	v10 =	vld [tilespmem:s25+$0x1000];
	[tilespmem:s24+$0x9000] =	vst v8  }
0x240: {  	v8 =	vld [tilespmem:s15+$0x6000]  }
0x241: {  	v38 =	vld [tilespmem:s15+$0x6010]  }
0x242: {  	v39 =	vld [tilespmem:s15+$0x6020]  }
0x243: {  	v40 =	vld [tilespmem:s15+$0x6030]  }
0x244: {  	[tilespmem:s25+$0x9000] =	vst v10;
	v41 =	vld [tilespmem:s15+$0x6040]  }
0x245: {  	v42 =	vld [tilespmem:s15+$0x6050];
	[tilespmem:s15+$0xE000] =	vst v8  }
0x246: {  	v43 =	vld [tilespmem:s15+$0x6060];
	[tilespmem:s15+$0xE010] =	vst v38  }
0x247: {  	v44 =	vld [tilespmem:s15+$0x6070];
	[tilespmem:s15+$0xE020] =	vst v39  }
0x248: {  	[tilespmem:s15+$0xE030] =	vst v40  }
0x249: {  	s26 =	sor.u32 $0x5410, s16;
	[tilespmem:s15+$0xE040] =	vst v41  }
0x24a: {  	v10 =	vld [tilespmem:s26+$0x1000];
	[tilespmem:s15+$0xE050] =	vst v42  }
0x24b: {  	[tilespmem:s15+$0xE060] =	vst v43  }
0x24c: {  	s29 =	sor.u32 $0x5400, s17;
	[tilespmem:s15+$0xE070] =	vst v44  }
0x24d: {  	v7 =	vld [tilespmem:s29+$0x1000];
	_ =	sdelay $0x1  }
0x24e: {  	[tilespmem:s26+$0x9000] =	vst v10;
	s22 =	sor.u32 $0x5420, s16  }
0x24f: {  	v45 =	vld [tilespmem:s22+$0x1000];
	_ =	sdelay $0x1  }
0x250: {  	s23 =	sor.u32 $0x5410, s17;
	[tilespmem:s29+$0x9000] =	vst v7  }
0x251: {  	v7 =	vld [tilespmem:s23+$0x1000];
	_ =	sdelay $0x1  }
0x252: {  	[tilespmem:s22+$0x9000] =	vst v45;
	s24 =	sor.u32 $0x5430, s16  }
0x253: {  	v8 =	vld [tilespmem:s24+$0x1000];
	_ =	sdelay $0x1  }
0x254: {  	s25 =	sor.u32 $0x5420, s17;
	[tilespmem:s23+$0x9000] =	vst v7  }
0x255: {  	v7 =	vld [tilespmem:s25+$0x1000];
	_ =	sdelay $0x1  }
0x256: {  	s26 =	sor.u32 $0x5440, s16;
	[tilespmem:s24+$0x9000] =	vst v8  }
0x257: {  	v8 =	vld [tilespmem:s26+$0x1000];
	_ =	sdelay $0x1  }
0x258: {  	s29 =	sor.u32 $0x5430, s17;
	[tilespmem:s25+$0x9000] =	vst v7  }
0x259: {  	v7 =	vld [tilespmem:s29+$0x1000];
	_ =	sdelay $0x1  }
0x25a: {  	s22 =	sor.u32 $0x5450, s16;
	[tilespmem:s26+$0x9000] =	vst v8  }
0x25b: {  	v8 =	vld [tilespmem:s22+$0x1000];
	_ =	sdelay $0x1  }
0x25c: {  	s23 =	sor.u32 $0x5440, s17;
	[tilespmem:s29+$0x9000] =	vst v7  }
0x25d: {  	v7 =	vld [tilespmem:s23+$0x1000];
	_ =	sdelay $0x1  }
0x25e: {  	s24 =	sor.u32 $0x5460, s16;
	[tilespmem:s22+$0x9000] =	vst v8  }
0x25f: {  	v8 =	vld [tilespmem:s24+$0x1000];
	_ =	sdelay $0x1  }
0x260: {  	s25 =	sor.u32 $0x5450, s17;
	[tilespmem:s23+$0x9000] =	vst v7  }
0x261: {  	v7 =	vld [tilespmem:s25+$0x1000];
	_ =	sdelay $0x1  }
0x262: {  	s26 =	sor.u32 $0x5470, s16;
	[tilespmem:s24+$0x9000] =	vst v8  }
0x263: {  	[tilespmem:s4+$0xE800] =	vst v6;
	v8 =	vld [tilespmem:s26+$0x1000]  }
0x264: {  	v46 =	vld [tilespmem:s4+$0x6840];
	[tilespmem:s4+$0xE810] =	vst v5  }
0x265: {  	v47 =	vld [tilespmem:s4+$0x6850];
	s29 =	sor.u32 $0x5460, s17;
	[tilespmem:s25+$0x9000] =	vst v7  }
0x266: {  	[tilespmem:s4+$0xE820] =	vst v4;
	v7 =	vld [tilespmem:s29+$0x1000]  }
0x267: {  	v48 =	vld [tilespmem:s4+$0x6860];
	[tilespmem:s4+$0xE830] =	vst v3  }
0x268: {  	v49 =	vld [tilespmem:s4+$0x6870];
	[tilespmem:s26+$0x9000] =	vst v8  }
0x269: {  	[tilespmem:s4+$0xE840] =	vst v46;
	v8 =	vld [tilespmem:s13+$0x6800]  }
0x26a: {  	[tilespmem:s4+$0xE850] =	vst v47;
	v10 =	vld [tilespmem:s13+$0x6810]  }
0x26b: {  	s21 =	sor.u32 $0x5470, s17;
	v50 =	vld [tilespmem:s13+$0x6820];
	[tilespmem:s29+$0x9000] =	vst v7  }
0x26c: {  	[tilespmem:s4+$0xE860] =	vst v48;
	v53 =	vld [tilespmem:s21+$0x1000]  }
0x26d: {  	[tilespmem:s4+$0xE870] =	vst v49;
	v51 =	vld [tilespmem:s13+$0x6830]  }
0x26e: {  	v52 =	vld [tilespmem:s13+$0x6840];
	[tilespmem:s13+$0xE800] =	vst v8  }
0x26f: {  	v3 =	vld [tilespmem:s13+$0x6850];
	[tilespmem:s13+$0xE810] =	vst v10  }
0x270: {  	v54 =	vld [tilespmem:s13+$0x6860];
	[tilespmem:s13+$0xE820] =	vst v50  }
0x271: {  	v55 =	vld [tilespmem:s13+$0x6870];
	[tilespmem:s21+$0x9000] =	vst v53  }
0x272: {  	[tilespmem:s13+$0xE830] =	vst v51;
	v56 =	vld [tilespmem:s15+$0x6800]  }
0x273: {  	[tilespmem:s13+$0xE840] =	vst v52;
	v57 =	vld [tilespmem:s15+$0x6810]  }
0x274: {  	[tilespmem:s13+$0xE850] =	vst v3;
	v58 =	vld [tilespmem:s15+$0x6820]  }
0x275: {  	[tilespmem:s13+$0xE860] =	vst v54;
	v59 =	vld [tilespmem:s15+$0x6830]  }
0x276: {  	[tilespmem:s13+$0xE870] =	vst v55;
	v60 =	vld [tilespmem:s15+$0x6840]  }
0x277: {  	v3 =	vld [tilespmem:s15+$0x6850];
	[tilespmem:s15+$0xE800] =	vst v56  }
0x278: {  	v61 =	vld [tilespmem:s15+$0x6860];
	[tilespmem:s15+$0xE810] =	vst v57  }
0x279: {  	v62 =	vld [tilespmem:s15+$0x6870];
	[tilespmem:s15+$0xE820] =	vst v58  }
0x27a: {  	[tilespmem:s15+$0xE830] =	vst v59  }
0x27b: {  	s11 =	sor.u32 s11, s12;
	[tilespmem:s15+$0xE840] =	vst v60  }
0x27c: {  	s1 =	sor.u32 s19, s1;
	s12 =	sor.u32 $0x5C00, s11;
	[tilespmem:s15+$0xE850] =	vst v3  }
0x27d: {  	s22 =	sor.u32 $0x5C00, s1;
	s13 =	sor.u32 s18, s14;
	v63 =	vld [tilespmem:s12+$0x1000];
	[tilespmem:s15+$0xE860] =	vst v61  }
0x27e: {  	s14 =	sor.u32 $0x5C00, s13;
	v3 =	vld [tilespmem:s22+$0x1000];
	[tilespmem:s15+$0xE870] =	vst v62  }
0x27f: {  	v4 =	vld [tilespmem:s14+$0x1000];
	_ =	sdelay $0x2  }
0x280: {  	s24 =	sor.u32 $0x5C10, s11;
	[tilespmem:s12+$0x9000] =	vst v63  }
0x281: {  	s23 =	sor.u32 $0x5C10, s1;
	v5 =	vld [tilespmem:s24+$0x1000];
	[tilespmem:s22+$0x9000] =	vst v3  }
0x282: {  	s25 =	sor.u32 $0x5C10, s13;
	v3 =	vld [tilespmem:s23+$0x1000];
	[tilespmem:s14+$0x9000] =	vst v4  }
0x283: {  	v4 =	vld [tilespmem:s25+$0x1000];
	_ =	sdelay $0x2  }
0x284: {  	s29 =	sor.u32 $0x5C20, s11;
	[tilespmem:s24+$0x9000] =	vst v5  }
0x285: {  	s26 =	sor.u32 $0x5C20, s1;
	v5 =	vld [tilespmem:s29+$0x1000];
	[tilespmem:s23+$0x9000] =	vst v3  }
0x286: {  	s15 =	sor.u32 $0x5C20, s13;
	v3 =	vld [tilespmem:s26+$0x1000];
	[tilespmem:s25+$0x9000] =	vst v4  }
0x287: {  	v4 =	vld [tilespmem:s15+$0x1000];
	_ =	sdelay $0x2  }
0x288: {  	s17 =	sor.u32 $0x5C30, s11;
	[tilespmem:s29+$0x9000] =	vst v5  }
0x289: {  	s16 =	sor.u32 $0x5C30, s1;
	v5 =	vld [tilespmem:s17+$0x1000];
	[tilespmem:s26+$0x9000] =	vst v3  }
0x28a: {  	s18 =	sor.u32 $0x5C30, s13;
	v3 =	vld [tilespmem:s16+$0x1000];
	[tilespmem:s15+$0x9000] =	vst v4  }
0x28b: {  	v4 =	vld [tilespmem:s18+$0x1000];
	_ =	sdelay $0x2  }
0x28c: {  	s20 =	sor.u32 $0x5C40, s11;
	[tilespmem:s17+$0x9000] =	vst v5  }
0x28d: {  	s19 =	sor.u32 $0x5C40, s1;
	v5 =	vld [tilespmem:s20+$0x1000];
	[tilespmem:s16+$0x9000] =	vst v3  }
0x28e: {  	s21 =	sor.u32 $0x5C40, s13;
	v3 =	vld [tilespmem:s19+$0x1000];
	[tilespmem:s18+$0x9000] =	vst v4  }
0x28f: {  	v4 =	vld [tilespmem:s21+$0x1000];
	_ =	sdelay $0x2  }
0x290: {  	[tilespmem:s20+$0x9000] =	vst v5;
	s23 =	sor.u32 $0x5C50, s11  }
0x291: {  	s22 =	sor.u32 $0x5C50, s1;
	v5 =	vld [tilespmem:s23+$0x1000];
	[tilespmem:s19+$0x9000] =	vst v3  }
0x292: {  	s24 =	sor.u32 $0x5C50, s13;
	v3 =	vld [tilespmem:s22+$0x1000];
	[tilespmem:s21+$0x9000] =	vst v4  }
0x293: {  	v4 =	vld [tilespmem:s24+$0x1000];
	_ =	sdelay $0x2  }
0x294: {  	s25 =	sor.u32 $0x5C60, s11;
	[tilespmem:s23+$0x9000] =	vst v5  }
0x295: {  	s1 =	sor.u32 $0x5C60, s1;
	v5 =	vld.msk [tilespmem:s25+$0x1000], $0x7f;
	[tilespmem:s22+$0x9000] =	vst v3  }
0x296: {  	s26 =	sor.u32 $0x5C60, s13;
	v3 =	vld.msk [tilespmem:s1+$0x1000], $0x7f;
	[tilespmem:s24+$0x9000] =	vst v4  }
0x297: {  	v4 =	vld.msk [tilespmem:s26+$0x1000], $0x7f  }
0x298: {  	p0 =	seq.s32 s9, $0xF  }
.Ltmp7:
0x299: {  	_ = 	snop;
	(pc) =	sbr.rel @p0 .LBB2_12-.Ltmp7, $4  }
0x29a: {  	[tilespmem:s25+$0x9000] =	vst.msk $0x7f, v5  }
0x29b: {  	[tilespmem:s1+$0x9000] =	vst.msk $0x7f, v3  }
0x29c: {  	s29 =	sadd.s32 $0x800, s10;
	[tilespmem:s26+$0x9000] =	vst.msk $0x7f, v4  }
0x29d: {  	[hbm4b:s29+s3] =	stream.linear.scatter [tilespmem:s0], [sflag:$0x4], $0x4000, $0x38;
	[tilespmem:$0x11000] =	vst v63  }
0x29e: {  	s1 =	sshll.u32 s9, $0x8  }
0x29f: {  	s1 =	sand.u32 $0x3FFFFF00, s1  }
0x2a0: {  	v3 =	vld [tilespmem:s1+$0x180];
	_ =	sdelay $0x4  }
0x2a1: {  	v4 =	vshll.u32 v3, $0x3  }
0x2a2: {  	v3 =	vand.u32 $0x7, v3;
	v4 =	vand.u32 $0xFFFFFFC0, v4  }
0x2a3: {  	v3 =	vor.u32 v3, v4  }
0x2a4: {  	v4 =	vperm.xlane v3, v0;
	_ =	sdelay $0x1  }
0x2a5: {  	v4 =	vadd.s32 v1, v4;
	_ =	sdelay $0x3  }
0x2a6: {  	s20 =	simm.s32 $0x5000  }
0x2a7: {  	[tilespmem:s20], [sflag:$0x2] =	stream.indirect_vreg.gather [hbm4b:s2+s3], $0x80, v4, vm0, $0xb8;
	[tilespmem:$0x11000] =	vst v63  }
0x2a8: {  	s21 =	simm.s32 $0x5800;
	v3 =	vperm.xlane v3, v2  }
0x2a9: {  	[tilespmem:s21], [sflag:$0x2] =	stream.indirect_vreg.gather [hbm4b:s5+s3], $0x80, v4, vm0, $0xb8;
	[tilespmem:$0x11000] =	vst v63  }
0x2aa: {  	s22 =	simm.s32 $0x6000;
	v3 =	vadd.s32 v1, v3  }
0x2ab: {  	[tilespmem:s22], [sflag:$0x2] =	stream.indirect_vreg.gather [hbm4b:s6+s3], $0x80, v4, vm0, $0xb8;
	[tilespmem:$0x11000] =	vst v63  }
0x2ac: {  	s23 =	simm.s32 $0x6800  }
0x2ad: {  	[tilespmem:s23], [sflag:$0x2] =	stream.indirect_vreg.gather [hbm4b:s7+s3], $0x80, v4, vm0, $0xb8;
	[tilespmem:$0x11000] =	vst v63  }
0x2ae: {  	s24 =	simm.s32 $0x7000  }
0x2af: {  	[tilespmem:s24], [sflag:$0x2] =	stream.indirect_vreg.gather [hbm4b:s2+s3], $0x80, v3, vm0, $0xb8;
	[tilespmem:$0x11000] =	vst v63  }
0x2b0: {  	s25 =	simm.s32 $0x7800  }
0x2b1: {  	[tilespmem:s25], [sflag:$0x2] =	stream.indirect_vreg.gather [hbm4b:s5+s3], $0x80, v3, vm0, $0xb8;
	[tilespmem:$0x11000] =	vst v63  }
.Ltmp8:
0x2b2: {  	_ = 	snop;
	(pc) =	sbr.rel .LBB2_2-.Ltmp8, $4  }
0x2b3: {  	s26 =	simm.s32 $0x8000  }
0x2b4: {  	[tilespmem:s26], [sflag:$0x2] =	stream.indirect_vreg.gather [hbm4b:s6+s3], $0x80, v3, vm0, $0xb8;
	[tilespmem:$0x11000] =	vst v63  }
0x2b5: {  	s29 =	simm.s32 $0x8800;
	s9 =	sadd.s32 $0x1, s9  }
0x2b6: {  	[tilespmem:s29], [sflag:$0x2] =	stream.indirect_vreg.gather [hbm4b:s7+s3], $0x80, v3, vm0, $0xb8;
	[tilespmem:$0x11000] =	vst v63  }
.LBB2_13:
0x2b7: {  	_ =	sfence.sel $0x180000  }
0x2b8: {  	[bflag:$0x0] =	sbarrier.arrive $0xFFFF  }
0x2b9: {  	_ =	strace $0x90000047  }
0x2ba: {  	s0 =	stileid.u32;
	[bflag:$0x2] =	sbarrier.arrive $0xFFFF  }
0x2bb: {  	p0 =	sne.s32 s0, $0x0;
	s0 =	rddreg [dreg:$0x3]  }
0x2bc: {  	s0 =	sadd.s32 @!p0 $0x100000, s0  }
0x2bd: {  	[sflag:s0] =	ssyncadd.tile.s32 @!p0 $0x1;
	_ =	shalt  }
.Lfunc_end2:
_tile_overlayer_lowered:
.L_overlay_start_2:
0x2be: {  	(tag) =	ssettag $0x2  }
0x2bf: {  	s0 =	rddreg [dreg:$0x0];
	s2 =	stileid.u32  }
0x2c0: {  	s1 =	rddreg [dreg:$0x1];
	p0 =	sne.s32 s2, $0x0  }
0x2c1: {  	s3 =	rddreg [dreg:$0x2];
	[bflag:$0x3] =	sbarrier.arrive $0xFFFF;
	s2 =	simm.s32 @!p0 $0x1C05  }
0x2c2: {  	[timem:s3], [sflag:s2] =	dma.local @!p0 [hbm:s0], s1  }
0x2c3: {  	s0 =	simm.s32 @!p0 $0x5  }
0x2c4: {  	_ =	swait.ge @!p0 [sflag:s0], s1  }
0x2c5: {  	s1 =	ssub.s32 @!p0 $0x0, s1;
	[sflag:s0] =	ssyncset.done @!p0 $0x0  }
0x2c6: {  	[sflag:s0] =	ssyncadd.s32 @!p0 s1  }
0x2c7: {  	[bflag:$0x3] =	sbarrier.arrive $0xFFFF  }
0x2c8: {  	_ =	shalt  }

</sc_bundles>
